<compile_context>
chip_gen: v7x
topology: tpu7x:2x2x1
jax: 0.10.2.dev20260603
libtpu: 0.0.44.dev20260713+nightly
codegen_flags: <defaults>
</compile_context>

<pallas_src>
import functools

import jax
import jax.numpy as jnp
from jax import lax
from jax.experimental import pallas as pl
from jax.experimental.pallas import tpu as pltpu
from jax.experimental.pallas import tpu_sc as plsc

H = 1024
NV = H // 16
CH = 16
EPS = 1e-12


def _tc_stats_kernel(pos_ref, a_ref, b_ref, pa_ref, sp_ref, mu_ref, rs_ref,
                     sq_pos_ref, sq_a_ref, sq_b_ref,
                     c_pa_ref, c_pb_ref, c_ab_ref):
    gb = pa_ref.shape[1]
    na = a_ref.shape[0]

    @pl.when(pl.program_id(0) == 0)
    def _():
        pos = pos_ref[...]
        at = a_ref[...]
        bt = b_ref[...]
        sq_pos_ref[0, :] = jnp.sum(pos, axis=1)
        sq_pos_ref[1, :] = jnp.sum(pos * pos, axis=1)
        sq_a_ref[0, :] = jnp.sum(at, axis=1)
        sq_a_ref[1, :] = jnp.sum(at * at, axis=1)
        sq_b_ref[0, :] = jnp.sum(bt, axis=1)
        sq_b_ref[1, :] = jnp.sum(bt * bt, axis=1)
        dims = (((1,), (1,)), ((), ()))
        c_pa_ref[...] = lax.dot_general(pos, at, dims,
                                        preferred_element_type=jnp.float32)
        c_pb_ref[...] = lax.dot_general(pos, bt, dims,
                                        preferred_element_type=jnp.float32)
        c_ab_ref[...] = lax.dot_general(at, bt, dims,
                                        preferred_element_type=jnp.float32)

    iota_a = lax.broadcasted_iota(jnp.int32, (1, na), 1)
    cdot = (((1,), (0,)), ((), ()))
    dims = (((1,), (1,)), ((), ()))

    def batch_body(j, carry):
        pa_f = pa_ref[0, j, :]
        sp_f = sp_ref[0, j, :]
        oha = (pa_f[:, None] == iota_a).astype(jnp.float32)
        ohb = (sp_f[:, None] == iota_a).astype(jnp.float32)
        s_ab = (lax.dot_general(oha, sq_a_ref[0, :], cdot,
                                preferred_element_type=jnp.float32)
                + lax.dot_general(ohb, sq_b_ref[0, :], cdot,
                                  preferred_element_type=jnp.float32))
        q_ab = (lax.dot_general(oha, sq_a_ref[1, :], cdot,
                                preferred_element_type=jnp.float32)
                + lax.dot_general(ohb, sq_b_ref[1, :], cdot,
                                  preferred_element_type=jnp.float32))
        t_pa = jnp.sum(oha * c_pa_ref[...], axis=1)
        t_pb = jnp.sum(ohb * c_pb_ref[...], axis=1)
        d = lax.dot_general(ohb, c_ab_ref[...], dims,
                            preferred_element_type=jnp.float32)
        t_ab = jnp.sum(oha * d, axis=1)
        mu = (sq_pos_ref[0, :] + s_ab) * (1.0 / H)
        ex2 = (sq_pos_ref[1, :] + q_ab
               + 2.0 * (t_pa + t_pb + t_ab)) * (1.0 / H)
        var = ex2 - mu * mu
        mu_ref[0, j, :] = mu
        rs_ref[0, j, :] = lax.rsqrt(var + EPS)
        return carry

    lax.fori_loop(0, gb, batch_body, 0)


def _tc_stats(pos_table, a_table, b_table, pa, sp):
    n_batch, n_sent = pa.shape
    n_pos = pos_table.shape[0]
    na = a_table.shape[0]
    gb = 8
    full2 = lambda shape: pl.BlockSpec(shape, lambda i: (0, 0))
    mu3, rs3 = pl.pallas_call(
        _tc_stats_kernel,
        grid=(n_batch // gb,),
        in_specs=[
            full2(pos_table.shape),
            full2(a_table.shape),
            full2(b_table.shape),
            pl.BlockSpec((1, gb, n_sent), lambda i: (i, 0, 0)),
            pl.BlockSpec((1, gb, n_sent), lambda i: (i, 0, 0)),
        ],
        out_specs=(
            pl.BlockSpec((1, gb, n_sent), lambda i: (i, 0, 0)),
            pl.BlockSpec((1, gb, n_sent), lambda i: (i, 0, 0)),
        ),
        out_shape=(
            jax.ShapeDtypeStruct((n_batch // gb, gb, n_sent), jnp.float32),
            jax.ShapeDtypeStruct((n_batch // gb, gb, n_sent), jnp.float32),
        ),
        scratch_shapes=[
            pltpu.VMEM((2, n_pos), jnp.float32),
            pltpu.VMEM((2, na), jnp.float32),
            pltpu.VMEM((2, na), jnp.float32),
            pltpu.VMEM((n_pos, na), jnp.float32),
            pltpu.VMEM((n_pos, na), jnp.float32),
            pltpu.VMEM((na, na), jnp.float32),
        ],
    )(pos_table, a_table, b_table,
      pa.reshape(n_batch // gb, gb, n_sent),
      sp.reshape(n_batch // gb, gb, n_sent))
    return mu3.reshape(n_batch, n_sent), rs3.reshape(n_batch, n_sent)


def _make_sc_call(n_rows, rows_per_worker):
    n_chunks = rows_per_worker // CH
    chunks_per_batch = 512 // CH
    n_groups = n_chunks // 2
    assert n_groups == chunks_per_batch
    mesh = plsc.VectorSubcoreMesh(core_axis_name="c", subcore_axis_name="s")

    @functools.partial(
        pl.kernel,
        mesh=mesh,
        out_type=jax.ShapeDtypeStruct((n_rows, H), jnp.float32),
        scratch_types=[
            pltpu.VMEM((rows_per_worker,), jnp.int32),
            pltpu.VMEM((rows_per_worker,), jnp.int32),
            pltpu.VMEM((rows_per_worker,), jnp.float32),
            pltpu.VMEM((rows_per_worker,), jnp.float32),
            pltpu.VMEM((CH, H), jnp.float32),
            pltpu.VMEM((CH, H), jnp.float32),
            pltpu.VMEM((CH, H), jnp.float32),
            pltpu.VMEM((CH, H), jnp.float32),
            pltpu.VMEM((CH, H), jnp.float32),
            pltpu.VMEM((CH, H), jnp.float32),
            pltpu.VMEM((CH, H), jnp.float32),
            pltpu.VMEM((H,), jnp.float32),
            pltpu.VMEM((H,), jnp.float32),
            pltpu.SemaphoreType.DMA,
            pltpu.SemaphoreType.DMA,
            pltpu.SemaphoreType.DMA,
            pltpu.SemaphoreType.DMA,
            pltpu.SemaphoreType.DMA,
            pltpu.SemaphoreType.DMA,
            pltpu.SemaphoreType.DMA,
        ],
    )
    def sc_call(pa_hbm, sp_hbm, pos_hbm, a_hbm, b_hbm, w_hbm, bias_hbm,
                mu_hbm, rs_hbm, out_hbm,
                pa_v, sp_v, mu_v, rs_v, a0, a1, b0, b1, posb, o0, o1,
                w_v, bias_v, sa0, sa1, sb0, sb1, so0, so1, spos):
        wid = lax.axis_index("s") * 2 + lax.axis_index("c")
        base = wid * rows_per_worker
        pltpu.sync_copy(pa_hbm.at[pl.ds(base, rows_per_worker)], pa_v)
        pltpu.sync_copy(sp_hbm.at[pl.ds(base, rows_per_worker)], sp_v)
        pltpu.sync_copy(mu_hbm.at[pl.ds(base, rows_per_worker)], mu_v)
        pltpu.sync_copy(rs_hbm.at[pl.ds(base, rows_per_worker)], rs_v)
        pltpu.sync_copy(w_hbm, w_v)
        pltpu.sync_copy(bias_hbm, bias_v)

        def start_gather(c, ab, bb, sa, sb):
            ipa = pa_v[pl.ds(c * CH, CH)]
            isp = sp_v[pl.ds(c * CH, CH)]
            pltpu.async_copy(a_hbm.at[ipa], ab, sa)
            pltpu.async_copy(b_hbm.at[isp], bb, sb)

        def wait_gather(ab, bb, sa, sb):
            ipa = pa_v[pl.ds(0, CH)]
            pltpu.make_async_copy(a_hbm.at[ipa], ab, sa).wait()
            pltpu.make_async_copy(b_hbm.at[ipa], bb, sb).wait()

        def compute_chunk(c, ar, br, ob):
            muv = mu_v[pl.ds(c * CH, CH)]
            rsv = rs_v[pl.ds(c * CH, CH)]
            mus = [muv[r] for r in range(CH)]
            rss = [rsv[r] for r in range(CH)]

            @plsc.parallel_loop(0, H, 16, unroll=2)
            def col_body(o):
                sl = pl.ds(o, 16)
                wv = w_v[sl]
                bv = bias_v[sl]
                for r in range(CH):
                    x = ar[r, sl] + br[r, sl] + posb[r, sl]
                    ob[r, sl] = (x - mus[r]) * rss[r] * wv + bv

        def wait_out(ob, so):
            pltpu.make_async_copy(ob, out_hbm.at[pl.ds(base, CH)], so).wait()

        start_gather(0, a0, b0, sa0, sb0)

        def group_body(g, carry):
            c0 = g
            c1 = g + chunks_per_batch
            start_gather(c1, a1, b1, sa1, sb1)
            pltpu.async_copy(pos_hbm.at[pl.ds(g * CH, CH)], posb, spos)
            wait_gather(a0, b0, sa0, sb0)
            pltpu.make_async_copy(pos_hbm.at[pl.ds(0, CH)], posb, spos).wait()

            @pl.when(g > 0)
            def _():
                wait_out(o0, so0)

            compute_chunk(c0, a0, b0, o0)
            pltpu.async_copy(o0, out_hbm.at[pl.ds(base + c0 * CH, CH)], so0)

            @pl.when(g < n_groups - 1)
            def _():
                start_gather(g + 1, a0, b0, sa0, sb0)

            wait_gather(a1, b1, sa1, sb1)

            @pl.when(g > 0)
            def _():
                wait_out(o1, so1)

            compute_chunk(c1, a1, b1, o1)
            pltpu.async_copy(o1, out_hbm.at[pl.ds(base + c1 * CH, CH)], so1)
            return carry

        lax.fori_loop(0, n_groups, group_body, 0)
        wait_out(o0, so0)
        wait_out(o1, so1)

    return sc_call


def kernel(top_vecs, sent_struct_vec, pos_table, a_table, b_table, ln_w, ln_b):
    b, s, h = top_vecs.shape
    ssv = sent_struct_vec.astype(jnp.int32)
    pa = ssv[:, :, 0]
    sp = ssv[:, :, 1]
    mu, rstd = _tc_stats(pos_table, a_table, b_table, pa, sp)
    n_rows = b * s
    sc_call = _make_sc_call(n_rows, n_rows // 32)
    out = sc_call(pa.reshape(-1), sp.reshape(-1), pos_table, a_table,
                  b_table, ln_w, ln_b, mu.reshape(-1), rstd.reshape(-1))
    return out.reshape(b, s, h)

# --- scband reference (transcript-rebuilt; emitter-appended) ---
"""Pipeline reference for scband-lasent-add-emb-52295521796614 (READ-ONLY COPY).

The authoritative reference and input builder live on the scoring server;
editing this copy changes nothing except your own understanding.
"""

import jax, jax.numpy as jnp
import numpy as np

MAX_NSENT = 512
MAX_NPARA = 64
MAX_NSENT_IN_PARA = 64
HIDDEN = 1024
EPS = 1e-12
B = 64
NSENT = 512


def setup_inputs(seed: int = 0) -> dict:
    key = jax.random.key(seed)
    k1, k2, k3, k4, k5 = jax.random.split(key, 5)
    top_vecs = jax.random.normal(k1, (B, NSENT, HIDDEN), dtype=jnp.float32)
    sent_struct_vec = jax.random.randint(k2, (B, NSENT, 2), 0, MAX_NSENT_IN_PARA, dtype=jnp.int64) if jax.config.jax_enable_x64 else jax.random.randint(k2, (B, NSENT, 2), 0, MAX_NSENT_IN_PARA, dtype=jnp.int32)
    pos_table = jax.random.normal(k3, (MAX_NSENT, HIDDEN), dtype=jnp.float32) * 0.02
    a_table = jax.random.normal(k4, (MAX_NPARA, HIDDEN), dtype=jnp.float32) * 0.02
    b_table = jax.random.normal(k5, (MAX_NSENT_IN_PARA, HIDDEN), dtype=jnp.float32) * 0.02
    ln_w = jnp.ones((HIDDEN,), dtype=jnp.float32)
    ln_b = jnp.zeros((HIDDEN,), dtype=jnp.float32)
    return {"top_vecs": top_vecs, "sent_struct_vec": sent_struct_vec, "pos_table": pos_table, "a_table": a_table, "b_table": b_table, "ln_w": ln_w, "ln_b": ln_b}


def _layer_norm(x, w, b, eps=EPS):
    mu = jnp.mean(x, axis=-1, keepdims=True)
    var = jnp.mean((x - mu) ** 2, axis=-1, keepdims=True)
    return (x - mu) / jnp.sqrt(var + eps) * w + b


def reference(top_vecs, sent_struct_vec, pos_table, a_table, b_table, ln_w, ln_b):
    batch_size, n_sents = top_vecs.shape[0], top_vecs.shape[1]
    position_ids = jnp.arange(n_sents, dtype=jnp.int32)[None, :]
    position_ids = jnp.broadcast_to(position_ids, (batch_size, n_sents))
    position_embeddings = jnp.take(pos_table, position_ids, axis=0)
    para_pos = sent_struct_vec[:, :, 0]
    sent_pos = sent_struct_vec[:, :, 1]
    para_position_embeddings = jnp.take(a_table, para_pos, axis=0)
    sent_position_embeddings = jnp.take(b_table, sent_pos, axis=0)
    # sent_se_comb_mode == 'sum'
    sent_struct_embeddings = para_position_embeddings + sent_position_embeddings
    # not without_sent_pos, not para_only
    embeddings = position_embeddings + sent_struct_embeddings
    embeddings = _layer_norm(embeddings, ln_w, ln_b)
    # dropout is identity in eval
    return embeddings

if __name__ == "__main__":
    import jax
    _d = setup_inputs()
    print(jax.jit(kernel)(*tuple(_d.values())))

</pallas_src>

<mosaic_0001>
#map = affine_map<(d0, d1) -> (0)>
#map1 = affine_map<(d0, d1) -> (0, 0)>
module attributes {stable_mosaic.version = 14 : i64} {
  func.func @sc_call(%arg0: i32, %arg1: i32, %arg2: memref<32768xi32, #tpu.memory_space<hbm>>, %arg3: memref<32768xi32, #tpu.memory_space<hbm>>, %arg4: memref<512x1024xf32, #tpu.memory_space<hbm>>, %arg5: memref<64x1024xf32, #tpu.memory_space<hbm>>, %arg6: memref<64x1024xf32, #tpu.memory_space<hbm>>, %arg7: memref<1024xf32, #tpu.memory_space<hbm>>, %arg8: memref<1024xf32, #tpu.memory_space<hbm>>, %arg9: memref<32768xf32, #tpu.memory_space<hbm>>, %arg10: memref<32768xf32, #tpu.memory_space<hbm>>, %arg11: memref<32768x1024xf32, #tpu.memory_space<hbm>>, %arg12: memref<1024xi32, #tpu.memory_space<vmem>>, %arg13: memref<1024xi32, #tpu.memory_space<vmem>>, %arg14: memref<1024xf32, #tpu.memory_space<vmem>>, %arg15: memref<1024xf32, #tpu.memory_space<vmem>>, %arg16: memref<16x1024xf32, #tpu.memory_space<vmem>>, %arg17: memref<16x1024xf32, #tpu.memory_space<vmem>>, %arg18: memref<16x1024xf32, #tpu.memory_space<vmem>>, %arg19: memref<16x1024xf32, #tpu.memory_space<vmem>>, %arg20: memref<16x1024xf32, #tpu.memory_space<vmem>>, %arg21: memref<16x1024xf32, #tpu.memory_space<vmem>>, %arg22: memref<16x1024xf32, #tpu.memory_space<vmem>>, %arg23: memref<1024xf32, #tpu.memory_space<vmem>>, %arg24: memref<1024xf32, #tpu.memory_space<vmem>>, %arg25: memref<!tpu.dma_semaphore, #tpu.memory_space<semaphore_mem>>, %arg26: memref<!tpu.dma_semaphore, #tpu.memory_space<semaphore_mem>>, %arg27: memref<!tpu.dma_semaphore, #tpu.memory_space<semaphore_mem>>, %arg28: memref<!tpu.dma_semaphore, #tpu.memory_space<semaphore_mem>>, %arg29: memref<!tpu.dma_semaphore, #tpu.memory_space<semaphore_mem>>, %arg30: memref<!tpu.dma_semaphore, #tpu.memory_space<semaphore_mem>>, %arg31: memref<!tpu.dma_semaphore, #tpu.memory_space<semaphore_mem>>) attributes {dimension_semantics = [#tpu.dimension_semantics<core_parallel>, #tpu.dimension_semantics<subcore_parallel>], iteration_bounds = array<i64: 2, 16>, scalar_prefetch = 0 : i64, scratch_operands = 20 : i64, tpu.core_type = #tpu.core_type<sc_vector_subcore>, window_params = [{transform_indices = #map}, {transform_indices = #map}, {transform_indices = #map1}, {transform_indices = #map1}, {transform_indices = #map1}, {transform_indices = #map}, {transform_indices = #map}, {transform_indices = #map}, {transform_indices = #map}, {transform_indices = #map1}]} {
    %mul3A = arith.constant 2 : i32
    %mul3A_0 = arith.muli %arg1, %mul3A : i32
    %add3A = arith.addi %mul3A_0, %arg0 : i32
    %mul3A_1 = arith.constant 1024 : i32
    %mul3A_2 = arith.muli %add3A, %mul3A_1 : i32
    "tpu.region"() ({
      %run_scoped3A = tpu.sem_alloc : memref<!tpu.dma_semaphore, #tpu.memory_space<semaphore_mem>>
      %dma_start3A_25 = tpu.memref_slice %arg2[%mul3A_2] : memref<32768xi32, #tpu.memory_space<hbm>> -> memref<1024xi32, #tpu.memory_space<hbm>>
      %dma_start3A_26 = tpu.memref_slice %arg2[%mul3A_2] : memref<32768xi32, #tpu.memory_space<hbm>> -> memref<1024xi32, #tpu.memory_space<hbm>>
      tpu.enqueue_dma source(%dma_start3A_26 : memref<1024xi32, #tpu.memory_space<hbm>>) target(%arg12 : memref<1024xi32, #tpu.memory_space<vmem>>) target_semaphore(%run_scoped3A : memref<!tpu.dma_semaphore, #tpu.memory_space<semaphore_mem>>)
      %dma_wait3A_27 = tpu.memref_slice %arg2[%mul3A_2] : memref<32768xi32, #tpu.memory_space<hbm>> -> memref<1024xi32, #tpu.memory_space<hbm>>
      %dma_wait3A_28 = tpu.memref_slice %arg2[%mul3A_2] : memref<32768xi32, #tpu.memory_space<hbm>> -> memref<1024xi32, #tpu.memory_space<hbm>>
      tpu.wait_dma2 semaphore(%run_scoped3A : memref<!tpu.dma_semaphore, #tpu.memory_space<semaphore_mem>>) src(%dma_wait3A_28 : memref<1024xi32, #tpu.memory_space<hbm>>) dst(%arg12 : memref<1024xi32, #tpu.memory_space<vmem>>)
      tpu.yield
    }) : () -> ()
    "tpu.region"() ({
      %run_scoped3A = tpu.sem_alloc : memref<!tpu.dma_semaphore, #tpu.memory_space<semaphore_mem>>
      %dma_start3A_25 = tpu.memref_slice %arg3[%mul3A_2] : memref<32768xi32, #tpu.memory_space<hbm>> -> memref<1024xi32, #tpu.memory_space<hbm>>
      %dma_start3A_26 = tpu.memref_slice %arg3[%mul3A_2] : memref<32768xi32, #tpu.memory_space<hbm>> -> memref<1024xi32, #tpu.memory_space<hbm>>
      tpu.enqueue_dma source(%dma_start3A_26 : memref<1024xi32, #tpu.memory_space<hbm>>) target(%arg13 : memref<1024xi32, #tpu.memory_space<vmem>>) target_semaphore(%run_scoped3A : memref<!tpu.dma_semaphore, #tpu.memory_space<semaphore_mem>>)
      %dma_wait3A_27 = tpu.memref_slice %arg3[%mul3A_2] : memref<32768xi32, #tpu.memory_space<hbm>> -> memref<1024xi32, #tpu.memory_space<hbm>>
      %dma_wait3A_28 = tpu.memref_slice %arg3[%mul3A_2] : memref<32768xi32, #tpu.memory_space<hbm>> -> memref<1024xi32, #tpu.memory_space<hbm>>
      tpu.wait_dma2 semaphore(%run_scoped3A : memref<!tpu.dma_semaphore, #tpu.memory_space<semaphore_mem>>) src(%dma_wait3A_28 : memref<1024xi32, #tpu.memory_space<hbm>>) dst(%arg13 : memref<1024xi32, #tpu.memory_space<vmem>>)
      tpu.yield
    }) : () -> ()
    "tpu.region"() ({
      %run_scoped3A = tpu.sem_alloc : memref<!tpu.dma_semaphore, #tpu.memory_space<semaphore_mem>>
      %dma_start3A_25 = tpu.memref_slice %arg9[%mul3A_2] : memref<32768xf32, #tpu.memory_space<hbm>> -> memref<1024xf32, #tpu.memory_space<hbm>>
      %dma_start3A_26 = tpu.memref_slice %arg9[%mul3A_2] : memref<32768xf32, #tpu.memory_space<hbm>> -> memref<1024xf32, #tpu.memory_space<hbm>>
      tpu.enqueue_dma source(%dma_start3A_26 : memref<1024xf32, #tpu.memory_space<hbm>>) target(%arg14 : memref<1024xf32, #tpu.memory_space<vmem>>) target_semaphore(%run_scoped3A : memref<!tpu.dma_semaphore, #tpu.memory_space<semaphore_mem>>)
      %dma_wait3A_27 = tpu.memref_slice %arg9[%mul3A_2] : memref<32768xf32, #tpu.memory_space<hbm>> -> memref<1024xf32, #tpu.memory_space<hbm>>
      %dma_wait3A_28 = tpu.memref_slice %arg9[%mul3A_2] : memref<32768xf32, #tpu.memory_space<hbm>> -> memref<1024xf32, #tpu.memory_space<hbm>>
      tpu.wait_dma2 semaphore(%run_scoped3A : memref<!tpu.dma_semaphore, #tpu.memory_space<semaphore_mem>>) src(%dma_wait3A_28 : memref<1024xf32, #tpu.memory_space<hbm>>) dst(%arg14 : memref<1024xf32, #tpu.memory_space<vmem>>)
      tpu.yield
    }) : () -> ()
    "tpu.region"() ({
      %run_scoped3A = tpu.sem_alloc : memref<!tpu.dma_semaphore, #tpu.memory_space<semaphore_mem>>
      %dma_start3A_25 = tpu.memref_slice %arg10[%mul3A_2] : memref<32768xf32, #tpu.memory_space<hbm>> -> memref<1024xf32, #tpu.memory_space<hbm>>
      %dma_start3A_26 = tpu.memref_slice %arg10[%mul3A_2] : memref<32768xf32, #tpu.memory_space<hbm>> -> memref<1024xf32, #tpu.memory_space<hbm>>
      tpu.enqueue_dma source(%dma_start3A_26 : memref<1024xf32, #tpu.memory_space<hbm>>) target(%arg15 : memref<1024xf32, #tpu.memory_space<vmem>>) target_semaphore(%run_scoped3A : memref<!tpu.dma_semaphore, #tpu.memory_space<semaphore_mem>>)
      %dma_wait3A_27 = tpu.memref_slice %arg10[%mul3A_2] : memref<32768xf32, #tpu.memory_space<hbm>> -> memref<1024xf32, #tpu.memory_space<hbm>>
      %dma_wait3A_28 = tpu.memref_slice %arg10[%mul3A_2] : memref<32768xf32, #tpu.memory_space<hbm>> -> memref<1024xf32, #tpu.memory_space<hbm>>
      tpu.wait_dma2 semaphore(%run_scoped3A : memref<!tpu.dma_semaphore, #tpu.memory_space<semaphore_mem>>) src(%dma_wait3A_28 : memref<1024xf32, #tpu.memory_space<hbm>>) dst(%arg15 : memref<1024xf32, #tpu.memory_space<vmem>>)
      tpu.yield
    }) : () -> ()
    "tpu.region"() ({
      %run_scoped3A = tpu.sem_alloc : memref<!tpu.dma_semaphore, #tpu.memory_space<semaphore_mem>>
      tpu.enqueue_dma source(%arg7 : memref<1024xf32, #tpu.memory_space<hbm>>) target(%arg23 : memref<1024xf32, #tpu.memory_space<vmem>>) target_semaphore(%run_scoped3A : memref<!tpu.dma_semaphore, #tpu.memory_space<semaphore_mem>>)
      tpu.wait_dma2 semaphore(%run_scoped3A : memref<!tpu.dma_semaphore, #tpu.memory_space<semaphore_mem>>) src(%arg7 : memref<1024xf32, #tpu.memory_space<hbm>>) dst(%arg23 : memref<1024xf32, #tpu.memory_space<vmem>>)
      tpu.yield
    }) : () -> ()
    "tpu.region"() ({
      %run_scoped3A = tpu.sem_alloc : memref<!tpu.dma_semaphore, #tpu.memory_space<semaphore_mem>>
      tpu.enqueue_dma source(%arg8 : memref<1024xf32, #tpu.memory_space<hbm>>) target(%arg24 : memref<1024xf32, #tpu.memory_space<vmem>>) target_semaphore(%run_scoped3A : memref<!tpu.dma_semaphore, #tpu.memory_space<semaphore_mem>>)
      tpu.wait_dma2 semaphore(%run_scoped3A : memref<!tpu.dma_semaphore, #tpu.memory_space<semaphore_mem>>) src(%arg8 : memref<1024xf32, #tpu.memory_space<hbm>>) dst(%arg24 : memref<1024xf32, #tpu.memory_space<vmem>>)
      tpu.yield
    }) : () -> ()
    %get3A = arith.constant 0 : index
    %get3A_3 = tpu.vector_load %arg12[%get3A] {strides = array<i32>} : memref<1024xi32, #tpu.memory_space<vmem>>, vector<16xi32>,
    %get3A_4 = vector.shape_cast %get3A_3 : vector<16xi32> to vector<16xi32>
    %get3A_5 = arith.constant 0 : index
    %get3A_6 = tpu.vector_load %arg13[%get3A_5] {strides = array<i32>} : memref<1024xi32, #tpu.memory_space<vmem>>, vector<16xi32>,
    %get3A_7 = vector.shape_cast %get3A_6 : vector<16xi32> to vector<16xi32>
    %dma_start3A = arith.constant 0 : i32
    %dma_start3A_8 = arith.constant 0 : i32
    %dma_start3A_9 = tpu.memref_slice %arg5[%dma_start3A, %dma_start3A_8] : memref<64x1024xf32, #tpu.memory_space<hbm>> -> memref<64x1024xf32, #tpu.memory_space<hbm>>
    tpu.enqueue_indirect_dma source(%dma_start3A_9 : memref<64x1024xf32, #tpu.memory_space<hbm>>) target(%arg16 : memref<16x1024xf32, #tpu.memory_space<vmem>>) offsets(%get3A_4 : vector<16xi32>) semaphore(%arg25 : memref<!tpu.dma_semaphore, #tpu.memory_space<semaphore_mem>>)
    %dma_start3A_10 = arith.constant 0 : i32
    %dma_start3A_11 = arith.constant 0 : i32
    %dma_start3A_12 = tpu.memref_slice %arg6[%dma_start3A_10, %dma_start3A_11] : memref<64x1024xf32, #tpu.memory_space<hbm>> -> memref<64x1024xf32, #tpu.memory_space<hbm>>
    tpu.enqueue_indirect_dma source(%dma_start3A_12 : memref<64x1024xf32, #tpu.memory_space<hbm>>) target(%arg18 : memref<16x1024xf32, #tpu.memory_space<vmem>>) offsets(%get3A_7 : vector<16xi32>) semaphore(%arg27 : memref<!tpu.dma_semaphore, #tpu.memory_space<semaphore_mem>>)
    %scan3A = arith.constant 0 : i32
    %scan3A_13 = arith.constant 0 : i32
    %scan3A_14 = arith.constant 32 : i32
    %scan3A_15 = arith.addi %scan3A_13, %scan3A_14 : i32
    %scan3A_16 = arith.constant 1 : i32
    scf.for %scan3A_25 = %scan3A_13 to %scan3A_15 step %scan3A_16  : i32 {
      %add3A_26 = arith.constant 32 : i32
      %add3A_27 = arith.addi %scan3A_25, %add3A_26 : i32
      %mul3A_28 = arith.constant 16 : i32
      %mul3A_29 = arith.muli %add3A_27, %mul3A_28 : i32
      %get3A_30 = arith.index_cast %mul3A_29 : i32 to index
      %get3A_31 = tpu.vector_load %arg12[%get3A_30] {strides = array<i32>} : memref<1024xi32, #tpu.memory_space<vmem>>, vector<16xi32>,
      %get3A_32 = vector.shape_cast %get3A_31 : vector<16xi32> to vector<16xi32>
      %mul3A_33 = arith.constant 16 : i32
      %mul3A_34 = arith.muli %add3A_27, %mul3A_33 : i32
      %get3A_35 = arith.index_cast %mul3A_34 : i32 to index
      %get3A_36 = tpu.vector_load %arg13[%get3A_35] {strides = array<i32>} : memref<1024xi32, #tpu.memory_space<vmem>>, vector<16xi32>,
      %get3A_37 = vector.shape_cast %get3A_36 : vector<16xi32> to vector<16xi32>
      %dma_start3A_38 = arith.constant 0 : i32
      %dma_start3A_39 = arith.constant 0 : i32
      %dma_start3A_40 = tpu.memref_slice %arg5[%dma_start3A_38, %dma_start3A_39] : memref<64x1024xf32, #tpu.memory_space<hbm>> -> memref<64x1024xf32, #tpu.memory_space<hbm>>
      tpu.enqueue_indirect_dma source(%dma_start3A_40 : memref<64x1024xf32, #tpu.memory_space<hbm>>) target(%arg17 : memref<16x1024xf32, #tpu.memory_space<vmem>>) offsets(%get3A_32 : vector<16xi32>) semaphore(%arg26 : memref<!tpu.dma_semaphore, #tpu.memory_space<semaphore_mem>>)
      %dma_start3A_41 = arith.constant 0 : i32
      %dma_start3A_42 = arith.constant 0 : i32
      %dma_start3A_43 = tpu.memref_slice %arg6[%dma_start3A_41, %dma_start3A_42] : memref<64x1024xf32, #tpu.memory_space<hbm>> -> memref<64x1024xf32, #tpu.memory_space<hbm>>
      tpu.enqueue_indirect_dma source(%dma_start3A_43 : memref<64x1024xf32, #tpu.memory_space<hbm>>) target(%arg19 : memref<16x1024xf32, #tpu.memory_space<vmem>>) offsets(%get3A_37 : vector<16xi32>) semaphore(%arg28 : memref<!tpu.dma_semaphore, #tpu.memory_space<semaphore_mem>>)
      %mul3A_44 = arith.constant 16 : i32
      %mul3A_45 = arith.muli %scan3A_25, %mul3A_44 : i32
      %dma_start3A_46 = arith.constant 0 : i32
      %dma_start3A_47 = tpu.memref_slice %arg4[%mul3A_45, %dma_start3A_46] : memref<512x1024xf32, #tpu.memory_space<hbm>> -> memref<16x1024xf32, #tpu.memory_space<hbm>>
      %dma_start3A_48 = arith.constant 0 : i32
      %dma_start3A_49 = tpu.memref_slice %arg4[%mul3A_45, %dma_start3A_48] : memref<512x1024xf32, #tpu.memory_space<hbm>> -> memref<16x1024xf32, #tpu.memory_space<hbm>>
      tpu.enqueue_dma source(%dma_start3A_49 : memref<16x1024xf32, #tpu.memory_space<hbm>>) target(%arg20 : memref<16x1024xf32, #tpu.memory_space<vmem>>) target_semaphore(%arg31 : memref<!tpu.dma_semaphore, #tpu.memory_space<semaphore_mem>>)
      %get3A_50 = arith.constant 0 : index
      %get3A_51 = tpu.vector_load %arg12[%get3A_50] {strides = array<i32>} : memref<1024xi32, #tpu.memory_space<vmem>>, vector<16xi32>,
      %get3A_52 = vector.shape_cast %get3A_51 : vector<16xi32> to vector<16xi32>
      %dma_wait3A_53 = arith.constant 0 : i32
      %dma_wait3A_54 = arith.constant 0 : i32
      %dma_wait3A_55 = tpu.memref_slice %arg5[%dma_wait3A_53, %dma_wait3A_54] : memref<64x1024xf32, #tpu.memory_space<hbm>> -> memref<64x1024xf32, #tpu.memory_space<hbm>>
      tpu.wait_indirect_dma semaphore(%arg25 : memref<!tpu.dma_semaphore, #tpu.memory_space<semaphore_mem>>) src(%dma_wait3A_55 : memref<64x1024xf32, #tpu.memory_space<hbm>>) dst(%arg16 : memref<16x1024xf32, #tpu.memory_space<vmem>>)
      %dma_wait3A_56 = arith.constant 0 : i32
      %dma_wait3A_57 = arith.constant 0 : i32
      %dma_wait3A_58 = tpu.memref_slice %arg6[%dma_wait3A_56, %dma_wait3A_57] : memref<64x1024xf32, #tpu.memory_space<hbm>> -> memref<64x1024xf32, #tpu.memory_space<hbm>>
      tpu.wait_indirect_dma semaphore(%arg27 : memref<!tpu.dma_semaphore, #tpu.memory_space<semaphore_mem>>) src(%dma_wait3A_58 : memref<64x1024xf32, #tpu.memory_space<hbm>>) dst(%arg18 : memref<16x1024xf32, #tpu.memory_space<vmem>>)
      %dma_wait3A_59 = arith.constant 0 : i32
      %dma_wait3A_60 = arith.constant 0 : i32
      %dma_wait3A_61 = tpu.memref_slice %arg4[%dma_wait3A_59, %dma_wait3A_60] : memref<512x1024xf32, #tpu.memory_space<hbm>> -> memref<16x1024xf32, #tpu.memory_space<hbm>>
      %dma_wait3A_62 = arith.constant 0 : i32
      %dma_wait3A_63 = arith.constant 0 : i32
      %dma_wait3A_64 = tpu.memref_slice %arg4[%dma_wait3A_62, %dma_wait3A_63] : memref<512x1024xf32, #tpu.memory_space<hbm>> -> memref<16x1024xf32, #tpu.memory_space<hbm>>
      tpu.wait_dma2 semaphore(%arg31 : memref<!tpu.dma_semaphore, #tpu.memory_space<semaphore_mem>>) src(%dma_wait3A_64 : memref<16x1024xf32, #tpu.memory_space<hbm>>) dst(%arg20 : memref<16x1024xf32, #tpu.memory_space<vmem>>)
      %gt3A = arith.constant 0 : i32
      %gt3A_65 = arith.cmpi sgt, %scan3A_25, %gt3A : i32
      %convert_element_type3A = arith.extui %gt3A_65 : i1 to i32
      %cond3A = arith.constant 0 : i32
      %cond3A_66 = arith.cmpi ne, %convert_element_type3A, %cond3A : i32
      scf.if %cond3A_66 {
        %dma_wait3A_250 = arith.constant 0 : i32
        %dma_wait3A_251 = tpu.memref_slice %arg11[%mul3A_2, %dma_wait3A_250] : memref<32768x1024xf32, #tpu.memory_space<hbm>> -> memref<16x1024xf32, #tpu.memory_space<hbm>>
        %dma_wait3A_252 = arith.constant 0 : i32
        %dma_wait3A_253 = tpu.memref_slice %arg11[%mul3A_2, %dma_wait3A_252] : memref<32768x1024xf32, #tpu.memory_space<hbm>> -> memref<16x1024xf32, #tpu.memory_space<hbm>>
        tpu.wait_dma2 semaphore(%arg29 : memref<!tpu.dma_semaphore, #tpu.memory_space<semaphore_mem>>) src(%arg21 : memref<16x1024xf32, #tpu.memory_space<vmem>>) dst(%dma_wait3A_253 : memref<16x1024xf32, #tpu.memory_space<hbm>>)
      } else {
      }
      %mul3A_67 = arith.constant 16 : i32
      %mul3A_68 = arith.muli %scan3A_25, %mul3A_67 : i32
      %get3A_69 = arith.index_cast %mul3A_68 : i32 to index
      %get3A_70 = tpu.vector_load %arg14[%get3A_69] {strides = array<i32>} : memref<1024xf32, #tpu.memory_space<vmem>>, vector<16xf32>,
      %get3A_71 = vector.shape_cast %get3A_70 : vector<16xf32> to vector<16xf32>
      %mul3A_72 = arith.constant 16 : i32
      %mul3A_73 = arith.muli %scan3A_25, %mul3A_72 : i32
      %get3A_74 = arith.index_cast %mul3A_73 : i32 to index
      %get3A_75 = tpu.vector_load %arg15[%get3A_74] {strides = array<i32>} : memref<1024xf32, #tpu.memory_space<vmem>>, vector<16xf32>,
      %get3A_76 = vector.shape_cast %get3A_75 : vector<16xf32> to vector<16xf32>
      %slice3A = vector.extract_strided_slice %get3A_71 {offsets = [0], sizes = [1], strides = [1]} : vector<16xf32> to vector<1xf32>
      %squeeze3A = vector.extract %slice3A[0] : f32 from vector<1xf32>
      %slice3A_77 = vector.extract_strided_slice %get3A_71 {offsets = [1], sizes = [1], strides = [1]} : vector<16xf32> to vector<1xf32>
      %squeeze3A_78 = vector.extract %slice3A_77[0] : f32 from vector<1xf32>
      %slice3A_79 = vector.extract_strided_slice %get3A_71 {offsets = [2], sizes = [1], strides = [1]} : vector<16xf32> to vector<1xf32>
      %squeeze3A_80 = vector.extract %slice3A_79[0] : f32 from vector<1xf32>
      %slice3A_81 = vector.extract_strided_slice %get3A_71 {offsets = [3], sizes = [1], strides = [1]} : vector<16xf32> to vector<1xf32>
      %squeeze3A_82 = vector.extract %slice3A_81[0] : f32 from vector<1xf32>
      %slice3A_83 = vector.extract_strided_slice %get3A_71 {offsets = [4], sizes = [1], strides = [1]} : vector<16xf32> to vector<1xf32>
      %squeeze3A_84 = vector.extract %slice3A_83[0] : f32 from vector<1xf32>
      %slice3A_85 = vector.extract_strided_slice %get3A_71 {offsets = [5], sizes = [1], strides = [1]} : vector<16xf32> to vector<1xf32>
      %squeeze3A_86 = vector.extract %slice3A_85[0] : f32 from vector<1xf32>
      %slice3A_87 = vector.extract_strided_slice %get3A_71 {offsets = [6], sizes = [1], strides = [1]} : vector<16xf32> to vector<1xf32>
      %squeeze3A_88 = vector.extract %slice3A_87[0] : f32 from vector<1xf32>
      %slice3A_89 = vector.extract_strided_slice %get3A_71 {offsets = [7], sizes = [1], strides = [1]} : vector<16xf32> to vector<1xf32>
      %squeeze3A_90 = vector.extract %slice3A_89[0] : f32 from vector<1xf32>
      %slice3A_91 = vector.extract_strided_slice %get3A_71 {offsets = [8], sizes = [1], strides = [1]} : vector<16xf32> to vector<1xf32>
      %squeeze3A_92 = vector.extract %slice3A_91[0] : f32 from vector<1xf32>
      %slice3A_93 = vector.extract_strided_slice %get3A_71 {offsets = [9], sizes = [1], strides = [1]} : vector<16xf32> to vector<1xf32>
      %squeeze3A_94 = vector.extract %slice3A_93[0] : f32 from vector<1xf32>
      %slice3A_95 = vector.extract_strided_slice %get3A_71 {offsets = [10], sizes = [1], strides = [1]} : vector<16xf32> to vector<1xf32>
      %squeeze3A_96 = vector.extract %slice3A_95[0] : f32 from vector<1xf32>
      %slice3A_97 = vector.extract_strided_slice %get3A_71 {offsets = [11], sizes = [1], strides = [1]} : vector<16xf32> to vector<1xf32>
      %squeeze3A_98 = vector.extract %slice3A_97[0] : f32 from vector<1xf32>
      %slice3A_99 = vector.extract_strided_slice %get3A_71 {offsets = [12], sizes = [1], strides = [1]} : vector<16xf32> to vector<1xf32>
      %squeeze3A_100 = vector.extract %slice3A_99[0] : f32 from vector<1xf32>
      %slice3A_101 = vector.extract_strided_slice %get3A_71 {offsets = [13], sizes = [1], strides = [1]} : vector<16xf32> to vector<1xf32>
      %squeeze3A_102 = vector.extract %slice3A_101[0] : f32 from vector<1xf32>
      %slice3A_103 = vector.extract_strided_slice %get3A_71 {offsets = [14], sizes = [1], strides = [1]} : vector<16xf32> to vector<1xf32>
      %squeeze3A_104 = vector.extract %slice3A_103[0] : f32 from vector<1xf32>
      %slice3A_105 = vector.extract_strided_slice %get3A_71 {offsets = [15], sizes = [1], strides = [1]} : vector<16xf32> to vector<1xf32>
      %squeeze3A_106 = vector.extract %slice3A_105[0] : f32 from vector<1xf32>
      %slice3A_107 = vector.extract_strided_slice %get3A_76 {offsets = [0], sizes = [1], strides = [1]} : vector<16xf32> to vector<1xf32>
      %squeeze3A_108 = vector.extract %slice3A_107[0] : f32 from vector<1xf32>
      %slice3A_109 = vector.extract_strided_slice %get3A_76 {offsets = [1], sizes = [1], strides = [1]} : vector<16xf32> to vector<1xf32>
      %squeeze3A_110 = vector.extract %slice3A_109[0] : f32 from vector<1xf32>
      %slice3A_111 = vector.extract_strided_slice %get3A_76 {offsets = [2], sizes = [1], strides = [1]} : vector<16xf32> to vector<1xf32>
      %squeeze3A_112 = vector.extract %slice3A_111[0] : f32 from vector<1xf32>
      %slice3A_113 = vector.extract_strided_slice %get3A_76 {offsets = [3], sizes = [1], strides = [1]} : vector<16xf32> to vector<1xf32>
      %squeeze3A_114 = vector.extract %slice3A_113[0] : f32 from vector<1xf32>
      %slice3A_115 = vector.extract_strided_slice %get3A_76 {offsets = [4], sizes = [1], strides = [1]} : vector<16xf32> to vector<1xf32>
      %squeeze3A_116 = vector.extract %slice3A_115[0] : f32 from vector<1xf32>
      %slice3A_117 = vector.extract_strided_slice %get3A_76 {offsets = [5], sizes = [1], strides = [1]} : vector<16xf32> to vector<1xf32>
      %squeeze3A_118 = vector.extract %slice3A_117[0] : f32 from vector<1xf32>
      %slice3A_119 = vector.extract_strided_slice %get3A_76 {offsets = [6], sizes = [1], strides = [1]} : vector<16xf32> to vector<1xf32>
      %squeeze3A_120 = vector.extract %slice3A_119[0] : f32 from vector<1xf32>
      %slice3A_121 = vector.extract_strided_slice %get3A_76 {offsets = [7], sizes = [1], strides = [1]} : vector<16xf32> to vector<1xf32>
      %squeeze3A_122 = vector.extract %slice3A_121[0] : f32 from vector<1xf32>
      %slice3A_123 = vector.extract_strided_slice %get3A_76 {offsets = [8], sizes = [1], strides = [1]} : vector<16xf32> to vector<1xf32>
      %squeeze3A_124 = vector.extract %slice3A_123[0] : f32 from vector<1xf32>
      %slice3A_125 = vector.extract_strided_slice %get3A_76 {offsets = [9], sizes = [1], strides = [1]} : vector<16xf32> to vector<1xf32>
      %squeeze3A_126 = vector.extract %slice3A_125[0] : f32 from vector<1xf32>
      %slice3A_127 = vector.extract_strided_slice %get3A_76 {offsets = [10], sizes = [1], strides = [1]} : vector<16xf32> to vector<1xf32>
      %squeeze3A_128 = vector.extract %slice3A_127[0] : f32 from vector<1xf32>
      %slice3A_129 = vector.extract_strided_slice %get3A_76 {offsets = [11], sizes = [1], strides = [1]} : vector<16xf32> to vector<1xf32>
      %squeeze3A_130 = vector.extract %slice3A_129[0] : f32 from vector<1xf32>
      %slice3A_131 = vector.extract_strided_slice %get3A_76 {offsets = [12], sizes = [1], strides = [1]} : vector<16xf32> to vector<1xf32>
      %squeeze3A_132 = vector.extract %slice3A_131[0] : f32 from vector<1xf32>
      %slice3A_133 = vector.extract_strided_slice %get3A_76 {offsets = [13], sizes = [1], strides = [1]} : vector<16xf32> to vector<1xf32>
      %squeeze3A_134 = vector.extract %slice3A_133[0] : f32 from vector<1xf32>
      %slice3A_135 = vector.extract_strided_slice %get3A_76 {offsets = [14], sizes = [1], strides = [1]} : vector<16xf32> to vector<1xf32>
      %squeeze3A_136 = vector.extract %slice3A_135[0] : f32 from vector<1xf32>
      %slice3A_137 = vector.extract_strided_slice %get3A_76 {offsets = [15], sizes = [1], strides = [1]} : vector<16xf32> to vector<1xf32>
      %squeeze3A_138 = vector.extract %slice3A_137[0] : f32 from vector<1xf32>
      %parallel_loop3A = arith.constant 0 : i32
      %parallel_loop3A_139 = arith.constant 1024 : i32
      %parallel_loop3A_140 = arith.constant 16 : i32
      scf.for %parallel_loop3A_250 = %parallel_loop3A to %parallel_loop3A_139 step %parallel_loop3A_140  : i32 {
        %parallel_loop3A_251 = arith.index_cast %parallel_loop3A_250 : i32 to index
        %parallel_loop3A_252 = tpu.vector_load %arg23[%parallel_loop3A_251] {strides = array<i32>} : memref<1024xf32, #tpu.memory_space<vmem>>, vector<16xf32>,
        %parallel_loop3A_253 = vector.shape_cast %parallel_loop3A_252 : vector<16xf32> to vector<16xf32>
        %parallel_loop3A_254 = arith.index_cast %parallel_loop3A_250 : i32 to index
        %parallel_loop3A_255 = tpu.vector_load %arg24[%parallel_loop3A_254] {strides = array<i32>} : memref<1024xf32, #tpu.memory_space<vmem>>, vector<16xf32>,
        %parallel_loop3A_256 = vector.shape_cast %parallel_loop3A_255 : vector<16xf32> to vector<16xf32>
        %parallel_loop3A_257 = arith.constant 0 : i32
        %parallel_loop3A_258 = arith.index_cast %parallel_loop3A_257 : i32 to index
        %parallel_loop3A_259 = arith.index_cast %parallel_loop3A_250 : i32 to index
        %parallel_loop3A_260 = tpu.vector_load %arg16[%parallel_loop3A_258, %parallel_loop3A_259] {strides = array<i32>} : memref<16x1024xf32, #tpu.memory_space<vmem>>, vector<1x16xf32>,
        %parallel_loop3A_261 = vector.shape_cast %parallel_loop3A_260 : vector<1x16xf32> to vector<16xf32>
        %parallel_loop3A_262 = arith.constant 0 : i32
        %parallel_loop3A_263 = arith.index_cast %parallel_loop3A_262 : i32 to index
        %parallel_loop3A_264 = arith.index_cast %parallel_loop3A_250 : i32 to index
        %parallel_loop3A_265 = tpu.vector_load %arg18[%parallel_loop3A_263, %parallel_loop3A_264] {strides = array<i32>} : memref<16x1024xf32, #tpu.memory_space<vmem>>, vector<1x16xf32>,
        %parallel_loop3A_266 = vector.shape_cast %parallel_loop3A_265 : vector<1x16xf32> to vector<16xf32>
        %parallel_loop3A_267 = arith.addf %parallel_loop3A_261, %parallel_loop3A_266 : vector<16xf32>
        %parallel_loop3A_268 = arith.constant 0 : i32
        %parallel_loop3A_269 = arith.index_cast %parallel_loop3A_268 : i32 to index
        %parallel_loop3A_270 = arith.index_cast %parallel_loop3A_250 : i32 to index
        %parallel_loop3A_271 = tpu.vector_load %arg20[%parallel_loop3A_269, %parallel_loop3A_270] {strides = array<i32>} : memref<16x1024xf32, #tpu.memory_space<vmem>>, vector<1x16xf32>,
        %parallel_loop3A_272 = vector.shape_cast %parallel_loop3A_271 : vector<1x16xf32> to vector<16xf32>
        %parallel_loop3A_273 = arith.addf %parallel_loop3A_267, %parallel_loop3A_272 : vector<16xf32>
        %parallel_loop3A_274 = vector.broadcast %squeeze3A : f32 to vector<16xf32>
        %parallel_loop3A_275 = arith.subf %parallel_loop3A_273, %parallel_loop3A_274 : vector<16xf32>
        %parallel_loop3A_276 = vector.broadcast %squeeze3A_108 : f32 to vector<16xf32>
        %parallel_loop3A_277 = arith.mulf %parallel_loop3A_275, %parallel_loop3A_276 : vector<16xf32>
        %parallel_loop3A_278 = arith.mulf %parallel_loop3A_277, %parallel_loop3A_253 : vector<16xf32>
        %parallel_loop3A_279 = arith.addf %parallel_loop3A_278, %parallel_loop3A_256 : vector<16xf32>
        %parallel_loop3A_280 = arith.constant 0 : i32
        %parallel_loop3A_281 = arith.index_cast %parallel_loop3A_280 : i32 to index
        %parallel_loop3A_282 = arith.index_cast %parallel_loop3A_250 : i32 to index
        %parallel_loop3A_283 = tpu.vector_load %arg21[%parallel_loop3A_281, %parallel_loop3A_282] {strides = array<i32>} : memref<16x1024xf32, #tpu.memory_space<vmem>>, vector<1x16xf32>,
        %parallel_loop3A_284 = vector.shape_cast %parallel_loop3A_283 : vector<1x16xf32> to vector<16xf32>
        %parallel_loop3A_285 = vector.shape_cast %parallel_loop3A_279 : vector<16xf32> to vector<1x16xf32>
        tpu.vector_store %arg21[%parallel_loop3A_281, %parallel_loop3A_282], %parallel_loop3A_285 {strides = array<i32>} : memref<16x1024xf32, #tpu.memory_space<vmem>>, vector<1x16xf32>,
        %parallel_loop3A_286 = arith.constant 1 : i32
        %parallel_loop3A_287 = arith.index_cast %parallel_loop3A_286 : i32 to index
        %parallel_loop3A_288 = arith.index_cast %parallel_loop3A_250 : i32 to index
        %parallel_loop3A_289 = tpu.vector_load %arg16[%parallel_loop3A_287, %parallel_loop3A_288] {strides = array<i32>} : memref<16x1024xf32, #tpu.memory_space<vmem>>, vector<1x16xf32>,
        %parallel_loop3A_290 = vector.shape_cast %parallel_loop3A_289 : vector<1x16xf32> to vector<16xf32>
        %parallel_loop3A_291 = arith.constant 1 : i32
        %parallel_loop3A_292 = arith.index_cast %parallel_loop3A_291 : i32 to index
        %parallel_loop3A_293 = arith.index_cast %parallel_loop3A_250 : i32 to index
        %parallel_loop3A_294 = tpu.vector_load %arg18[%parallel_loop3A_292, %parallel_loop3A_293] {strides = array<i32>} : memref<16x1024xf32, #tpu.memory_space<vmem>>, vector<1x16xf32>,
        %parallel_loop3A_295 = vector.shape_cast %parallel_loop3A_294 : vector<1x16xf32> to vector<16xf32>
        %parallel_loop3A_296 = arith.addf %parallel_loop3A_290, %parallel_loop3A_295 : vector<16xf32>
        %parallel_loop3A_297 = arith.constant 1 : i32
        %parallel_loop3A_298 = arith.index_cast %parallel_loop3A_297 : i32 to index
        %parallel_loop3A_299 = arith.index_cast %parallel_loop3A_250 : i32 to index
        %parallel_loop3A_300 = tpu.vector_load %arg20[%parallel_loop3A_298, %parallel_loop3A_299] {strides = array<i32>} : memref<16x1024xf32, #tpu.memory_space<vmem>>, vector<1x16xf32>,
        %parallel_loop3A_301 = vector.shape_cast %parallel_loop3A_300 : vector<1x16xf32> to vector<16xf32>
        %parallel_loop3A_302 = arith.addf %parallel_loop3A_296, %parallel_loop3A_301 : vector<16xf32>
        %parallel_loop3A_303 = vector.broadcast %squeeze3A_78 : f32 to vector<16xf32>
        %parallel_loop3A_304 = arith.subf %parallel_loop3A_302, %parallel_loop3A_303 : vector<16xf32>
        %parallel_loop3A_305 = vector.broadcast %squeeze3A_110 : f32 to vector<16xf32>
        %parallel_loop3A_306 = arith.mulf %parallel_loop3A_304, %parallel_loop3A_305 : vector<16xf32>
        %parallel_loop3A_307 = arith.mulf %parallel_loop3A_306, %parallel_loop3A_253 : vector<16xf32>
        %parallel_loop3A_308 = arith.addf %parallel_loop3A_307, %parallel_loop3A_256 : vector<16xf32>
        %parallel_loop3A_309 = arith.constant 1 : i32
        %parallel_loop3A_310 = arith.index_cast %parallel_loop3A_309 : i32 to index
        %parallel_loop3A_311 = arith.index_cast %parallel_loop3A_250 : i32 to index
        %parallel_loop3A_312 = tpu.vector_load %arg21[%parallel_loop3A_310, %parallel_loop3A_311] {strides = array<i32>} : memref<16x1024xf32, #tpu.memory_space<vmem>>, vector<1x16xf32>,
        %parallel_loop3A_313 = vector.shape_cast %parallel_loop3A_312 : vector<1x16xf32> to vector<16xf32>
        %parallel_loop3A_314 = vector.shape_cast %parallel_loop3A_308 : vector<16xf32> to vector<1x16xf32>
        tpu.vector_store %arg21[%parallel_loop3A_310, %parallel_loop3A_311], %parallel_loop3A_314 {strides = array<i32>} : memref<16x1024xf32, #tpu.memory_space<vmem>>, vector<1x16xf32>,
        %parallel_loop3A_315 = arith.constant 2 : i32
        %parallel_loop3A_316 = arith.index_cast %parallel_loop3A_315 : i32 to index
        %parallel_loop3A_317 = arith.index_cast %parallel_loop3A_250 : i32 to index
        %parallel_loop3A_318 = tpu.vector_load %arg16[%parallel_loop3A_316, %parallel_loop3A_317] {strides = array<i32>} : memref<16x1024xf32, #tpu.memory_space<vmem>>, vector<1x16xf32>,
        %parallel_loop3A_319 = vector.shape_cast %parallel_loop3A_318 : vector<1x16xf32> to vector<16xf32>
        %parallel_loop3A_320 = arith.constant 2 : i32
        %parallel_loop3A_321 = arith.index_cast %parallel_loop3A_320 : i32 to index
        %parallel_loop3A_322 = arith.index_cast %parallel_loop3A_250 : i32 to index
        %parallel_loop3A_323 = tpu.vector_load %arg18[%parallel_loop3A_321, %parallel_loop3A_322] {strides = array<i32>} : memref<16x1024xf32, #tpu.memory_space<vmem>>, vector<1x16xf32>,
        %parallel_loop3A_324 = vector.shape_cast %parallel_loop3A_323 : vector<1x16xf32> to vector<16xf32>
        %parallel_loop3A_325 = arith.addf %parallel_loop3A_319, %parallel_loop3A_324 : vector<16xf32>
        %parallel_loop3A_326 = arith.constant 2 : i32
        %parallel_loop3A_327 = arith.index_cast %parallel_loop3A_326 : i32 to index
        %parallel_loop3A_328 = arith.index_cast %parallel_loop3A_250 : i32 to index
        %parallel_loop3A_329 = tpu.vector_load %arg20[%parallel_loop3A_327, %parallel_loop3A_328] {strides = array<i32>} : memref<16x1024xf32, #tpu.memory_space<vmem>>, vector<1x16xf32>,
        %parallel_loop3A_330 = vector.shape_cast %parallel_loop3A_329 : vector<1x16xf32> to vector<16xf32>
        %parallel_loop3A_331 = arith.addf %parallel_loop3A_325, %parallel_loop3A_330 : vector<16xf32>
        %parallel_loop3A_332 = vector.broadcast %squeeze3A_80 : f32 to vector<16xf32>
        %parallel_loop3A_333 = arith.subf %parallel_loop3A_331, %parallel_loop3A_332 : vector<16xf32>
        %parallel_loop3A_334 = vector.broadcast %squeeze3A_112 : f32 to vector<16xf32>
        %parallel_loop3A_335 = arith.mulf %parallel_loop3A_333, %parallel_loop3A_334 : vector<16xf32>
        %parallel_loop3A_336 = arith.mulf %parallel_loop3A_335, %parallel_loop3A_253 : vector<16xf32>
        %parallel_loop3A_337 = arith.addf %parallel_loop3A_336, %parallel_loop3A_256 : vector<16xf32>
        %parallel_loop3A_338 = arith.constant 2 : i32
        %parallel_loop3A_339 = arith.index_cast %parallel_loop3A_338 : i32 to index
        %parallel_loop3A_340 = arith.index_cast %parallel_loop3A_250 : i32 to index
        %parallel_loop3A_341 = tpu.vector_load %arg21[%parallel_loop3A_339, %parallel_loop3A_340] {strides = array<i32>} : memref<16x1024xf32, #tpu.memory_space<vmem>>, vector<1x16xf32>,
        %parallel_loop3A_342 = vector.shape_cast %parallel_loop3A_341 : vector<1x16xf32> to vector<16xf32>
        %parallel_loop3A_343 = vector.shape_cast %parallel_loop3A_337 : vector<16xf32> to vector<1x16xf32>
        tpu.vector_store %arg21[%parallel_loop3A_339, %parallel_loop3A_340], %parallel_loop3A_343 {strides = array<i32>} : memref<16x1024xf32, #tpu.memory_space<vmem>>, vector<1x16xf32>,
        %parallel_loop3A_344 = arith.constant 3 : i32
        %parallel_loop3A_345 = arith.index_cast %parallel_loop3A_344 : i32 to index
        %parallel_loop3A_346 = arith.index_cast %parallel_loop3A_250 : i32 to index
        %parallel_loop3A_347 = tpu.vector_load %arg16[%parallel_loop3A_345, %parallel_loop3A_346] {strides = array<i32>} : memref<16x1024xf32, #tpu.memory_space<vmem>>, vector<1x16xf32>,
        %parallel_loop3A_348 = vector.shape_cast %parallel_loop3A_347 : vector<1x16xf32> to vector<16xf32>
        %parallel_loop3A_349 = arith.constant 3 : i32
        %parallel_loop3A_350 = arith.index_cast %parallel_loop3A_349 : i32 to index
        %parallel_loop3A_351 = arith.index_cast %parallel_loop3A_250 : i32 to index
        %parallel_loop3A_352 = tpu.vector_load %arg18[%parallel_loop3A_350, %parallel_loop3A_351] {strides = array<i32>} : memref<16x1024xf32, #tpu.memory_space<vmem>>, vector<1x16xf32>,
        %parallel_loop3A_353 = vector.shape_cast %parallel_loop3A_352 : vector<1x16xf32> to vector<16xf32>
        %parallel_loop3A_354 = arith.addf %parallel_loop3A_348, %parallel_loop3A_353 : vector<16xf32>
        %parallel_loop3A_355 = arith.constant 3 : i32
        %parallel_loop3A_356 = arith.index_cast %parallel_loop3A_355 : i32 to index
        %parallel_loop3A_357 = arith.index_cast %parallel_loop3A_250 : i32 to index
        %parallel_loop3A_358 = tpu.vector_load %arg20[%parallel_loop3A_356, %parallel_loop3A_357] {strides = array<i32>} : memref<16x1024xf32, #tpu.memory_space<vmem>>, vector<1x16xf32>,
        %parallel_loop3A_359 = vector.shape_cast %parallel_loop3A_358 : vector<1x16xf32> to vector<16xf32>
        %parallel_loop3A_360 = arith.addf %parallel_loop3A_354, %parallel_loop3A_359 : vector<16xf32>
        %parallel_loop3A_361 = vector.broadcast %squeeze3A_82 : f32 to vector<16xf32>
        %parallel_loop3A_362 = arith.subf %parallel_loop3A_360, %parallel_loop3A_361 : vector<16xf32>
        %parallel_loop3A_363 = vector.broadcast %squeeze3A_114 : f32 to vector<16xf32>
        %parallel_loop3A_364 = arith.mulf %parallel_loop3A_362, %parallel_loop3A_363 : vector<16xf32>
        %parallel_loop3A_365 = arith.mulf %parallel_loop3A_364, %parallel_loop3A_253 : vector<16xf32>
        %parallel_loop3A_366 = arith.addf %parallel_loop3A_365, %parallel_loop3A_256 : vector<16xf32>
        %parallel_loop3A_367 = arith.constant 3 : i32
        %parallel_loop3A_368 = arith.index_cast %parallel_loop3A_367 : i32 to index
        %parallel_loop3A_369 = arith.index_cast %parallel_loop3A_250 : i32 to index
        %parallel_loop3A_370 = tpu.vector_load %arg21[%parallel_loop3A_368, %parallel_loop3A_369] {strides = array<i32>} : memref<16x1024xf32, #tpu.memory_space<vmem>>, vector<1x16xf32>,
        %parallel_loop3A_371 = vector.shape_cast %parallel_loop3A_370 : vector<1x16xf32> to vector<16xf32>
        %parallel_loop3A_372 = vector.shape_cast %parallel_loop3A_366 : vector<16xf32> to vector<1x16xf32>
        tpu.vector_store %arg21[%parallel_loop3A_368, %parallel_loop3A_369], %parallel_loop3A_372 {strides = array<i32>} : memref<16x1024xf32, #tpu.memory_space<vmem>>, vector<1x16xf32>,
        %parallel_loop3A_373 = arith.constant 4 : i32
        %parallel_loop3A_374 = arith.index_cast %parallel_loop3A_373 : i32 to index
        %parallel_loop3A_375 = arith.index_cast %parallel_loop3A_250 : i32 to index
        %parallel_loop3A_376 = tpu.vector_load %arg16[%parallel_loop3A_374, %parallel_loop3A_375] {strides = array<i32>} : memref<16x1024xf32, #tpu.memory_space<vmem>>, vector<1x16xf32>,
        %parallel_loop3A_377 = vector.shape_cast %parallel_loop3A_376 : vector<1x16xf32> to vector<16xf32>
        %parallel_loop3A_378 = arith.constant 4 : i32
        %parallel_loop3A_379 = arith.index_cast %parallel_loop3A_378 : i32 to index
        %parallel_loop3A_380 = arith.index_cast %parallel_loop3A_250 : i32 to index
        %parallel_loop3A_381 = tpu.vector_load %arg18[%parallel_loop3A_379, %parallel_loop3A_380] {strides = array<i32>} : memref<16x1024xf32, #tpu.memory_space<vmem>>, vector<1x16xf32>,
        %parallel_loop3A_382 = vector.shape_cast %parallel_loop3A_381 : vector<1x16xf32> to vector<16xf32>
        %parallel_loop3A_383 = arith.addf %parallel_loop3A_377, %parallel_loop3A_382 : vector<16xf32>
        %parallel_loop3A_384 = arith.constant 4 : i32
        %parallel_loop3A_385 = arith.index_cast %parallel_loop3A_384 : i32 to index
        %parallel_loop3A_386 = arith.index_cast %parallel_loop3A_250 : i32 to index
        %parallel_loop3A_387 = tpu.vector_load %arg20[%parallel_loop3A_385, %parallel_loop3A_386] {strides = array<i32>} : memref<16x1024xf32, #tpu.memory_space<vmem>>, vector<1x16xf32>,
        %parallel_loop3A_388 = vector.shape_cast %parallel_loop3A_387 : vector<1x16xf32> to vector<16xf32>
        %parallel_loop3A_389 = arith.addf %parallel_loop3A_383, %parallel_loop3A_388 : vector<16xf32>
        %parallel_loop3A_390 = vector.broadcast %squeeze3A_84 : f32 to vector<16xf32>
        %parallel_loop3A_391 = arith.subf %parallel_loop3A_389, %parallel_loop3A_390 : vector<16xf32>
        %parallel_loop3A_392 = vector.broadcast %squeeze3A_116 : f32 to vector<16xf32>
        %parallel_loop3A_393 = arith.mulf %parallel_loop3A_391, %parallel_loop3A_392 : vector<16xf32>
        %parallel_loop3A_394 = arith.mulf %parallel_loop3A_393, %parallel_loop3A_253 : vector<16xf32>
        %parallel_loop3A_395 = arith.addf %parallel_loop3A_394, %parallel_loop3A_256 : vector<16xf32>
        %parallel_loop3A_396 = arith.constant 4 : i32
        %parallel_loop3A_397 = arith.index_cast %parallel_loop3A_396 : i32 to index
        %parallel_loop3A_398 = arith.index_cast %parallel_loop3A_250 : i32 to index
        %parallel_loop3A_399 = tpu.vector_load %arg21[%parallel_loop3A_397, %parallel_loop3A_398] {strides = array<i32>} : memref<16x1024xf32, #tpu.memory_space<vmem>>, vector<1x16xf32>,
        %parallel_loop3A_400 = vector.shape_cast %parallel_loop3A_399 : vector<1x16xf32> to vector<16xf32>
        %parallel_loop3A_401 = vector.shape_cast %parallel_loop3A_395 : vector<16xf32> to vector<1x16xf32>
        tpu.vector_store %arg21[%parallel_loop3A_397, %parallel_loop3A_398], %parallel_loop3A_401 {strides = array<i32>} : memref<16x1024xf32, #tpu.memory_space<vmem>>, vector<1x16xf32>,
        %parallel_loop3A_402 = arith.constant 5 : i32
        %parallel_loop3A_403 = arith.index_cast %parallel_loop3A_402 : i32 to index
        %parallel_loop3A_404 = arith.index_cast %parallel_loop3A_250 : i32 to index
        %parallel_loop3A_405 = tpu.vector_load %arg16[%parallel_loop3A_403, %parallel_loop3A_404] {strides = array<i32>} : memref<16x1024xf32, #tpu.memory_space<vmem>>, vector<1x16xf32>,
        %parallel_loop3A_406 = vector.shape_cast %parallel_loop3A_405 : vector<1x16xf32> to vector<16xf32>
        %parallel_loop3A_407 = arith.constant 5 : i32
        %parallel_loop3A_408 = arith.index_cast %parallel_loop3A_407 : i32 to index
        %parallel_loop3A_409 = arith.index_cast %parallel_loop3A_250 : i32 to index
        %parallel_loop3A_410 = tpu.vector_load %arg18[%parallel_loop3A_408, %parallel_loop3A_409] {strides = array<i32>} : memref<16x1024xf32, #tpu.memory_space<vmem>>, vector<1x16xf32>,
        %parallel_loop3A_411 = vector.shape_cast %parallel_loop3A_410 : vector<1x16xf32> to vector<16xf32>
        %parallel_loop3A_412 = arith.addf %parallel_loop3A_406, %parallel_loop3A_411 : vector<16xf32>
        %parallel_loop3A_413 = arith.constant 5 : i32
        %parallel_loop3A_414 = arith.index_cast %parallel_loop3A_413 : i32 to index
        %parallel_loop3A_415 = arith.index_cast %parallel_loop3A_250 : i32 to index
        %parallel_loop3A_416 = tpu.vector_load %arg20[%parallel_loop3A_414, %parallel_loop3A_415] {strides = array<i32>} : memref<16x1024xf32, #tpu.memory_space<vmem>>, vector<1x16xf32>,
        %parallel_loop3A_417 = vector.shape_cast %parallel_loop3A_416 : vector<1x16xf32> to vector<16xf32>
        %parallel_loop3A_418 = arith.addf %parallel_loop3A_412, %parallel_loop3A_417 : vector<16xf32>
        %parallel_loop3A_419 = vector.broadcast %squeeze3A_86 : f32 to vector<16xf32>
        %parallel_loop3A_420 = arith.subf %parallel_loop3A_418, %parallel_loop3A_419 : vector<16xf32>
        %parallel_loop3A_421 = vector.broadcast %squeeze3A_118 : f32 to vector<16xf32>
        %parallel_loop3A_422 = arith.mulf %parallel_loop3A_420, %parallel_loop3A_421 : vector<16xf32>
        %parallel_loop3A_423 = arith.mulf %parallel_loop3A_422, %parallel_loop3A_253 : vector<16xf32>
        %parallel_loop3A_424 = arith.addf %parallel_loop3A_423, %parallel_loop3A_256 : vector<16xf32>
        %parallel_loop3A_425 = arith.constant 5 : i32
        %parallel_loop3A_426 = arith.index_cast %parallel_loop3A_425 : i32 to index
        %parallel_loop3A_427 = arith.index_cast %parallel_loop3A_250 : i32 to index
        %parallel_loop3A_428 = tpu.vector_load %arg21[%parallel_loop3A_426, %parallel_loop3A_427] {strides = array<i32>} : memref<16x1024xf32, #tpu.memory_space<vmem>>, vector<1x16xf32>,
        %parallel_loop3A_429 = vector.shape_cast %parallel_loop3A_428 : vector<1x16xf32> to vector<16xf32>
        %parallel_loop3A_430 = vector.shape_cast %parallel_loop3A_424 : vector<16xf32> to vector<1x16xf32>
        tpu.vector_store %arg21[%parallel_loop3A_426, %parallel_loop3A_427], %parallel_loop3A_430 {strides = array<i32>} : memref<16x1024xf32, #tpu.memory_space<vmem>>, vector<1x16xf32>,
        %parallel_loop3A_431 = arith.constant 6 : i32
        %parallel_loop3A_432 = arith.index_cast %parallel_loop3A_431 : i32 to index
        %parallel_loop3A_433 = arith.index_cast %parallel_loop3A_250 : i32 to index
        %parallel_loop3A_434 = tpu.vector_load %arg16[%parallel_loop3A_432, %parallel_loop3A_433] {strides = array<i32>} : memref<16x1024xf32, #tpu.memory_space<vmem>>, vector<1x16xf32>,
        %parallel_loop3A_435 = vector.shape_cast %parallel_loop3A_434 : vector<1x16xf32> to vector<16xf32>
        %parallel_loop3A_436 = arith.constant 6 : i32
        %parallel_loop3A_437 = arith.index_cast %parallel_loop3A_436 : i32 to index
        %parallel_loop3A_438 = arith.index_cast %parallel_loop3A_250 : i32 to index
        %parallel_loop3A_439 = tpu.vector_load %arg18[%parallel_loop3A_437, %parallel_loop3A_438] {strides = array<i32>} : memref<16x1024xf32, #tpu.memory_space<vmem>>, vector<1x16xf32>,
        %parallel_loop3A_440 = vector.shape_cast %parallel_loop3A_439 : vector<1x16xf32> to vector<16xf32>
        %parallel_loop3A_441 = arith.addf %parallel_loop3A_435, %parallel_loop3A_440 : vector<16xf32>
        %parallel_loop3A_442 = arith.constant 6 : i32
        %parallel_loop3A_443 = arith.index_cast %parallel_loop3A_442 : i32 to index
        %parallel_loop3A_444 = arith.index_cast %parallel_loop3A_250 : i32 to index
        %parallel_loop3A_445 = tpu.vector_load %arg20[%parallel_loop3A_443, %parallel_loop3A_444] {strides = array<i32>} : memref<16x1024xf32, #tpu.memory_space<vmem>>, vector<1x16xf32>,
        %parallel_loop3A_446 = vector.shape_cast %parallel_loop3A_445 : vector<1x16xf32> to vector<16xf32>
        %parallel_loop3A_447 = arith.addf %parallel_loop3A_441, %parallel_loop3A_446 : vector<16xf32>
        %parallel_loop3A_448 = vector.broadcast %squeeze3A_88 : f32 to vector<16xf32>
        %parallel_loop3A_449 = arith.subf %parallel_loop3A_447, %parallel_loop3A_448 : vector<16xf32>
        %parallel_loop3A_450 = vector.broadcast %squeeze3A_120 : f32 to vector<16xf32>
        %parallel_loop3A_451 = arith.mulf %parallel_loop3A_449, %parallel_loop3A_450 : vector<16xf32>
        %parallel_loop3A_452 = arith.mulf %parallel_loop3A_451, %parallel_loop3A_253 : vector<16xf32>
        %parallel_loop3A_453 = arith.addf %parallel_loop3A_452, %parallel_loop3A_256 : vector<16xf32>
        %parallel_loop3A_454 = arith.constant 6 : i32
        %parallel_loop3A_455 = arith.index_cast %parallel_loop3A_454 : i32 to index
        %parallel_loop3A_456 = arith.index_cast %parallel_loop3A_250 : i32 to index
        %parallel_loop3A_457 = tpu.vector_load %arg21[%parallel_loop3A_455, %parallel_loop3A_456] {strides = array<i32>} : memref<16x1024xf32, #tpu.memory_space<vmem>>, vector<1x16xf32>,
        %parallel_loop3A_458 = vector.shape_cast %parallel_loop3A_457 : vector<1x16xf32> to vector<16xf32>
        %parallel_loop3A_459 = vector.shape_cast %parallel_loop3A_453 : vector<16xf32> to vector<1x16xf32>
        tpu.vector_store %arg21[%parallel_loop3A_455, %parallel_loop3A_456], %parallel_loop3A_459 {strides = array<i32>} : memref<16x1024xf32, #tpu.memory_space<vmem>>, vector<1x16xf32>,
        %parallel_loop3A_460 = arith.constant 7 : i32
        %parallel_loop3A_461 = arith.index_cast %parallel_loop3A_460 : i32 to index
        %parallel_loop3A_462 = arith.index_cast %parallel_loop3A_250 : i32 to index
        %parallel_loop3A_463 = tpu.vector_load %arg16[%parallel_loop3A_461, %parallel_loop3A_462] {strides = array<i32>} : memref<16x1024xf32, #tpu.memory_space<vmem>>, vector<1x16xf32>,
        %parallel_loop3A_464 = vector.shape_cast %parallel_loop3A_463 : vector<1x16xf32> to vector<16xf32>
        %parallel_loop3A_465 = arith.constant 7 : i32
        %parallel_loop3A_466 = arith.index_cast %parallel_loop3A_465 : i32 to index
        %parallel_loop3A_467 = arith.index_cast %parallel_loop3A_250 : i32 to index
        %parallel_loop3A_468 = tpu.vector_load %arg18[%parallel_loop3A_466, %parallel_loop3A_467] {strides = array<i32>} : memref<16x1024xf32, #tpu.memory_space<vmem>>, vector<1x16xf32>,
        %parallel_loop3A_469 = vector.shape_cast %parallel_loop3A_468 : vector<1x16xf32> to vector<16xf32>
        %parallel_loop3A_470 = arith.addf %parallel_loop3A_464, %parallel_loop3A_469 : vector<16xf32>
        %parallel_loop3A_471 = arith.constant 7 : i32
        %parallel_loop3A_472 = arith.index_cast %parallel_loop3A_471 : i32 to index
        %parallel_loop3A_473 = arith.index_cast %parallel_loop3A_250 : i32 to index
        %parallel_loop3A_474 = tpu.vector_load %arg20[%parallel_loop3A_472, %parallel_loop3A_473] {strides = array<i32>} : memref<16x1024xf32, #tpu.memory_space<vmem>>, vector<1x16xf32>,
        %parallel_loop3A_475 = vector.shape_cast %parallel_loop3A_474 : vector<1x16xf32> to vector<16xf32>
        %parallel_loop3A_476 = arith.addf %parallel_loop3A_470, %parallel_loop3A_475 : vector<16xf32>
        %parallel_loop3A_477 = vector.broadcast %squeeze3A_90 : f32 to vector<16xf32>
        %parallel_loop3A_478 = arith.subf %parallel_loop3A_476, %parallel_loop3A_477 : vector<16xf32>
        %parallel_loop3A_479 = vector.broadcast %squeeze3A_122 : f32 to vector<16xf32>
        %parallel_loop3A_480 = arith.mulf %parallel_loop3A_478, %parallel_loop3A_479 : vector<16xf32>
        %parallel_loop3A_481 = arith.mulf %parallel_loop3A_480, %parallel_loop3A_253 : vector<16xf32>
        %parallel_loop3A_482 = arith.addf %parallel_loop3A_481, %parallel_loop3A_256 : vector<16xf32>
        %parallel_loop3A_483 = arith.constant 7 : i32
        %parallel_loop3A_484 = arith.index_cast %parallel_loop3A_483 : i32 to index
        %parallel_loop3A_485 = arith.index_cast %parallel_loop3A_250 : i32 to index
        %parallel_loop3A_486 = tpu.vector_load %arg21[%parallel_loop3A_484, %parallel_loop3A_485] {strides = array<i32>} : memref<16x1024xf32, #tpu.memory_space<vmem>>, vector<1x16xf32>,
        %parallel_loop3A_487 = vector.shape_cast %parallel_loop3A_486 : vector<1x16xf32> to vector<16xf32>
        %parallel_loop3A_488 = vector.shape_cast %parallel_loop3A_482 : vector<16xf32> to vector<1x16xf32>
        tpu.vector_store %arg21[%parallel_loop3A_484, %parallel_loop3A_485], %parallel_loop3A_488 {strides = array<i32>} : memref<16x1024xf32, #tpu.memory_space<vmem>>, vector<1x16xf32>,
        %parallel_loop3A_489 = arith.constant 8 : i32
        %parallel_loop3A_490 = arith.index_cast %parallel_loop3A_489 : i32 to index
        %parallel_loop3A_491 = arith.index_cast %parallel_loop3A_250 : i32 to index
        %parallel_loop3A_492 = tpu.vector_load %arg16[%parallel_loop3A_490, %parallel_loop3A_491] {strides = array<i32>} : memref<16x1024xf32, #tpu.memory_space<vmem>>, vector<1x16xf32>,
        %parallel_loop3A_493 = vector.shape_cast %parallel_loop3A_492 : vector<1x16xf32> to vector<16xf32>
        %parallel_loop3A_494 = arith.constant 8 : i32
        %parallel_loop3A_495 = arith.index_cast %parallel_loop3A_494 : i32 to index
        %parallel_loop3A_496 = arith.index_cast %parallel_loop3A_250 : i32 to index
        %parallel_loop3A_497 = tpu.vector_load %arg18[%parallel_loop3A_495, %parallel_loop3A_496] {strides = array<i32>} : memref<16x1024xf32, #tpu.memory_space<vmem>>, vector<1x16xf32>,
        %parallel_loop3A_498 = vector.shape_cast %parallel_loop3A_497 : vector<1x16xf32> to vector<16xf32>
        %parallel_loop3A_499 = arith.addf %parallel_loop3A_493, %parallel_loop3A_498 : vector<16xf32>
        %parallel_loop3A_500 = arith.constant 8 : i32
        %parallel_loop3A_501 = arith.index_cast %parallel_loop3A_500 : i32 to index
        %parallel_loop3A_502 = arith.index_cast %parallel_loop3A_250 : i32 to index
        %parallel_loop3A_503 = tpu.vector_load %arg20[%parallel_loop3A_501, %parallel_loop3A_502] {strides = array<i32>} : memref<16x1024xf32, #tpu.memory_space<vmem>>, vector<1x16xf32>,
        %parallel_loop3A_504 = vector.shape_cast %parallel_loop3A_503 : vector<1x16xf32> to vector<16xf32>
        %parallel_loop3A_505 = arith.addf %parallel_loop3A_499, %parallel_loop3A_504 : vector<16xf32>
        %parallel_loop3A_506 = vector.broadcast %squeeze3A_92 : f32 to vector<16xf32>
        %parallel_loop3A_507 = arith.subf %parallel_loop3A_505, %parallel_loop3A_506 : vector<16xf32>
        %parallel_loop3A_508 = vector.broadcast %squeeze3A_124 : f32 to vector<16xf32>
        %parallel_loop3A_509 = arith.mulf %parallel_loop3A_507, %parallel_loop3A_508 : vector<16xf32>
        %parallel_loop3A_510 = arith.mulf %parallel_loop3A_509, %parallel_loop3A_253 : vector<16xf32>
        %parallel_loop3A_511 = arith.addf %parallel_loop3A_510, %parallel_loop3A_256 : vector<16xf32>
        %parallel_loop3A_512 = arith.constant 8 : i32
        %parallel_loop3A_513 = arith.index_cast %parallel_loop3A_512 : i32 to index
        %parallel_loop3A_514 = arith.index_cast %parallel_loop3A_250 : i32 to index
        %parallel_loop3A_515 = tpu.vector_load %arg21[%parallel_loop3A_513, %parallel_loop3A_514] {strides = array<i32>} : memref<16x1024xf32, #tpu.memory_space<vmem>>, vector<1x16xf32>,
        %parallel_loop3A_516 = vector.shape_cast %parallel_loop3A_515 : vector<1x16xf32> to vector<16xf32>
        %parallel_loop3A_517 = vector.shape_cast %parallel_loop3A_511 : vector<16xf32> to vector<1x16xf32>
        tpu.vector_store %arg21[%parallel_loop3A_513, %parallel_loop3A_514], %parallel_loop3A_517 {strides = array<i32>} : memref<16x1024xf32, #tpu.memory_space<vmem>>, vector<1x16xf32>,
        %parallel_loop3A_518 = arith.constant 9 : i32
        %parallel_loop3A_519 = arith.index_cast %parallel_loop3A_518 : i32 to index
        %parallel_loop3A_520 = arith.index_cast %parallel_loop3A_250 : i32 to index
        %parallel_loop3A_521 = tpu.vector_load %arg16[%parallel_loop3A_519, %parallel_loop3A_520] {strides = array<i32>} : memref<16x1024xf32, #tpu.memory_space<vmem>>, vector<1x16xf32>,
        %parallel_loop3A_522 = vector.shape_cast %parallel_loop3A_521 : vector<1x16xf32> to vector<16xf32>
        %parallel_loop3A_523 = arith.constant 9 : i32
        %parallel_loop3A_524 = arith.index_cast %parallel_loop3A_523 : i32 to index
        %parallel_loop3A_525 = arith.index_cast %parallel_loop3A_250 : i32 to index
        %parallel_loop3A_526 = tpu.vector_load %arg18[%parallel_loop3A_524, %parallel_loop3A_525] {strides = array<i32>} : memref<16x1024xf32, #tpu.memory_space<vmem>>, vector<1x16xf32>,
        %parallel_loop3A_527 = vector.shape_cast %parallel_loop3A_526 : vector<1x16xf32> to vector<16xf32>
        %parallel_loop3A_528 = arith.addf %parallel_loop3A_522, %parallel_loop3A_527 : vector<16xf32>
        %parallel_loop3A_529 = arith.constant 9 : i32
        %parallel_loop3A_530 = arith.index_cast %parallel_loop3A_529 : i32 to index
        %parallel_loop3A_531 = arith.index_cast %parallel_loop3A_250 : i32 to index
        %parallel_loop3A_532 = tpu.vector_load %arg20[%parallel_loop3A_530, %parallel_loop3A_531] {strides = array<i32>} : memref<16x1024xf32, #tpu.memory_space<vmem>>, vector<1x16xf32>,
        %parallel_loop3A_533 = vector.shape_cast %parallel_loop3A_532 : vector<1x16xf32> to vector<16xf32>
        %parallel_loop3A_534 = arith.addf %parallel_loop3A_528, %parallel_loop3A_533 : vector<16xf32>
        %parallel_loop3A_535 = vector.broadcast %squeeze3A_94 : f32 to vector<16xf32>
        %parallel_loop3A_536 = arith.subf %parallel_loop3A_534, %parallel_loop3A_535 : vector<16xf32>
        %parallel_loop3A_537 = vector.broadcast %squeeze3A_126 : f32 to vector<16xf32>
        %parallel_loop3A_538 = arith.mulf %parallel_loop3A_536, %parallel_loop3A_537 : vector<16xf32>
        %parallel_loop3A_539 = arith.mulf %parallel_loop3A_538, %parallel_loop3A_253 : vector<16xf32>
        %parallel_loop3A_540 = arith.addf %parallel_loop3A_539, %parallel_loop3A_256 : vector<16xf32>
        %parallel_loop3A_541 = arith.constant 9 : i32
        %parallel_loop3A_542 = arith.index_cast %parallel_loop3A_541 : i32 to index
        %parallel_loop3A_543 = arith.index_cast %parallel_loop3A_250 : i32 to index
        %parallel_loop3A_544 = tpu.vector_load %arg21[%parallel_loop3A_542, %parallel_loop3A_543] {strides = array<i32>} : memref<16x1024xf32, #tpu.memory_space<vmem>>, vector<1x16xf32>,
        %parallel_loop3A_545 = vector.shape_cast %parallel_loop3A_544 : vector<1x16xf32> to vector<16xf32>
        %parallel_loop3A_546 = vector.shape_cast %parallel_loop3A_540 : vector<16xf32> to vector<1x16xf32>
        tpu.vector_store %arg21[%parallel_loop3A_542, %parallel_loop3A_543], %parallel_loop3A_546 {strides = array<i32>} : memref<16x1024xf32, #tpu.memory_space<vmem>>, vector<1x16xf32>,
        %parallel_loop3A_547 = arith.constant 10 : i32
        %parallel_loop3A_548 = arith.index_cast %parallel_loop3A_547 : i32 to index
        %parallel_loop3A_549 = arith.index_cast %parallel_loop3A_250 : i32 to index
        %parallel_loop3A_550 = tpu.vector_load %arg16[%parallel_loop3A_548, %parallel_loop3A_549] {strides = array<i32>} : memref<16x1024xf32, #tpu.memory_space<vmem>>, vector<1x16xf32>,
        %parallel_loop3A_551 = vector.shape_cast %parallel_loop3A_550 : vector<1x16xf32> to vector<16xf32>
        %parallel_loop3A_552 = arith.constant 10 : i32
        %parallel_loop3A_553 = arith.index_cast %parallel_loop3A_552 : i32 to index
        %parallel_loop3A_554 = arith.index_cast %parallel_loop3A_250 : i32 to index
        %parallel_loop3A_555 = tpu.vector_load %arg18[%parallel_loop3A_553, %parallel_loop3A_554] {strides = array<i32>} : memref<16x1024xf32, #tpu.memory_space<vmem>>, vector<1x16xf32>,
        %parallel_loop3A_556 = vector.shape_cast %parallel_loop3A_555 : vector<1x16xf32> to vector<16xf32>
        %parallel_loop3A_557 = arith.addf %parallel_loop3A_551, %parallel_loop3A_556 : vector<16xf32>
        %parallel_loop3A_558 = arith.constant 10 : i32
        %parallel_loop3A_559 = arith.index_cast %parallel_loop3A_558 : i32 to index
        %parallel_loop3A_560 = arith.index_cast %parallel_loop3A_250 : i32 to index
        %parallel_loop3A_561 = tpu.vector_load %arg20[%parallel_loop3A_559, %parallel_loop3A_560] {strides = array<i32>} : memref<16x1024xf32, #tpu.memory_space<vmem>>, vector<1x16xf32>,
        %parallel_loop3A_562 = vector.shape_cast %parallel_loop3A_561 : vector<1x16xf32> to vector<16xf32>
        %parallel_loop3A_563 = arith.addf %parallel_loop3A_557, %parallel_loop3A_562 : vector<16xf32>
        %parallel_loop3A_564 = vector.broadcast %squeeze3A_96 : f32 to vector<16xf32>
        %parallel_loop3A_565 = arith.subf %parallel_loop3A_563, %parallel_loop3A_564 : vector<16xf32>
        %parallel_loop3A_566 = vector.broadcast %squeeze3A_128 : f32 to vector<16xf32>
        %parallel_loop3A_567 = arith.mulf %parallel_loop3A_565, %parallel_loop3A_566 : vector<16xf32>
        %parallel_loop3A_568 = arith.mulf %parallel_loop3A_567, %parallel_loop3A_253 : vector<16xf32>
        %parallel_loop3A_569 = arith.addf %parallel_loop3A_568, %parallel_loop3A_256 : vector<16xf32>
        %parallel_loop3A_570 = arith.constant 10 : i32
        %parallel_loop3A_571 = arith.index_cast %parallel_loop3A_570 : i32 to index
        %parallel_loop3A_572 = arith.index_cast %parallel_loop3A_250 : i32 to index
        %parallel_loop3A_573 = tpu.vector_load %arg21[%parallel_loop3A_571, %parallel_loop3A_572] {strides = array<i32>} : memref<16x1024xf32, #tpu.memory_space<vmem>>, vector<1x16xf32>,
        %parallel_loop3A_574 = vector.shape_cast %parallel_loop3A_573 : vector<1x16xf32> to vector<16xf32>
        %parallel_loop3A_575 = vector.shape_cast %parallel_loop3A_569 : vector<16xf32> to vector<1x16xf32>
        tpu.vector_store %arg21[%parallel_loop3A_571, %parallel_loop3A_572], %parallel_loop3A_575 {strides = array<i32>} : memref<16x1024xf32, #tpu.memory_space<vmem>>, vector<1x16xf32>,
        %parallel_loop3A_576 = arith.constant 11 : i32
        %parallel_loop3A_577 = arith.index_cast %parallel_loop3A_576 : i32 to index
        %parallel_loop3A_578 = arith.index_cast %parallel_loop3A_250 : i32 to index
        %parallel_loop3A_579 = tpu.vector_load %arg16[%parallel_loop3A_577, %parallel_loop3A_578] {strides = array<i32>} : memref<16x1024xf32, #tpu.memory_space<vmem>>, vector<1x16xf32>,
        %parallel_loop3A_580 = vector.shape_cast %parallel_loop3A_579 : vector<1x16xf32> to vector<16xf32>
        %parallel_loop3A_581 = arith.constant 11 : i32
        %parallel_loop3A_582 = arith.index_cast %parallel_loop3A_581 : i32 to index
        %parallel_loop3A_583 = arith.index_cast %parallel_loop3A_250 : i32 to index
        %parallel_loop3A_584 = tpu.vector_load %arg18[%parallel_loop3A_582, %parallel_loop3A_583] {strides = array<i32>} : memref<16x1024xf32, #tpu.memory_space<vmem>>, vector<1x16xf32>,
        %parallel_loop3A_585 = vector.shape_cast %parallel_loop3A_584 : vector<1x16xf32> to vector<16xf32>
        %parallel_loop3A_586 = arith.addf %parallel_loop3A_580, %parallel_loop3A_585 : vector<16xf32>
        %parallel_loop3A_587 = arith.constant 11 : i32
        %parallel_loop3A_588 = arith.index_cast %parallel_loop3A_587 : i32 to index
        %parallel_loop3A_589 = arith.index_cast %parallel_loop3A_250 : i32 to index
        %parallel_loop3A_590 = tpu.vector_load %arg20[%parallel_loop3A_588, %parallel_loop3A_589] {strides = array<i32>} : memref<16x1024xf32, #tpu.memory_space<vmem>>, vector<1x16xf32>,
        %parallel_loop3A_591 = vector.shape_cast %parallel_loop3A_590 : vector<1x16xf32> to vector<16xf32>
        %parallel_loop3A_592 = arith.addf %parallel_loop3A_586, %parallel_loop3A_591 : vector<16xf32>
        %parallel_loop3A_593 = vector.broadcast %squeeze3A_98 : f32 to vector<16xf32>
        %parallel_loop3A_594 = arith.subf %parallel_loop3A_592, %parallel_loop3A_593 : vector<16xf32>
        %parallel_loop3A_595 = vector.broadcast %squeeze3A_130 : f32 to vector<16xf32>
        %parallel_loop3A_596 = arith.mulf %parallel_loop3A_594, %parallel_loop3A_595 : vector<16xf32>
        %parallel_loop3A_597 = arith.mulf %parallel_loop3A_596, %parallel_loop3A_253 : vector<16xf32>
        %parallel_loop3A_598 = arith.addf %parallel_loop3A_597, %parallel_loop3A_256 : vector<16xf32>
        %parallel_loop3A_599 = arith.constant 11 : i32
        %parallel_loop3A_600 = arith.index_cast %parallel_loop3A_599 : i32 to index
        %parallel_loop3A_601 = arith.index_cast %parallel_loop3A_250 : i32 to index
        %parallel_loop3A_602 = tpu.vector_load %arg21[%parallel_loop3A_600, %parallel_loop3A_601] {strides = array<i32>} : memref<16x1024xf32, #tpu.memory_space<vmem>>, vector<1x16xf32>,
        %parallel_loop3A_603 = vector.shape_cast %parallel_loop3A_602 : vector<1x16xf32> to vector<16xf32>
        %parallel_loop3A_604 = vector.shape_cast %parallel_loop3A_598 : vector<16xf32> to vector<1x16xf32>
        tpu.vector_store %arg21[%parallel_loop3A_600, %parallel_loop3A_601], %parallel_loop3A_604 {strides = array<i32>} : memref<16x1024xf32, #tpu.memory_space<vmem>>, vector<1x16xf32>,
        %parallel_loop3A_605 = arith.constant 12 : i32
        %parallel_loop3A_606 = arith.index_cast %parallel_loop3A_605 : i32 to index
        %parallel_loop3A_607 = arith.index_cast %parallel_loop3A_250 : i32 to index
        %parallel_loop3A_608 = tpu.vector_load %arg16[%parallel_loop3A_606, %parallel_loop3A_607] {strides = array<i32>} : memref<16x1024xf32, #tpu.memory_space<vmem>>, vector<1x16xf32>,
        %parallel_loop3A_609 = vector.shape_cast %parallel_loop3A_608 : vector<1x16xf32> to vector<16xf32>
        %parallel_loop3A_610 = arith.constant 12 : i32
        %parallel_loop3A_611 = arith.index_cast %parallel_loop3A_610 : i32 to index
        %parallel_loop3A_612 = arith.index_cast %parallel_loop3A_250 : i32 to index
        %parallel_loop3A_613 = tpu.vector_load %arg18[%parallel_loop3A_611, %parallel_loop3A_612] {strides = array<i32>} : memref<16x1024xf32, #tpu.memory_space<vmem>>, vector<1x16xf32>,
        %parallel_loop3A_614 = vector.shape_cast %parallel_loop3A_613 : vector<1x16xf32> to vector<16xf32>
        %parallel_loop3A_615 = arith.addf %parallel_loop3A_609, %parallel_loop3A_614 : vector<16xf32>
        %parallel_loop3A_616 = arith.constant 12 : i32
        %parallel_loop3A_617 = arith.index_cast %parallel_loop3A_616 : i32 to index
        %parallel_loop3A_618 = arith.index_cast %parallel_loop3A_250 : i32 to index
        %parallel_loop3A_619 = tpu.vector_load %arg20[%parallel_loop3A_617, %parallel_loop3A_618] {strides = array<i32>} : memref<16x1024xf32, #tpu.memory_space<vmem>>, vector<1x16xf32>,
        %parallel_loop3A_620 = vector.shape_cast %parallel_loop3A_619 : vector<1x16xf32> to vector<16xf32>
        %parallel_loop3A_621 = arith.addf %parallel_loop3A_615, %parallel_loop3A_620 : vector<16xf32>
        %parallel_loop3A_622 = vector.broadcast %squeeze3A_100 : f32 to vector<16xf32>
        %parallel_loop3A_623 = arith.subf %parallel_loop3A_621, %parallel_loop3A_622 : vector<16xf32>
        %parallel_loop3A_624 = vector.broadcast %squeeze3A_132 : f32 to vector<16xf32>
        %parallel_loop3A_625 = arith.mulf %parallel_loop3A_623, %parallel_loop3A_624 : vector<16xf32>
        %parallel_loop3A_626 = arith.mulf %parallel_loop3A_625, %parallel_loop3A_253 : vector<16xf32>
        %parallel_loop3A_627 = arith.addf %parallel_loop3A_626, %parallel_loop3A_256 : vector<16xf32>
        %parallel_loop3A_628 = arith.constant 12 : i32
        %parallel_loop3A_629 = arith.index_cast %parallel_loop3A_628 : i32 to index
        %parallel_loop3A_630 = arith.index_cast %parallel_loop3A_250 : i32 to index
        %parallel_loop3A_631 = tpu.vector_load %arg21[%parallel_loop3A_629, %parallel_loop3A_630] {strides = array<i32>} : memref<16x1024xf32, #tpu.memory_space<vmem>>, vector<1x16xf32>,
        %parallel_loop3A_632 = vector.shape_cast %parallel_loop3A_631 : vector<1x16xf32> to vector<16xf32>
        %parallel_loop3A_633 = vector.shape_cast %parallel_loop3A_627 : vector<16xf32> to vector<1x16xf32>
        tpu.vector_store %arg21[%parallel_loop3A_629, %parallel_loop3A_630], %parallel_loop3A_633 {strides = array<i32>} : memref<16x1024xf32, #tpu.memory_space<vmem>>, vector<1x16xf32>,
        %parallel_loop3A_634 = arith.constant 13 : i32
        %parallel_loop3A_635 = arith.index_cast %parallel_loop3A_634 : i32 to index
        %parallel_loop3A_636 = arith.index_cast %parallel_loop3A_250 : i32 to index
        %parallel_loop3A_637 = tpu.vector_load %arg16[%parallel_loop3A_635, %parallel_loop3A_636] {strides = array<i32>} : memref<16x1024xf32, #tpu.memory_space<vmem>>, vector<1x16xf32>,
        %parallel_loop3A_638 = vector.shape_cast %parallel_loop3A_637 : vector<1x16xf32> to vector<16xf32>
        %parallel_loop3A_639 = arith.constant 13 : i32
        %parallel_loop3A_640 = arith.index_cast %parallel_loop3A_639 : i32 to index
        %parallel_loop3A_641 = arith.index_cast %parallel_loop3A_250 : i32 to index
        %parallel_loop3A_642 = tpu.vector_load %arg18[%parallel_loop3A_640, %parallel_loop3A_641] {strides = array<i32>} : memref<16x1024xf32, #tpu.memory_space<vmem>>, vector<1x16xf32>,
        %parallel_loop3A_643 = vector.shape_cast %parallel_loop3A_642 : vector<1x16xf32> to vector<16xf32>
        %parallel_loop3A_644 = arith.addf %parallel_loop3A_638, %parallel_loop3A_643 : vector<16xf32>
        %parallel_loop3A_645 = arith.constant 13 : i32
        %parallel_loop3A_646 = arith.index_cast %parallel_loop3A_645 : i32 to index
        %parallel_loop3A_647 = arith.index_cast %parallel_loop3A_250 : i32 to index
        %parallel_loop3A_648 = tpu.vector_load %arg20[%parallel_loop3A_646, %parallel_loop3A_647] {strides = array<i32>} : memref<16x1024xf32, #tpu.memory_space<vmem>>, vector<1x16xf32>,
        %parallel_loop3A_649 = vector.shape_cast %parallel_loop3A_648 : vector<1x16xf32> to vector<16xf32>
        %parallel_loop3A_650 = arith.addf %parallel_loop3A_644, %parallel_loop3A_649 : vector<16xf32>
        %parallel_loop3A_651 = vector.broadcast %squeeze3A_102 : f32 to vector<16xf32>
        %parallel_loop3A_652 = arith.subf %parallel_loop3A_650, %parallel_loop3A_651 : vector<16xf32>
        %parallel_loop3A_653 = vector.broadcast %squeeze3A_134 : f32 to vector<16xf32>
        %parallel_loop3A_654 = arith.mulf %parallel_loop3A_652, %parallel_loop3A_653 : vector<16xf32>
        %parallel_loop3A_655 = arith.mulf %parallel_loop3A_654, %parallel_loop3A_253 : vector<16xf32>
        %parallel_loop3A_656 = arith.addf %parallel_loop3A_655, %parallel_loop3A_256 : vector<16xf32>
        %parallel_loop3A_657 = arith.constant 13 : i32
        %parallel_loop3A_658 = arith.index_cast %parallel_loop3A_657 : i32 to index
        %parallel_loop3A_659 = arith.index_cast %parallel_loop3A_250 : i32 to index
        %parallel_loop3A_660 = tpu.vector_load %arg21[%parallel_loop3A_658, %parallel_loop3A_659] {strides = array<i32>} : memref<16x1024xf32, #tpu.memory_space<vmem>>, vector<1x16xf32>,
        %parallel_loop3A_661 = vector.shape_cast %parallel_loop3A_660 : vector<1x16xf32> to vector<16xf32>
        %parallel_loop3A_662 = vector.shape_cast %parallel_loop3A_656 : vector<16xf32> to vector<1x16xf32>
        tpu.vector_store %arg21[%parallel_loop3A_658, %parallel_loop3A_659], %parallel_loop3A_662 {strides = array<i32>} : memref<16x1024xf32, #tpu.memory_space<vmem>>, vector<1x16xf32>,
        %parallel_loop3A_663 = arith.constant 14 : i32
        %parallel_loop3A_664 = arith.index_cast %parallel_loop3A_663 : i32 to index
        %parallel_loop3A_665 = arith.index_cast %parallel_loop3A_250 : i32 to index
        %parallel_loop3A_666 = tpu.vector_load %arg16[%parallel_loop3A_664, %parallel_loop3A_665] {strides = array<i32>} : memref<16x1024xf32, #tpu.memory_space<vmem>>, vector<1x16xf32>,
        %parallel_loop3A_667 = vector.shape_cast %parallel_loop3A_666 : vector<1x16xf32> to vector<16xf32>
        %parallel_loop3A_668 = arith.constant 14 : i32
        %parallel_loop3A_669 = arith.index_cast %parallel_loop3A_668 : i32 to index
        %parallel_loop3A_670 = arith.index_cast %parallel_loop3A_250 : i32 to index
        %parallel_loop3A_671 = tpu.vector_load %arg18[%parallel_loop3A_669, %parallel_loop3A_670] {strides = array<i32>} : memref<16x1024xf32, #tpu.memory_space<vmem>>, vector<1x16xf32>,
        %parallel_loop3A_672 = vector.shape_cast %parallel_loop3A_671 : vector<1x16xf32> to vector<16xf32>
        %parallel_loop3A_673 = arith.addf %parallel_loop3A_667, %parallel_loop3A_672 : vector<16xf32>
        %parallel_loop3A_674 = arith.constant 14 : i32
        %parallel_loop3A_675 = arith.index_cast %parallel_loop3A_674 : i32 to index
        %parallel_loop3A_676 = arith.index_cast %parallel_loop3A_250 : i32 to index
        %parallel_loop3A_677 = tpu.vector_load %arg20[%parallel_loop3A_675, %parallel_loop3A_676] {strides = array<i32>} : memref<16x1024xf32, #tpu.memory_space<vmem>>, vector<1x16xf32>,
        %parallel_loop3A_678 = vector.shape_cast %parallel_loop3A_677 : vector<1x16xf32> to vector<16xf32>
        %parallel_loop3A_679 = arith.addf %parallel_loop3A_673, %parallel_loop3A_678 : vector<16xf32>
        %parallel_loop3A_680 = vector.broadcast %squeeze3A_104 : f32 to vector<16xf32>
        %parallel_loop3A_681 = arith.subf %parallel_loop3A_679, %parallel_loop3A_680 : vector<16xf32>
        %parallel_loop3A_682 = vector.broadcast %squeeze3A_136 : f32 to vector<16xf32>
        %parallel_loop3A_683 = arith.mulf %parallel_loop3A_681, %parallel_loop3A_682 : vector<16xf32>
        %parallel_loop3A_684 = arith.mulf %parallel_loop3A_683, %parallel_loop3A_253 : vector<16xf32>
        %parallel_loop3A_685 = arith.addf %parallel_loop3A_684, %parallel_loop3A_256 : vector<16xf32>
        %parallel_loop3A_686 = arith.constant 14 : i32
        %parallel_loop3A_687 = arith.index_cast %parallel_loop3A_686 : i32 to index
        %parallel_loop3A_688 = arith.index_cast %parallel_loop3A_250 : i32 to index
        %parallel_loop3A_689 = tpu.vector_load %arg21[%parallel_loop3A_687, %parallel_loop3A_688] {strides = array<i32>} : memref<16x1024xf32, #tpu.memory_space<vmem>>, vector<1x16xf32>,
        %parallel_loop3A_690 = vector.shape_cast %parallel_loop3A_689 : vector<1x16xf32> to vector<16xf32>
        %parallel_loop3A_691 = vector.shape_cast %parallel_loop3A_685 : vector<16xf32> to vector<1x16xf32>
        tpu.vector_store %arg21[%parallel_loop3A_687, %parallel_loop3A_688], %parallel_loop3A_691 {strides = array<i32>} : memref<16x1024xf32, #tpu.memory_space<vmem>>, vector<1x16xf32>,
        %parallel_loop3A_692 = arith.constant 15 : i32
        %parallel_loop3A_693 = arith.index_cast %parallel_loop3A_692 : i32 to index
        %parallel_loop3A_694 = arith.index_cast %parallel_loop3A_250 : i32 to index
        %parallel_loop3A_695 = tpu.vector_load %arg16[%parallel_loop3A_693, %parallel_loop3A_694] {strides = array<i32>} : memref<16x1024xf32, #tpu.memory_space<vmem>>, vector<1x16xf32>,
        %parallel_loop3A_696 = vector.shape_cast %parallel_loop3A_695 : vector<1x16xf32> to vector<16xf32>
        %parallel_loop3A_697 = arith.constant 15 : i32
        %parallel_loop3A_698 = arith.index_cast %parallel_loop3A_697 : i32 to index
        %parallel_loop3A_699 = arith.index_cast %parallel_loop3A_250 : i32 to index
        %parallel_loop3A_700 = tpu.vector_load %arg18[%parallel_loop3A_698, %parallel_loop3A_699] {strides = array<i32>} : memref<16x1024xf32, #tpu.memory_space<vmem>>, vector<1x16xf32>,
        %parallel_loop3A_701 = vector.shape_cast %parallel_loop3A_700 : vector<1x16xf32> to vector<16xf32>
        %parallel_loop3A_702 = arith.addf %parallel_loop3A_696, %parallel_loop3A_701 : vector<16xf32>
        %parallel_loop3A_703 = arith.constant 15 : i32
        %parallel_loop3A_704 = arith.index_cast %parallel_loop3A_703 : i32 to index
        %parallel_loop3A_705 = arith.index_cast %parallel_loop3A_250 : i32 to index
        %parallel_loop3A_706 = tpu.vector_load %arg20[%parallel_loop3A_704, %parallel_loop3A_705] {strides = array<i32>} : memref<16x1024xf32, #tpu.memory_space<vmem>>, vector<1x16xf32>,
        %parallel_loop3A_707 = vector.shape_cast %parallel_loop3A_706 : vector<1x16xf32> to vector<16xf32>
        %parallel_loop3A_708 = arith.addf %parallel_loop3A_702, %parallel_loop3A_707 : vector<16xf32>
        %parallel_loop3A_709 = vector.broadcast %squeeze3A_106 : f32 to vector<16xf32>
        %parallel_loop3A_710 = arith.subf %parallel_loop3A_708, %parallel_loop3A_709 : vector<16xf32>
        %parallel_loop3A_711 = vector.broadcast %squeeze3A_138 : f32 to vector<16xf32>
        %parallel_loop3A_712 = arith.mulf %parallel_loop3A_710, %parallel_loop3A_711 : vector<16xf32>
        %parallel_loop3A_713 = arith.mulf %parallel_loop3A_712, %parallel_loop3A_253 : vector<16xf32>
        %parallel_loop3A_714 = arith.addf %parallel_loop3A_713, %parallel_loop3A_256 : vector<16xf32>
        %parallel_loop3A_715 = arith.constant 15 : i32
        %parallel_loop3A_716 = arith.index_cast %parallel_loop3A_715 : i32 to index
        %parallel_loop3A_717 = arith.index_cast %parallel_loop3A_250 : i32 to index
        %parallel_loop3A_718 = tpu.vector_load %arg21[%parallel_loop3A_716, %parallel_loop3A_717] {strides = array<i32>} : memref<16x1024xf32, #tpu.memory_space<vmem>>, vector<1x16xf32>,
        %parallel_loop3A_719 = vector.shape_cast %parallel_loop3A_718 : vector<1x16xf32> to vector<16xf32>
        %parallel_loop3A_720 = vector.shape_cast %parallel_loop3A_714 : vector<16xf32> to vector<1x16xf32>
        tpu.vector_store %arg21[%parallel_loop3A_716, %parallel_loop3A_717], %parallel_loop3A_720 {strides = array<i32>} : memref<16x1024xf32, #tpu.memory_space<vmem>>, vector<1x16xf32>,
      } {sc.loop_unroll_factor = 2 : i64, sc.parallel_access}
      %mul3A_141 = arith.constant 16 : i32
      %mul3A_142 = arith.muli %scan3A_25, %mul3A_141 : i32
      %add3A_143 = arith.addi %mul3A_2, %mul3A_142 : i32
      %dma_start3A_144 = arith.constant 0 : i32
      %dma_start3A_145 = tpu.memref_slice %arg11[%add3A_143, %dma_start3A_144] : memref<32768x1024xf32, #tpu.memory_space<hbm>> -> memref<16x1024xf32, #tpu.memory_space<hbm>>
      %dma_start3A_146 = arith.constant 0 : i32
      %dma_start3A_147 = tpu.memref_slice %arg11[%add3A_143, %dma_start3A_146] : memref<32768x1024xf32, #tpu.memory_space<hbm>> -> memref<16x1024xf32, #tpu.memory_space<hbm>>
      tpu.enqueue_dma source(%arg21 : memref<16x1024xf32, #tpu.memory_space<vmem>>) target(%dma_start3A_147 : memref<16x1024xf32, #tpu.memory_space<hbm>>) target_semaphore(%arg29 : memref<!tpu.dma_semaphore, #tpu.memory_space<semaphore_mem>>)
      %lt3A = arith.constant 31 : i32
      %lt3A_148 = arith.cmpi slt, %scan3A_25, %lt3A : i32
      %convert_element_type3A_149 = arith.extui %lt3A_148 : i1 to i32
      %cond3A_150 = arith.constant 0 : i32
      %cond3A_151 = arith.cmpi ne, %convert_element_type3A_149, %cond3A_150 : i32
      scf.if %cond3A_151 {
        %add3A_250 = arith.constant 1 : i32
        %add3A_251 = arith.addi %scan3A_25, %add3A_250 : i32
        %mul3A_252 = arith.constant 16 : i32
        %mul3A_253 = arith.muli %add3A_251, %mul3A_252 : i32
        %get3A_254 = arith.index_cast %mul3A_253 : i32 to index
        %get3A_255 = tpu.vector_load %arg12[%get3A_254] {strides = array<i32>} : memref<1024xi32, #tpu.memory_space<vmem>>, vector<16xi32>,
        %get3A_256 = vector.shape_cast %get3A_255 : vector<16xi32> to vector<16xi32>
        %mul3A_257 = arith.constant 16 : i32
        %mul3A_258 = arith.muli %add3A_251, %mul3A_257 : i32
        %get3A_259 = arith.index_cast %mul3A_258 : i32 to index
        %get3A_260 = tpu.vector_load %arg13[%get3A_259] {strides = array<i32>} : memref<1024xi32, #tpu.memory_space<vmem>>, vector<16xi32>,
        %get3A_261 = vector.shape_cast %get3A_260 : vector<16xi32> to vector<16xi32>
        %dma_start3A_262 = arith.constant 0 : i32
        %dma_start3A_263 = arith.constant 0 : i32
        %dma_start3A_264 = tpu.memref_slice %arg5[%dma_start3A_262, %dma_start3A_263] : memref<64x1024xf32, #tpu.memory_space<hbm>> -> memref<64x1024xf32, #tpu.memory_space<hbm>>
        tpu.enqueue_indirect_dma source(%dma_start3A_264 : memref<64x1024xf32, #tpu.memory_space<hbm>>) target(%arg16 : memref<16x1024xf32, #tpu.memory_space<vmem>>) offsets(%get3A_256 : vector<16xi32>) semaphore(%arg25 : memref<!tpu.dma_semaphore, #tpu.memory_space<semaphore_mem>>)
        %dma_start3A_265 = arith.constant 0 : i32
        %dma_start3A_266 = arith.constant 0 : i32
        %dma_start3A_267 = tpu.memref_slice %arg6[%dma_start3A_265, %dma_start3A_266] : memref<64x1024xf32, #tpu.memory_space<hbm>> -> memref<64x1024xf32, #tpu.memory_space<hbm>>
        tpu.enqueue_indirect_dma source(%dma_start3A_267 : memref<64x1024xf32, #tpu.memory_space<hbm>>) target(%arg18 : memref<16x1024xf32, #tpu.memory_space<vmem>>) offsets(%get3A_261 : vector<16xi32>) semaphore(%arg27 : memref<!tpu.dma_semaphore, #tpu.memory_space<semaphore_mem>>)
      } else {
      }
      %get3A_152 = arith.constant 0 : index
      %get3A_153 = tpu.vector_load %arg12[%get3A_152] {strides = array<i32>} : memref<1024xi32, #tpu.memory_space<vmem>>, vector<16xi32>,
      %get3A_154 = vector.shape_cast %get3A_153 : vector<16xi32> to vector<16xi32>
      %dma_wait3A_155 = arith.constant 0 : i32
      %dma_wait3A_156 = arith.constant 0 : i32
      %dma_wait3A_157 = tpu.memref_slice %arg5[%dma_wait3A_155, %dma_wait3A_156] : memref<64x1024xf32, #tpu.memory_space<hbm>> -> memref<64x1024xf32, #tpu.memory_space<hbm>>
      tpu.wait_indirect_dma semaphore(%arg26 : memref<!tpu.dma_semaphore, #tpu.memory_space<semaphore_mem>>) src(%dma_wait3A_157 : memref<64x1024xf32, #tpu.memory_space<hbm>>) dst(%arg17 : memref<16x1024xf32, #tpu.memory_space<vmem>>)
      %dma_wait3A_158 = arith.constant 0 : i32
      %dma_wait3A_159 = arith.constant 0 : i32
      %dma_wait3A_160 = tpu.memref_slice %arg6[%dma_wait3A_158, %dma_wait3A_159] : memref<64x1024xf32, #tpu.memory_space<hbm>> -> memref<64x1024xf32, #tpu.memory_space<hbm>>
      tpu.wait_indirect_dma semaphore(%arg28 : memref<!tpu.dma_semaphore, #tpu.memory_space<semaphore_mem>>) src(%dma_wait3A_160 : memref<64x1024xf32, #tpu.memory_space<hbm>>) dst(%arg19 : memref<16x1024xf32, #tpu.memory_space<vmem>>)
      %gt3A_161 = arith.constant 0 : i32
      %gt3A_162 = arith.cmpi sgt, %scan3A_25, %gt3A_161 : i32
      %convert_element_type3A_163 = arith.extui %gt3A_162 : i1 to i32
      %cond3A_164 = arith.constant 0 : i32
      %cond3A_165 = arith.cmpi ne, %convert_element_type3A_163, %cond3A_164 : i32
      scf.if %cond3A_165 {
        %dma_wait3A_250 = arith.constant 0 : i32
        %dma_wait3A_251 = tpu.memref_slice %arg11[%mul3A_2, %dma_wait3A_250] : memref<32768x1024xf32, #tpu.memory_space<hbm>> -> memref<16x1024xf32, #tpu.memory_space<hbm>>
        %dma_wait3A_252 = arith.constant 0 : i32
        %dma_wait3A_253 = tpu.memref_slice %arg11[%mul3A_2, %dma_wait3A_252] : memref<32768x1024xf32, #tpu.memory_space<hbm>> -> memref<16x1024xf32, #tpu.memory_space<hbm>>
        tpu.wait_dma2 semaphore(%arg30 : memref<!tpu.dma_semaphore, #tpu.memory_space<semaphore_mem>>) src(%arg22 : memref<16x1024xf32, #tpu.memory_space<vmem>>) dst(%dma_wait3A_253 : memref<16x1024xf32, #tpu.memory_space<hbm>>)
      } else {
      }
      %mul3A_166 = arith.constant 16 : i32
      %mul3A_167 = arith.muli %add3A_27, %mul3A_166 : i32
      %get3A_168 = arith.index_cast %mul3A_167 : i32 to index
      %get3A_169 = tpu.vector_load %arg14[%get3A_168] {strides = array<i32>} : memref<1024xf32, #tpu.memory_space<vmem>>, vector<16xf32>,
      %get3A_170 = vector.shape_cast %get3A_169 : vector<16xf32> to vector<16xf32>
      %mul3A_171 = arith.constant 16 : i32
      %mul3A_172 = arith.muli %add3A_27, %mul3A_171 : i32
      %get3A_173 = arith.index_cast %mul3A_172 : i32 to index
      %get3A_174 = tpu.vector_load %arg15[%get3A_173] {strides = array<i32>} : memref<1024xf32, #tpu.memory_space<vmem>>, vector<16xf32>,
      %get3A_175 = vector.shape_cast %get3A_174 : vector<16xf32> to vector<16xf32>
      %slice3A_176 = vector.extract_strided_slice %get3A_170 {offsets = [0], sizes = [1], strides = [1]} : vector<16xf32> to vector<1xf32>
      %squeeze3A_177 = vector.extract %slice3A_176[0] : f32 from vector<1xf32>
      %slice3A_178 = vector.extract_strided_slice %get3A_170 {offsets = [1], sizes = [1], strides = [1]} : vector<16xf32> to vector<1xf32>
      %squeeze3A_179 = vector.extract %slice3A_178[0] : f32 from vector<1xf32>
      %slice3A_180 = vector.extract_strided_slice %get3A_170 {offsets = [2], sizes = [1], strides = [1]} : vector<16xf32> to vector<1xf32>
      %squeeze3A_181 = vector.extract %slice3A_180[0] : f32 from vector<1xf32>
      %slice3A_182 = vector.extract_strided_slice %get3A_170 {offsets = [3], sizes = [1], strides = [1]} : vector<16xf32> to vector<1xf32>
      %squeeze3A_183 = vector.extract %slice3A_182[0] : f32 from vector<1xf32>
      %slice3A_184 = vector.extract_strided_slice %get3A_170 {offsets = [4], sizes = [1], strides = [1]} : vector<16xf32> to vector<1xf32>
      %squeeze3A_185 = vector.extract %slice3A_184[0] : f32 from vector<1xf32>
      %slice3A_186 = vector.extract_strided_slice %get3A_170 {offsets = [5], sizes = [1], strides = [1]} : vector<16xf32> to vector<1xf32>
      %squeeze3A_187 = vector.extract %slice3A_186[0] : f32 from vector<1xf32>
      %slice3A_188 = vector.extract_strided_slice %get3A_170 {offsets = [6], sizes = [1], strides = [1]} : vector<16xf32> to vector<1xf32>
      %squeeze3A_189 = vector.extract %slice3A_188[0] : f32 from vector<1xf32>
      %slice3A_190 = vector.extract_strided_slice %get3A_170 {offsets = [7], sizes = [1], strides = [1]} : vector<16xf32> to vector<1xf32>
      %squeeze3A_191 = vector.extract %slice3A_190[0] : f32 from vector<1xf32>
      %slice3A_192 = vector.extract_strided_slice %get3A_170 {offsets = [8], sizes = [1], strides = [1]} : vector<16xf32> to vector<1xf32>
      %squeeze3A_193 = vector.extract %slice3A_192[0] : f32 from vector<1xf32>
      %slice3A_194 = vector.extract_strided_slice %get3A_170 {offsets = [9], sizes = [1], strides = [1]} : vector<16xf32> to vector<1xf32>
      %squeeze3A_195 = vector.extract %slice3A_194[0] : f32 from vector<1xf32>
      %slice3A_196 = vector.extract_strided_slice %get3A_170 {offsets = [10], sizes = [1], strides = [1]} : vector<16xf32> to vector<1xf32>
      %squeeze3A_197 = vector.extract %slice3A_196[0] : f32 from vector<1xf32>
      %slice3A_198 = vector.extract_strided_slice %get3A_170 {offsets = [11], sizes = [1], strides = [1]} : vector<16xf32> to vector<1xf32>
      %squeeze3A_199 = vector.extract %slice3A_198[0] : f32 from vector<1xf32>
      %slice3A_200 = vector.extract_strided_slice %get3A_170 {offsets = [12], sizes = [1], strides = [1]} : vector<16xf32> to vector<1xf32>
      %squeeze3A_201 = vector.extract %slice3A_200[0] : f32 from vector<1xf32>
      %slice3A_202 = vector.extract_strided_slice %get3A_170 {offsets = [13], sizes = [1], strides = [1]} : vector<16xf32> to vector<1xf32>
      %squeeze3A_203 = vector.extract %slice3A_202[0] : f32 from vector<1xf32>
      %slice3A_204 = vector.extract_strided_slice %get3A_170 {offsets = [14], sizes = [1], strides = [1]} : vector<16xf32> to vector<1xf32>
      %squeeze3A_205 = vector.extract %slice3A_204[0] : f32 from vector<1xf32>
      %slice3A_206 = vector.extract_strided_slice %get3A_170 {offsets = [15], sizes = [1], strides = [1]} : vector<16xf32> to vector<1xf32>
      %squeeze3A_207 = vector.extract %slice3A_206[0] : f32 from vector<1xf32>
      %slice3A_208 = vector.extract_strided_slice %get3A_175 {offsets = [0], sizes = [1], strides = [1]} : vector<16xf32> to vector<1xf32>
      %squeeze3A_209 = vector.extract %slice3A_208[0] : f32 from vector<1xf32>
      %slice3A_210 = vector.extract_strided_slice %get3A_175 {offsets = [1], sizes = [1], strides = [1]} : vector<16xf32> to vector<1xf32>
      %squeeze3A_211 = vector.extract %slice3A_210[0] : f32 from vector<1xf32>
      %slice3A_212 = vector.extract_strided_slice %get3A_175 {offsets = [2], sizes = [1], strides = [1]} : vector<16xf32> to vector<1xf32>
      %squeeze3A_213 = vector.extract %slice3A_212[0] : f32 from vector<1xf32>
      %slice3A_214 = vector.extract_strided_slice %get3A_175 {offsets = [3], sizes = [1], strides = [1]} : vector<16xf32> to vector<1xf32>
      %squeeze3A_215 = vector.extract %slice3A_214[0] : f32 from vector<1xf32>
      %slice3A_216 = vector.extract_strided_slice %get3A_175 {offsets = [4], sizes = [1], strides = [1]} : vector<16xf32> to vector<1xf32>
      %squeeze3A_217 = vector.extract %slice3A_216[0] : f32 from vector<1xf32>
      %slice3A_218 = vector.extract_strided_slice %get3A_175 {offsets = [5], sizes = [1], strides = [1]} : vector<16xf32> to vector<1xf32>
      %squeeze3A_219 = vector.extract %slice3A_218[0] : f32 from vector<1xf32>
      %slice3A_220 = vector.extract_strided_slice %get3A_175 {offsets = [6], sizes = [1], strides = [1]} : vector<16xf32> to vector<1xf32>
      %squeeze3A_221 = vector.extract %slice3A_220[0] : f32 from vector<1xf32>
      %slice3A_222 = vector.extract_strided_slice %get3A_175 {offsets = [7], sizes = [1], strides = [1]} : vector<16xf32> to vector<1xf32>
      %squeeze3A_223 = vector.extract %slice3A_222[0] : f32 from vector<1xf32>
      %slice3A_224 = vector.extract_strided_slice %get3A_175 {offsets = [8], sizes = [1], strides = [1]} : vector<16xf32> to vector<1xf32>
      %squeeze3A_225 = vector.extract %slice3A_224[0] : f32 from vector<1xf32>
      %slice3A_226 = vector.extract_strided_slice %get3A_175 {offsets = [9], sizes = [1], strides = [1]} : vector<16xf32> to vector<1xf32>
      %squeeze3A_227 = vector.extract %slice3A_226[0] : f32 from vector<1xf32>
      %slice3A_228 = vector.extract_strided_slice %get3A_175 {offsets = [10], sizes = [1], strides = [1]} : vector<16xf32> to vector<1xf32>
      %squeeze3A_229 = vector.extract %slice3A_228[0] : f32 from vector<1xf32>
      %slice3A_230 = vector.extract_strided_slice %get3A_175 {offsets = [11], sizes = [1], strides = [1]} : vector<16xf32> to vector<1xf32>
      %squeeze3A_231 = vector.extract %slice3A_230[0] : f32 from vector<1xf32>
      %slice3A_232 = vector.extract_strided_slice %get3A_175 {offsets = [12], sizes = [1], strides = [1]} : vector<16xf32> to vector<1xf32>
      %squeeze3A_233 = vector.extract %slice3A_232[0] : f32 from vector<1xf32>
      %slice3A_234 = vector.extract_strided_slice %get3A_175 {offsets = [13], sizes = [1], strides = [1]} : vector<16xf32> to vector<1xf32>
      %squeeze3A_235 = vector.extract %slice3A_234[0] : f32 from vector<1xf32>
      %slice3A_236 = vector.extract_strided_slice %get3A_175 {offsets = [14], sizes = [1], strides = [1]} : vector<16xf32> to vector<1xf32>
      %squeeze3A_237 = vector.extract %slice3A_236[0] : f32 from vector<1xf32>
      %slice3A_238 = vector.extract_strided_slice %get3A_175 {offsets = [15], sizes = [1], strides = [1]} : vector<16xf32> to vector<1xf32>
      %squeeze3A_239 = vector.extract %slice3A_238[0] : f32 from vector<1xf32>
      %parallel_loop3A_240 = arith.constant 0 : i32
      %parallel_loop3A_241 = arith.constant 1024 : i32
      %parallel_loop3A_242 = arith.constant 16 : i32
      scf.for %parallel_loop3A_250 = %parallel_loop3A_240 to %parallel_loop3A_241 step %parallel_loop3A_242  : i32 {
        %parallel_loop3A_251 = arith.index_cast %parallel_loop3A_250 : i32 to index
        %parallel_loop3A_252 = tpu.vector_load %arg23[%parallel_loop3A_251] {strides = array<i32>} : memref<1024xf32, #tpu.memory_space<vmem>>, vector<16xf32>,
        %parallel_loop3A_253 = vector.shape_cast %parallel_loop3A_252 : vector<16xf32> to vector<16xf32>
        %parallel_loop3A_254 = arith.index_cast %parallel_loop3A_250 : i32 to index
        %parallel_loop3A_255 = tpu.vector_load %arg24[%parallel_loop3A_254] {strides = array<i32>} : memref<1024xf32, #tpu.memory_space<vmem>>, vector<16xf32>,
        %parallel_loop3A_256 = vector.shape_cast %parallel_loop3A_255 : vector<16xf32> to vector<16xf32>
        %parallel_loop3A_257 = arith.constant 0 : i32
        %parallel_loop3A_258 = arith.index_cast %parallel_loop3A_257 : i32 to index
        %parallel_loop3A_259 = arith.index_cast %parallel_loop3A_250 : i32 to index
        %parallel_loop3A_260 = tpu.vector_load %arg17[%parallel_loop3A_258, %parallel_loop3A_259] {strides = array<i32>} : memref<16x1024xf32, #tpu.memory_space<vmem>>, vector<1x16xf32>,
        %parallel_loop3A_261 = vector.shape_cast %parallel_loop3A_260 : vector<1x16xf32> to vector<16xf32>
        %parallel_loop3A_262 = arith.constant 0 : i32
        %parallel_loop3A_263 = arith.index_cast %parallel_loop3A_262 : i32 to index
        %parallel_loop3A_264 = arith.index_cast %parallel_loop3A_250 : i32 to index
        %parallel_loop3A_265 = tpu.vector_load %arg19[%parallel_loop3A_263, %parallel_loop3A_264] {strides = array<i32>} : memref<16x1024xf32, #tpu.memory_space<vmem>>, vector<1x16xf32>,
        %parallel_loop3A_266 = vector.shape_cast %parallel_loop3A_265 : vector<1x16xf32> to vector<16xf32>
        %parallel_loop3A_267 = arith.addf %parallel_loop3A_261, %parallel_loop3A_266 : vector<16xf32>
        %parallel_loop3A_268 = arith.constant 0 : i32
        %parallel_loop3A_269 = arith.index_cast %parallel_loop3A_268 : i32 to index
        %parallel_loop3A_270 = arith.index_cast %parallel_loop3A_250 : i32 to index
        %parallel_loop3A_271 = tpu.vector_load %arg20[%parallel_loop3A_269, %parallel_loop3A_270] {strides = array<i32>} : memref<16x1024xf32, #tpu.memory_space<vmem>>, vector<1x16xf32>,
        %parallel_loop3A_272 = vector.shape_cast %parallel_loop3A_271 : vector<1x16xf32> to vector<16xf32>
        %parallel_loop3A_273 = arith.addf %parallel_loop3A_267, %parallel_loop3A_272 : vector<16xf32>
        %parallel_loop3A_274 = vector.broadcast %squeeze3A_177 : f32 to vector<16xf32>
        %parallel_loop3A_275 = arith.subf %parallel_loop3A_273, %parallel_loop3A_274 : vector<16xf32>
        %parallel_loop3A_276 = vector.broadcast %squeeze3A_209 : f32 to vector<16xf32>
        %parallel_loop3A_277 = arith.mulf %parallel_loop3A_275, %parallel_loop3A_276 : vector<16xf32>
        %parallel_loop3A_278 = arith.mulf %parallel_loop3A_277, %parallel_loop3A_253 : vector<16xf32>
        %parallel_loop3A_279 = arith.addf %parallel_loop3A_278, %parallel_loop3A_256 : vector<16xf32>
        %parallel_loop3A_280 = arith.constant 0 : i32
        %parallel_loop3A_281 = arith.index_cast %parallel_loop3A_280 : i32 to index
        %parallel_loop3A_282 = arith.index_cast %parallel_loop3A_250 : i32 to index
        %parallel_loop3A_283 = tpu.vector_load %arg22[%parallel_loop3A_281, %parallel_loop3A_282] {strides = array<i32>} : memref<16x1024xf32, #tpu.memory_space<vmem>>, vector<1x16xf32>,
        %parallel_loop3A_284 = vector.shape_cast %parallel_loop3A_283 : vector<1x16xf32> to vector<16xf32>
        %parallel_loop3A_285 = vector.shape_cast %parallel_loop3A_279 : vector<16xf32> to vector<1x16xf32>
        tpu.vector_store %arg22[%parallel_loop3A_281, %parallel_loop3A_282], %parallel_loop3A_285 {strides = array<i32>} : memref<16x1024xf32, #tpu.memory_space<vmem>>, vector<1x16xf32>,
        %parallel_loop3A_286 = arith.constant 1 : i32
        %parallel_loop3A_287 = arith.index_cast %parallel_loop3A_286 : i32 to index
        %parallel_loop3A_288 = arith.index_cast %parallel_loop3A_250 : i32 to index
        %parallel_loop3A_289 = tpu.vector_load %arg17[%parallel_loop3A_287, %parallel_loop3A_288] {strides = array<i32>} : memref<16x1024xf32, #tpu.memory_space<vmem>>, vector<1x16xf32>,
        %parallel_loop3A_290 = vector.shape_cast %parallel_loop3A_289 : vector<1x16xf32> to vector<16xf32>
        %parallel_loop3A_291 = arith.constant 1 : i32
        %parallel_loop3A_292 = arith.index_cast %parallel_loop3A_291 : i32 to index
        %parallel_loop3A_293 = arith.index_cast %parallel_loop3A_250 : i32 to index
        %parallel_loop3A_294 = tpu.vector_load %arg19[%parallel_loop3A_292, %parallel_loop3A_293] {strides = array<i32>} : memref<16x1024xf32, #tpu.memory_space<vmem>>, vector<1x16xf32>,
        %parallel_loop3A_295 = vector.shape_cast %parallel_loop3A_294 : vector<1x16xf32> to vector<16xf32>
        %parallel_loop3A_296 = arith.addf %parallel_loop3A_290, %parallel_loop3A_295 : vector<16xf32>
        %parallel_loop3A_297 = arith.constant 1 : i32
        %parallel_loop3A_298 = arith.index_cast %parallel_loop3A_297 : i32 to index
        %parallel_loop3A_299 = arith.index_cast %parallel_loop3A_250 : i32 to index
        %parallel_loop3A_300 = tpu.vector_load %arg20[%parallel_loop3A_298, %parallel_loop3A_299] {strides = array<i32>} : memref<16x1024xf32, #tpu.memory_space<vmem>>, vector<1x16xf32>,
        %parallel_loop3A_301 = vector.shape_cast %parallel_loop3A_300 : vector<1x16xf32> to vector<16xf32>
        %parallel_loop3A_302 = arith.addf %parallel_loop3A_296, %parallel_loop3A_301 : vector<16xf32>
        %parallel_loop3A_303 = vector.broadcast %squeeze3A_179 : f32 to vector<16xf32>
        %parallel_loop3A_304 = arith.subf %parallel_loop3A_302, %parallel_loop3A_303 : vector<16xf32>
        %parallel_loop3A_305 = vector.broadcast %squeeze3A_211 : f32 to vector<16xf32>
        %parallel_loop3A_306 = arith.mulf %parallel_loop3A_304, %parallel_loop3A_305 : vector<16xf32>
        %parallel_loop3A_307 = arith.mulf %parallel_loop3A_306, %parallel_loop3A_253 : vector<16xf32>
        %parallel_loop3A_308 = arith.addf %parallel_loop3A_307, %parallel_loop3A_256 : vector<16xf32>
        %parallel_loop3A_309 = arith.constant 1 : i32
        %parallel_loop3A_310 = arith.index_cast %parallel_loop3A_309 : i32 to index
        %parallel_loop3A_311 = arith.index_cast %parallel_loop3A_250 : i32 to index
        %parallel_loop3A_312 = tpu.vector_load %arg22[%parallel_loop3A_310, %parallel_loop3A_311] {strides = array<i32>} : memref<16x1024xf32, #tpu.memory_space<vmem>>, vector<1x16xf32>,
        %parallel_loop3A_313 = vector.shape_cast %parallel_loop3A_312 : vector<1x16xf32> to vector<16xf32>
        %parallel_loop3A_314 = vector.shape_cast %parallel_loop3A_308 : vector<16xf32> to vector<1x16xf32>
        tpu.vector_store %arg22[%parallel_loop3A_310, %parallel_loop3A_311], %parallel_loop3A_314 {strides = array<i32>} : memref<16x1024xf32, #tpu.memory_space<vmem>>, vector<1x16xf32>,
        %parallel_loop3A_315 = arith.constant 2 : i32
        %parallel_loop3A_316 = arith.index_cast %parallel_loop3A_315 : i32 to index
        %parallel_loop3A_317 = arith.index_cast %parallel_loop3A_250 : i32 to index
        %parallel_loop3A_318 = tpu.vector_load %arg17[%parallel_loop3A_316, %parallel_loop3A_317] {strides = array<i32>} : memref<16x1024xf32, #tpu.memory_space<vmem>>, vector<1x16xf32>,
        %parallel_loop3A_319 = vector.shape_cast %parallel_loop3A_318 : vector<1x16xf32> to vector<16xf32>
        %parallel_loop3A_320 = arith.constant 2 : i32
        %parallel_loop3A_321 = arith.index_cast %parallel_loop3A_320 : i32 to index
        %parallel_loop3A_322 = arith.index_cast %parallel_loop3A_250 : i32 to index
        %parallel_loop3A_323 = tpu.vector_load %arg19[%parallel_loop3A_321, %parallel_loop3A_322] {strides = array<i32>} : memref<16x1024xf32, #tpu.memory_space<vmem>>, vector<1x16xf32>,
        %parallel_loop3A_324 = vector.shape_cast %parallel_loop3A_323 : vector<1x16xf32> to vector<16xf32>
        %parallel_loop3A_325 = arith.addf %parallel_loop3A_319, %parallel_loop3A_324 : vector<16xf32>
        %parallel_loop3A_326 = arith.constant 2 : i32
        %parallel_loop3A_327 = arith.index_cast %parallel_loop3A_326 : i32 to index
        %parallel_loop3A_328 = arith.index_cast %parallel_loop3A_250 : i32 to index
        %parallel_loop3A_329 = tpu.vector_load %arg20[%parallel_loop3A_327, %parallel_loop3A_328] {strides = array<i32>} : memref<16x1024xf32, #tpu.memory_space<vmem>>, vector<1x16xf32>,
        %parallel_loop3A_330 = vector.shape_cast %parallel_loop3A_329 : vector<1x16xf32> to vector<16xf32>
        %parallel_loop3A_331 = arith.addf %parallel_loop3A_325, %parallel_loop3A_330 : vector<16xf32>
        %parallel_loop3A_332 = vector.broadcast %squeeze3A_181 : f32 to vector<16xf32>
        %parallel_loop3A_333 = arith.subf %parallel_loop3A_331, %parallel_loop3A_332 : vector<16xf32>
        %parallel_loop3A_334 = vector.broadcast %squeeze3A_213 : f32 to vector<16xf32>
        %parallel_loop3A_335 = arith.mulf %parallel_loop3A_333, %parallel_loop3A_334 : vector<16xf32>
        %parallel_loop3A_336 = arith.mulf %parallel_loop3A_335, %parallel_loop3A_253 : vector<16xf32>
        %parallel_loop3A_337 = arith.addf %parallel_loop3A_336, %parallel_loop3A_256 : vector<16xf32>
        %parallel_loop3A_338 = arith.constant 2 : i32
        %parallel_loop3A_339 = arith.index_cast %parallel_loop3A_338 : i32 to index
        %parallel_loop3A_340 = arith.index_cast %parallel_loop3A_250 : i32 to index
        %parallel_loop3A_341 = tpu.vector_load %arg22[%parallel_loop3A_339, %parallel_loop3A_340] {strides = array<i32>} : memref<16x1024xf32, #tpu.memory_space<vmem>>, vector<1x16xf32>,
        %parallel_loop3A_342 = vector.shape_cast %parallel_loop3A_341 : vector<1x16xf32> to vector<16xf32>
        %parallel_loop3A_343 = vector.shape_cast %parallel_loop3A_337 : vector<16xf32> to vector<1x16xf32>
        tpu.vector_store %arg22[%parallel_loop3A_339, %parallel_loop3A_340], %parallel_loop3A_343 {strides = array<i32>} : memref<16x1024xf32, #tpu.memory_space<vmem>>, vector<1x16xf32>,
        %parallel_loop3A_344 = arith.constant 3 : i32
        %parallel_loop3A_345 = arith.index_cast %parallel_loop3A_344 : i32 to index
        %parallel_loop3A_346 = arith.index_cast %parallel_loop3A_250 : i32 to index
        %parallel_loop3A_347 = tpu.vector_load %arg17[%parallel_loop3A_345, %parallel_loop3A_346] {strides = array<i32>} : memref<16x1024xf32, #tpu.memory_space<vmem>>, vector<1x16xf32>,
        %parallel_loop3A_348 = vector.shape_cast %parallel_loop3A_347 : vector<1x16xf32> to vector<16xf32>
        %parallel_loop3A_349 = arith.constant 3 : i32
        %parallel_loop3A_350 = arith.index_cast %parallel_loop3A_349 : i32 to index
        %parallel_loop3A_351 = arith.index_cast %parallel_loop3A_250 : i32 to index
        %parallel_loop3A_352 = tpu.vector_load %arg19[%parallel_loop3A_350, %parallel_loop3A_351] {strides = array<i32>} : memref<16x1024xf32, #tpu.memory_space<vmem>>, vector<1x16xf32>,
        %parallel_loop3A_353 = vector.shape_cast %parallel_loop3A_352 : vector<1x16xf32> to vector<16xf32>
        %parallel_loop3A_354 = arith.addf %parallel_loop3A_348, %parallel_loop3A_353 : vector<16xf32>
        %parallel_loop3A_355 = arith.constant 3 : i32
        %parallel_loop3A_356 = arith.index_cast %parallel_loop3A_355 : i32 to index
        %parallel_loop3A_357 = arith.index_cast %parallel_loop3A_250 : i32 to index
        %parallel_loop3A_358 = tpu.vector_load %arg20[%parallel_loop3A_356, %parallel_loop3A_357] {strides = array<i32>} : memref<16x1024xf32, #tpu.memory_space<vmem>>, vector<1x16xf32>,
        %parallel_loop3A_359 = vector.shape_cast %parallel_loop3A_358 : vector<1x16xf32> to vector<16xf32>
        %parallel_loop3A_360 = arith.addf %parallel_loop3A_354, %parallel_loop3A_359 : vector<16xf32>
        %parallel_loop3A_361 = vector.broadcast %squeeze3A_183 : f32 to vector<16xf32>
        %parallel_loop3A_362 = arith.subf %parallel_loop3A_360, %parallel_loop3A_361 : vector<16xf32>
        %parallel_loop3A_363 = vector.broadcast %squeeze3A_215 : f32 to vector<16xf32>
        %parallel_loop3A_364 = arith.mulf %parallel_loop3A_362, %parallel_loop3A_363 : vector<16xf32>
        %parallel_loop3A_365 = arith.mulf %parallel_loop3A_364, %parallel_loop3A_253 : vector<16xf32>
        %parallel_loop3A_366 = arith.addf %parallel_loop3A_365, %parallel_loop3A_256 : vector<16xf32>
        %parallel_loop3A_367 = arith.constant 3 : i32
        %parallel_loop3A_368 = arith.index_cast %parallel_loop3A_367 : i32 to index
        %parallel_loop3A_369 = arith.index_cast %parallel_loop3A_250 : i32 to index
        %parallel_loop3A_370 = tpu.vector_load %arg22[%parallel_loop3A_368, %parallel_loop3A_369] {strides = array<i32>} : memref<16x1024xf32, #tpu.memory_space<vmem>>, vector<1x16xf32>,
        %parallel_loop3A_371 = vector.shape_cast %parallel_loop3A_370 : vector<1x16xf32> to vector<16xf32>
        %parallel_loop3A_372 = vector.shape_cast %parallel_loop3A_366 : vector<16xf32> to vector<1x16xf32>
        tpu.vector_store %arg22[%parallel_loop3A_368, %parallel_loop3A_369], %parallel_loop3A_372 {strides = array<i32>} : memref<16x1024xf32, #tpu.memory_space<vmem>>, vector<1x16xf32>,
        %parallel_loop3A_373 = arith.constant 4 : i32
        %parallel_loop3A_374 = arith.index_cast %parallel_loop3A_373 : i32 to index
        %parallel_loop3A_375 = arith.index_cast %parallel_loop3A_250 : i32 to index
        %parallel_loop3A_376 = tpu.vector_load %arg17[%parallel_loop3A_374, %parallel_loop3A_375] {strides = array<i32>} : memref<16x1024xf32, #tpu.memory_space<vmem>>, vector<1x16xf32>,
        %parallel_loop3A_377 = vector.shape_cast %parallel_loop3A_376 : vector<1x16xf32> to vector<16xf32>
        %parallel_loop3A_378 = arith.constant 4 : i32
        %parallel_loop3A_379 = arith.index_cast %parallel_loop3A_378 : i32 to index
        %parallel_loop3A_380 = arith.index_cast %parallel_loop3A_250 : i32 to index
        %parallel_loop3A_381 = tpu.vector_load %arg19[%parallel_loop3A_379, %parallel_loop3A_380] {strides = array<i32>} : memref<16x1024xf32, #tpu.memory_space<vmem>>, vector<1x16xf32>,
        %parallel_loop3A_382 = vector.shape_cast %parallel_loop3A_381 : vector<1x16xf32> to vector<16xf32>
        %parallel_loop3A_383 = arith.addf %parallel_loop3A_377, %parallel_loop3A_382 : vector<16xf32>
        %parallel_loop3A_384 = arith.constant 4 : i32
        %parallel_loop3A_385 = arith.index_cast %parallel_loop3A_384 : i32 to index
        %parallel_loop3A_386 = arith.index_cast %parallel_loop3A_250 : i32 to index
        %parallel_loop3A_387 = tpu.vector_load %arg20[%parallel_loop3A_385, %parallel_loop3A_386] {strides = array<i32>} : memref<16x1024xf32, #tpu.memory_space<vmem>>, vector<1x16xf32>,
        %parallel_loop3A_388 = vector.shape_cast %parallel_loop3A_387 : vector<1x16xf32> to vector<16xf32>
        %parallel_loop3A_389 = arith.addf %parallel_loop3A_383, %parallel_loop3A_388 : vector<16xf32>
        %parallel_loop3A_390 = vector.broadcast %squeeze3A_185 : f32 to vector<16xf32>
        %parallel_loop3A_391 = arith.subf %parallel_loop3A_389, %parallel_loop3A_390 : vector<16xf32>
        %parallel_loop3A_392 = vector.broadcast %squeeze3A_217 : f32 to vector<16xf32>
        %parallel_loop3A_393 = arith.mulf %parallel_loop3A_391, %parallel_loop3A_392 : vector<16xf32>
        %parallel_loop3A_394 = arith.mulf %parallel_loop3A_393, %parallel_loop3A_253 : vector<16xf32>
        %parallel_loop3A_395 = arith.addf %parallel_loop3A_394, %parallel_loop3A_256 : vector<16xf32>
        %parallel_loop3A_396 = arith.constant 4 : i32
        %parallel_loop3A_397 = arith.index_cast %parallel_loop3A_396 : i32 to index
        %parallel_loop3A_398 = arith.index_cast %parallel_loop3A_250 : i32 to index
        %parallel_loop3A_399 = tpu.vector_load %arg22[%parallel_loop3A_397, %parallel_loop3A_398] {strides = array<i32>} : memref<16x1024xf32, #tpu.memory_space<vmem>>, vector<1x16xf32>,
        %parallel_loop3A_400 = vector.shape_cast %parallel_loop3A_399 : vector<1x16xf32> to vector<16xf32>
        %parallel_loop3A_401 = vector.shape_cast %parallel_loop3A_395 : vector<16xf32> to vector<1x16xf32>
        tpu.vector_store %arg22[%parallel_loop3A_397, %parallel_loop3A_398], %parallel_loop3A_401 {strides = array<i32>} : memref<16x1024xf32, #tpu.memory_space<vmem>>, vector<1x16xf32>,
        %parallel_loop3A_402 = arith.constant 5 : i32
        %parallel_loop3A_403 = arith.index_cast %parallel_loop3A_402 : i32 to index
        %parallel_loop3A_404 = arith.index_cast %parallel_loop3A_250 : i32 to index
        %parallel_loop3A_405 = tpu.vector_load %arg17[%parallel_loop3A_403, %parallel_loop3A_404] {strides = array<i32>} : memref<16x1024xf32, #tpu.memory_space<vmem>>, vector<1x16xf32>,
        %parallel_loop3A_406 = vector.shape_cast %parallel_loop3A_405 : vector<1x16xf32> to vector<16xf32>
        %parallel_loop3A_407 = arith.constant 5 : i32
        %parallel_loop3A_408 = arith.index_cast %parallel_loop3A_407 : i32 to index
        %parallel_loop3A_409 = arith.index_cast %parallel_loop3A_250 : i32 to index
        %parallel_loop3A_410 = tpu.vector_load %arg19[%parallel_loop3A_408, %parallel_loop3A_409] {strides = array<i32>} : memref<16x1024xf32, #tpu.memory_space<vmem>>, vector<1x16xf32>,
        %parallel_loop3A_411 = vector.shape_cast %parallel_loop3A_410 : vector<1x16xf32> to vector<16xf32>
        %parallel_loop3A_412 = arith.addf %parallel_loop3A_406, %parallel_loop3A_411 : vector<16xf32>
        %parallel_loop3A_413 = arith.constant 5 : i32
        %parallel_loop3A_414 = arith.index_cast %parallel_loop3A_413 : i32 to index
        %parallel_loop3A_415 = arith.index_cast %parallel_loop3A_250 : i32 to index
        %parallel_loop3A_416 = tpu.vector_load %arg20[%parallel_loop3A_414, %parallel_loop3A_415] {strides = array<i32>} : memref<16x1024xf32, #tpu.memory_space<vmem>>, vector<1x16xf32>,
        %parallel_loop3A_417 = vector.shape_cast %parallel_loop3A_416 : vector<1x16xf32> to vector<16xf32>
        %parallel_loop3A_418 = arith.addf %parallel_loop3A_412, %parallel_loop3A_417 : vector<16xf32>
        %parallel_loop3A_419 = vector.broadcast %squeeze3A_187 : f32 to vector<16xf32>
        %parallel_loop3A_420 = arith.subf %parallel_loop3A_418, %parallel_loop3A_419 : vector<16xf32>
        %parallel_loop3A_421 = vector.broadcast %squeeze3A_219 : f32 to vector<16xf32>
        %parallel_loop3A_422 = arith.mulf %parallel_loop3A_420, %parallel_loop3A_421 : vector<16xf32>
        %parallel_loop3A_423 = arith.mulf %parallel_loop3A_422, %parallel_loop3A_253 : vector<16xf32>
        %parallel_loop3A_424 = arith.addf %parallel_loop3A_423, %parallel_loop3A_256 : vector<16xf32>
        %parallel_loop3A_425 = arith.constant 5 : i32
        %parallel_loop3A_426 = arith.index_cast %parallel_loop3A_425 : i32 to index
        %parallel_loop3A_427 = arith.index_cast %parallel_loop3A_250 : i32 to index
        %parallel_loop3A_428 = tpu.vector_load %arg22[%parallel_loop3A_426, %parallel_loop3A_427] {strides = array<i32>} : memref<16x1024xf32, #tpu.memory_space<vmem>>, vector<1x16xf32>,
        %parallel_loop3A_429 = vector.shape_cast %parallel_loop3A_428 : vector<1x16xf32> to vector<16xf32>
        %parallel_loop3A_430 = vector.shape_cast %parallel_loop3A_424 : vector<16xf32> to vector<1x16xf32>
        tpu.vector_store %arg22[%parallel_loop3A_426, %parallel_loop3A_427], %parallel_loop3A_430 {strides = array<i32>} : memref<16x1024xf32, #tpu.memory_space<vmem>>, vector<1x16xf32>,
        %parallel_loop3A_431 = arith.constant 6 : i32
        %parallel_loop3A_432 = arith.index_cast %parallel_loop3A_431 : i32 to index
        %parallel_loop3A_433 = arith.index_cast %parallel_loop3A_250 : i32 to index
        %parallel_loop3A_434 = tpu.vector_load %arg17[%parallel_loop3A_432, %parallel_loop3A_433] {strides = array<i32>} : memref<16x1024xf32, #tpu.memory_space<vmem>>, vector<1x16xf32>,
        %parallel_loop3A_435 = vector.shape_cast %parallel_loop3A_434 : vector<1x16xf32> to vector<16xf32>
        %parallel_loop3A_436 = arith.constant 6 : i32
        %parallel_loop3A_437 = arith.index_cast %parallel_loop3A_436 : i32 to index
        %parallel_loop3A_438 = arith.index_cast %parallel_loop3A_250 : i32 to index
        %parallel_loop3A_439 = tpu.vector_load %arg19[%parallel_loop3A_437, %parallel_loop3A_438] {strides = array<i32>} : memref<16x1024xf32, #tpu.memory_space<vmem>>, vector<1x16xf32>,
        %parallel_loop3A_440 = vector.shape_cast %parallel_loop3A_439 : vector<1x16xf32> to vector<16xf32>
        %parallel_loop3A_441 = arith.addf %parallel_loop3A_435, %parallel_loop3A_440 : vector<16xf32>
        %parallel_loop3A_442 = arith.constant 6 : i32
        %parallel_loop3A_443 = arith.index_cast %parallel_loop3A_442 : i32 to index
        %parallel_loop3A_444 = arith.index_cast %parallel_loop3A_250 : i32 to index
        %parallel_loop3A_445 = tpu.vector_load %arg20[%parallel_loop3A_443, %parallel_loop3A_444] {strides = array<i32>} : memref<16x1024xf32, #tpu.memory_space<vmem>>, vector<1x16xf32>,
        %parallel_loop3A_446 = vector.shape_cast %parallel_loop3A_445 : vector<1x16xf32> to vector<16xf32>
        %parallel_loop3A_447 = arith.addf %parallel_loop3A_441, %parallel_loop3A_446 : vector<16xf32>
        %parallel_loop3A_448 = vector.broadcast %squeeze3A_189 : f32 to vector<16xf32>
        %parallel_loop3A_449 = arith.subf %parallel_loop3A_447, %parallel_loop3A_448 : vector<16xf32>
        %parallel_loop3A_450 = vector.broadcast %squeeze3A_221 : f32 to vector<16xf32>
        %parallel_loop3A_451 = arith.mulf %parallel_loop3A_449, %parallel_loop3A_450 : vector<16xf32>
        %parallel_loop3A_452 = arith.mulf %parallel_loop3A_451, %parallel_loop3A_253 : vector<16xf32>
        %parallel_loop3A_453 = arith.addf %parallel_loop3A_452, %parallel_loop3A_256 : vector<16xf32>
        %parallel_loop3A_454 = arith.constant 6 : i32
        %parallel_loop3A_455 = arith.index_cast %parallel_loop3A_454 : i32 to index
        %parallel_loop3A_456 = arith.index_cast %parallel_loop3A_250 : i32 to index
        %parallel_loop3A_457 = tpu.vector_load %arg22[%parallel_loop3A_455, %parallel_loop3A_456] {strides = array<i32>} : memref<16x1024xf32, #tpu.memory_space<vmem>>, vector<1x16xf32>,
        %parallel_loop3A_458 = vector.shape_cast %parallel_loop3A_457 : vector<1x16xf32> to vector<16xf32>
        %parallel_loop3A_459 = vector.shape_cast %parallel_loop3A_453 : vector<16xf32> to vector<1x16xf32>
        tpu.vector_store %arg22[%parallel_loop3A_455, %parallel_loop3A_456], %parallel_loop3A_459 {strides = array<i32>} : memref<16x1024xf32, #tpu.memory_space<vmem>>, vector<1x16xf32>,
        %parallel_loop3A_460 = arith.constant 7 : i32
        %parallel_loop3A_461 = arith.index_cast %parallel_loop3A_460 : i32 to index
        %parallel_loop3A_462 = arith.index_cast %parallel_loop3A_250 : i32 to index
        %parallel_loop3A_463 = tpu.vector_load %arg17[%parallel_loop3A_461, %parallel_loop3A_462] {strides = array<i32>} : memref<16x1024xf32, #tpu.memory_space<vmem>>, vector<1x16xf32>,
        %parallel_loop3A_464 = vector.shape_cast %parallel_loop3A_463 : vector<1x16xf32> to vector<16xf32>
        %parallel_loop3A_465 = arith.constant 7 : i32
        %parallel_loop3A_466 = arith.index_cast %parallel_loop3A_465 : i32 to index
        %parallel_loop3A_467 = arith.index_cast %parallel_loop3A_250 : i32 to index
        %parallel_loop3A_468 = tpu.vector_load %arg19[%parallel_loop3A_466, %parallel_loop3A_467] {strides = array<i32>} : memref<16x1024xf32, #tpu.memory_space<vmem>>, vector<1x16xf32>,
        %parallel_loop3A_469 = vector.shape_cast %parallel_loop3A_468 : vector<1x16xf32> to vector<16xf32>
        %parallel_loop3A_470 = arith.addf %parallel_loop3A_464, %parallel_loop3A_469 : vector<16xf32>
        %parallel_loop3A_471 = arith.constant 7 : i32
        %parallel_loop3A_472 = arith.index_cast %parallel_loop3A_471 : i32 to index
        %parallel_loop3A_473 = arith.index_cast %parallel_loop3A_250 : i32 to index
        %parallel_loop3A_474 = tpu.vector_load %arg20[%parallel_loop3A_472, %parallel_loop3A_473] {strides = array<i32>} : memref<16x1024xf32, #tpu.memory_space<vmem>>, vector<1x16xf32>,
        %parallel_loop3A_475 = vector.shape_cast %parallel_loop3A_474 : vector<1x16xf32> to vector<16xf32>
        %parallel_loop3A_476 = arith.addf %parallel_loop3A_470, %parallel_loop3A_475 : vector<16xf32>
        %parallel_loop3A_477 = vector.broadcast %squeeze3A_191 : f32 to vector<16xf32>
        %parallel_loop3A_478 = arith.subf %parallel_loop3A_476, %parallel_loop3A_477 : vector<16xf32>
        %parallel_loop3A_479 = vector.broadcast %squeeze3A_223 : f32 to vector<16xf32>
        %parallel_loop3A_480 = arith.mulf %parallel_loop3A_478, %parallel_loop3A_479 : vector<16xf32>
        %parallel_loop3A_481 = arith.mulf %parallel_loop3A_480, %parallel_loop3A_253 : vector<16xf32>
        %parallel_loop3A_482 = arith.addf %parallel_loop3A_481, %parallel_loop3A_256 : vector<16xf32>
        %parallel_loop3A_483 = arith.constant 7 : i32
        %parallel_loop3A_484 = arith.index_cast %parallel_loop3A_483 : i32 to index
        %parallel_loop3A_485 = arith.index_cast %parallel_loop3A_250 : i32 to index
        %parallel_loop3A_486 = tpu.vector_load %arg22[%parallel_loop3A_484, %parallel_loop3A_485] {strides = array<i32>} : memref<16x1024xf32, #tpu.memory_space<vmem>>, vector<1x16xf32>,
        %parallel_loop3A_487 = vector.shape_cast %parallel_loop3A_486 : vector<1x16xf32> to vector<16xf32>
        %parallel_loop3A_488 = vector.shape_cast %parallel_loop3A_482 : vector<16xf32> to vector<1x16xf32>
        tpu.vector_store %arg22[%parallel_loop3A_484, %parallel_loop3A_485], %parallel_loop3A_488 {strides = array<i32>} : memref<16x1024xf32, #tpu.memory_space<vmem>>, vector<1x16xf32>,
        %parallel_loop3A_489 = arith.constant 8 : i32
        %parallel_loop3A_490 = arith.index_cast %parallel_loop3A_489 : i32 to index
        %parallel_loop3A_491 = arith.index_cast %parallel_loop3A_250 : i32 to index
        %parallel_loop3A_492 = tpu.vector_load %arg17[%parallel_loop3A_490, %parallel_loop3A_491] {strides = array<i32>} : memref<16x1024xf32, #tpu.memory_space<vmem>>, vector<1x16xf32>,
        %parallel_loop3A_493 = vector.shape_cast %parallel_loop3A_492 : vector<1x16xf32> to vector<16xf32>
        %parallel_loop3A_494 = arith.constant 8 : i32
        %parallel_loop3A_495 = arith.index_cast %parallel_loop3A_494 : i32 to index
        %parallel_loop3A_496 = arith.index_cast %parallel_loop3A_250 : i32 to index
        %parallel_loop3A_497 = tpu.vector_load %arg19[%parallel_loop3A_495, %parallel_loop3A_496] {strides = array<i32>} : memref<16x1024xf32, #tpu.memory_space<vmem>>, vector<1x16xf32>,
        %parallel_loop3A_498 = vector.shape_cast %parallel_loop3A_497 : vector<1x16xf32> to vector<16xf32>
        %parallel_loop3A_499 = arith.addf %parallel_loop3A_493, %parallel_loop3A_498 : vector<16xf32>
        %parallel_loop3A_500 = arith.constant 8 : i32
        %parallel_loop3A_501 = arith.index_cast %parallel_loop3A_500 : i32 to index
        %parallel_loop3A_502 = arith.index_cast %parallel_loop3A_250 : i32 to index
        %parallel_loop3A_503 = tpu.vector_load %arg20[%parallel_loop3A_501, %parallel_loop3A_502] {strides = array<i32>} : memref<16x1024xf32, #tpu.memory_space<vmem>>, vector<1x16xf32>,
        %parallel_loop3A_504 = vector.shape_cast %parallel_loop3A_503 : vector<1x16xf32> to vector<16xf32>
        %parallel_loop3A_505 = arith.addf %parallel_loop3A_499, %parallel_loop3A_504 : vector<16xf32>
        %parallel_loop3A_506 = vector.broadcast %squeeze3A_193 : f32 to vector<16xf32>
        %parallel_loop3A_507 = arith.subf %parallel_loop3A_505, %parallel_loop3A_506 : vector<16xf32>
        %parallel_loop3A_508 = vector.broadcast %squeeze3A_225 : f32 to vector<16xf32>
        %parallel_loop3A_509 = arith.mulf %parallel_loop3A_507, %parallel_loop3A_508 : vector<16xf32>
        %parallel_loop3A_510 = arith.mulf %parallel_loop3A_509, %parallel_loop3A_253 : vector<16xf32>
        %parallel_loop3A_511 = arith.addf %parallel_loop3A_510, %parallel_loop3A_256 : vector<16xf32>
        %parallel_loop3A_512 = arith.constant 8 : i32
        %parallel_loop3A_513 = arith.index_cast %parallel_loop3A_512 : i32 to index
        %parallel_loop3A_514 = arith.index_cast %parallel_loop3A_250 : i32 to index
        %parallel_loop3A_515 = tpu.vector_load %arg22[%parallel_loop3A_513, %parallel_loop3A_514] {strides = array<i32>} : memref<16x1024xf32, #tpu.memory_space<vmem>>, vector<1x16xf32>,
        %parallel_loop3A_516 = vector.shape_cast %parallel_loop3A_515 : vector<1x16xf32> to vector<16xf32>
        %parallel_loop3A_517 = vector.shape_cast %parallel_loop3A_511 : vector<16xf32> to vector<1x16xf32>
        tpu.vector_store %arg22[%parallel_loop3A_513, %parallel_loop3A_514], %parallel_loop3A_517 {strides = array<i32>} : memref<16x1024xf32, #tpu.memory_space<vmem>>, vector<1x16xf32>,
        %parallel_loop3A_518 = arith.constant 9 : i32
        %parallel_loop3A_519 = arith.index_cast %parallel_loop3A_518 : i32 to index
        %parallel_loop3A_520 = arith.index_cast %parallel_loop3A_250 : i32 to index
        %parallel_loop3A_521 = tpu.vector_load %arg17[%parallel_loop3A_519, %parallel_loop3A_520] {strides = array<i32>} : memref<16x1024xf32, #tpu.memory_space<vmem>>, vector<1x16xf32>,
        %parallel_loop3A_522 = vector.shape_cast %parallel_loop3A_521 : vector<1x16xf32> to vector<16xf32>
        %parallel_loop3A_523 = arith.constant 9 : i32
        %parallel_loop3A_524 = arith.index_cast %parallel_loop3A_523 : i32 to index
        %parallel_loop3A_525 = arith.index_cast %parallel_loop3A_250 : i32 to index
        %parallel_loop3A_526 = tpu.vector_load %arg19[%parallel_loop3A_524, %parallel_loop3A_525] {strides = array<i32>} : memref<16x1024xf32, #tpu.memory_space<vmem>>, vector<1x16xf32>,
        %parallel_loop3A_527 = vector.shape_cast %parallel_loop3A_526 : vector<1x16xf32> to vector<16xf32>
        %parallel_loop3A_528 = arith.addf %parallel_loop3A_522, %parallel_loop3A_527 : vector<16xf32>
        %parallel_loop3A_529 = arith.constant 9 : i32
        %parallel_loop3A_530 = arith.index_cast %parallel_loop3A_529 : i32 to index
        %parallel_loop3A_531 = arith.index_cast %parallel_loop3A_250 : i32 to index
        %parallel_loop3A_532 = tpu.vector_load %arg20[%parallel_loop3A_530, %parallel_loop3A_531] {strides = array<i32>} : memref<16x1024xf32, #tpu.memory_space<vmem>>, vector<1x16xf32>,
        %parallel_loop3A_533 = vector.shape_cast %parallel_loop3A_532 : vector<1x16xf32> to vector<16xf32>
        %parallel_loop3A_534 = arith.addf %parallel_loop3A_528, %parallel_loop3A_533 : vector<16xf32>
        %parallel_loop3A_535 = vector.broadcast %squeeze3A_195 : f32 to vector<16xf32>
        %parallel_loop3A_536 = arith.subf %parallel_loop3A_534, %parallel_loop3A_535 : vector<16xf32>
        %parallel_loop3A_537 = vector.broadcast %squeeze3A_227 : f32 to vector<16xf32>
        %parallel_loop3A_538 = arith.mulf %parallel_loop3A_536, %parallel_loop3A_537 : vector<16xf32>
        %parallel_loop3A_539 = arith.mulf %parallel_loop3A_538, %parallel_loop3A_253 : vector<16xf32>
        %parallel_loop3A_540 = arith.addf %parallel_loop3A_539, %parallel_loop3A_256 : vector<16xf32>
        %parallel_loop3A_541 = arith.constant 9 : i32
        %parallel_loop3A_542 = arith.index_cast %parallel_loop3A_541 : i32 to index
        %parallel_loop3A_543 = arith.index_cast %parallel_loop3A_250 : i32 to index
        %parallel_loop3A_544 = tpu.vector_load %arg22[%parallel_loop3A_542, %parallel_loop3A_543] {strides = array<i32>} : memref<16x1024xf32, #tpu.memory_space<vmem>>, vector<1x16xf32>,
        %parallel_loop3A_545 = vector.shape_cast %parallel_loop3A_544 : vector<1x16xf32> to vector<16xf32>
        %parallel_loop3A_546 = vector.shape_cast %parallel_loop3A_540 : vector<16xf32> to vector<1x16xf32>
        tpu.vector_store %arg22[%parallel_loop3A_542, %parallel_loop3A_543], %parallel_loop3A_546 {strides = array<i32>} : memref<16x1024xf32, #tpu.memory_space<vmem>>, vector<1x16xf32>,
        %parallel_loop3A_547 = arith.constant 10 : i32
        %parallel_loop3A_548 = arith.index_cast %parallel_loop3A_547 : i32 to index
        %parallel_loop3A_549 = arith.index_cast %parallel_loop3A_250 : i32 to index
        %parallel_loop3A_550 = tpu.vector_load %arg17[%parallel_loop3A_548, %parallel_loop3A_549] {strides = array<i32>} : memref<16x1024xf32, #tpu.memory_space<vmem>>, vector<1x16xf32>,
        %parallel_loop3A_551 = vector.shape_cast %parallel_loop3A_550 : vector<1x16xf32> to vector<16xf32>
        %parallel_loop3A_552 = arith.constant 10 : i32
        %parallel_loop3A_553 = arith.index_cast %parallel_loop3A_552 : i32 to index
        %parallel_loop3A_554 = arith.index_cast %parallel_loop3A_250 : i32 to index
        %parallel_loop3A_555 = tpu.vector_load %arg19[%parallel_loop3A_553, %parallel_loop3A_554] {strides = array<i32>} : memref<16x1024xf32, #tpu.memory_space<vmem>>, vector<1x16xf32>,
        %parallel_loop3A_556 = vector.shape_cast %parallel_loop3A_555 : vector<1x16xf32> to vector<16xf32>
        %parallel_loop3A_557 = arith.addf %parallel_loop3A_551, %parallel_loop3A_556 : vector<16xf32>
        %parallel_loop3A_558 = arith.constant 10 : i32
        %parallel_loop3A_559 = arith.index_cast %parallel_loop3A_558 : i32 to index
        %parallel_loop3A_560 = arith.index_cast %parallel_loop3A_250 : i32 to index
        %parallel_loop3A_561 = tpu.vector_load %arg20[%parallel_loop3A_559, %parallel_loop3A_560] {strides = array<i32>} : memref<16x1024xf32, #tpu.memory_space<vmem>>, vector<1x16xf32>,
        %parallel_loop3A_562 = vector.shape_cast %parallel_loop3A_561 : vector<1x16xf32> to vector<16xf32>
        %parallel_loop3A_563 = arith.addf %parallel_loop3A_557, %parallel_loop3A_562 : vector<16xf32>
        %parallel_loop3A_564 = vector.broadcast %squeeze3A_197 : f32 to vector<16xf32>
        %parallel_loop3A_565 = arith.subf %parallel_loop3A_563, %parallel_loop3A_564 : vector<16xf32>
        %parallel_loop3A_566 = vector.broadcast %squeeze3A_229 : f32 to vector<16xf32>
        %parallel_loop3A_567 = arith.mulf %parallel_loop3A_565, %parallel_loop3A_566 : vector<16xf32>
        %parallel_loop3A_568 = arith.mulf %parallel_loop3A_567, %parallel_loop3A_253 : vector<16xf32>
        %parallel_loop3A_569 = arith.addf %parallel_loop3A_568, %parallel_loop3A_256 : vector<16xf32>
        %parallel_loop3A_570 = arith.constant 10 : i32
        %parallel_loop3A_571 = arith.index_cast %parallel_loop3A_570 : i32 to index
        %parallel_loop3A_572 = arith.index_cast %parallel_loop3A_250 : i32 to index
        %parallel_loop3A_573 = tpu.vector_load %arg22[%parallel_loop3A_571, %parallel_loop3A_572] {strides = array<i32>} : memref<16x1024xf32, #tpu.memory_space<vmem>>, vector<1x16xf32>,
        %parallel_loop3A_574 = vector.shape_cast %parallel_loop3A_573 : vector<1x16xf32> to vector<16xf32>
        %parallel_loop3A_575 = vector.shape_cast %parallel_loop3A_569 : vector<16xf32> to vector<1x16xf32>
        tpu.vector_store %arg22[%parallel_loop3A_571, %parallel_loop3A_572], %parallel_loop3A_575 {strides = array<i32>} : memref<16x1024xf32, #tpu.memory_space<vmem>>, vector<1x16xf32>,
        %parallel_loop3A_576 = arith.constant 11 : i32
        %parallel_loop3A_577 = arith.index_cast %parallel_loop3A_576 : i32 to index
        %parallel_loop3A_578 = arith.index_cast %parallel_loop3A_250 : i32 to index
        %parallel_loop3A_579 = tpu.vector_load %arg17[%parallel_loop3A_577, %parallel_loop3A_578] {strides = array<i32>} : memref<16x1024xf32, #tpu.memory_space<vmem>>, vector<1x16xf32>,
        %parallel_loop3A_580 = vector.shape_cast %parallel_loop3A_579 : vector<1x16xf32> to vector<16xf32>
        %parallel_loop3A_581 = arith.constant 11 : i32
        %parallel_loop3A_582 = arith.index_cast %parallel_loop3A_581 : i32 to index
        %parallel_loop3A_583 = arith.index_cast %parallel_loop3A_250 : i32 to index
        %parallel_loop3A_584 = tpu.vector_load %arg19[%parallel_loop3A_582, %parallel_loop3A_583] {strides = array<i32>} : memref<16x1024xf32, #tpu.memory_space<vmem>>, vector<1x16xf32>,
        %parallel_loop3A_585 = vector.shape_cast %parallel_loop3A_584 : vector<1x16xf32> to vector<16xf32>
        %parallel_loop3A_586 = arith.addf %parallel_loop3A_580, %parallel_loop3A_585 : vector<16xf32>
        %parallel_loop3A_587 = arith.constant 11 : i32
        %parallel_loop3A_588 = arith.index_cast %parallel_loop3A_587 : i32 to index
        %parallel_loop3A_589 = arith.index_cast %parallel_loop3A_250 : i32 to index
        %parallel_loop3A_590 = tpu.vector_load %arg20[%parallel_loop3A_588, %parallel_loop3A_589] {strides = array<i32>} : memref<16x1024xf32, #tpu.memory_space<vmem>>, vector<1x16xf32>,
        %parallel_loop3A_591 = vector.shape_cast %parallel_loop3A_590 : vector<1x16xf32> to vector<16xf32>
        %parallel_loop3A_592 = arith.addf %parallel_loop3A_586, %parallel_loop3A_591 : vector<16xf32>
        %parallel_loop3A_593 = vector.broadcast %squeeze3A_199 : f32 to vector<16xf32>
        %parallel_loop3A_594 = arith.subf %parallel_loop3A_592, %parallel_loop3A_593 : vector<16xf32>
        %parallel_loop3A_595 = vector.broadcast %squeeze3A_231 : f32 to vector<16xf32>
        %parallel_loop3A_596 = arith.mulf %parallel_loop3A_594, %parallel_loop3A_595 : vector<16xf32>
        %parallel_loop3A_597 = arith.mulf %parallel_loop3A_596, %parallel_loop3A_253 : vector<16xf32>
        %parallel_loop3A_598 = arith.addf %parallel_loop3A_597, %parallel_loop3A_256 : vector<16xf32>
        %parallel_loop3A_599 = arith.constant 11 : i32
        %parallel_loop3A_600 = arith.index_cast %parallel_loop3A_599 : i32 to index
        %parallel_loop3A_601 = arith.index_cast %parallel_loop3A_250 : i32 to index
        %parallel_loop3A_602 = tpu.vector_load %arg22[%parallel_loop3A_600, %parallel_loop3A_601] {strides = array<i32>} : memref<16x1024xf32, #tpu.memory_space<vmem>>, vector<1x16xf32>,
        %parallel_loop3A_603 = vector.shape_cast %parallel_loop3A_602 : vector<1x16xf32> to vector<16xf32>
        %parallel_loop3A_604 = vector.shape_cast %parallel_loop3A_598 : vector<16xf32> to vector<1x16xf32>
        tpu.vector_store %arg22[%parallel_loop3A_600, %parallel_loop3A_601], %parallel_loop3A_604 {strides = array<i32>} : memref<16x1024xf32, #tpu.memory_space<vmem>>, vector<1x16xf32>,
        %parallel_loop3A_605 = arith.constant 12 : i32
        %parallel_loop3A_606 = arith.index_cast %parallel_loop3A_605 : i32 to index
        %parallel_loop3A_607 = arith.index_cast %parallel_loop3A_250 : i32 to index
        %parallel_loop3A_608 = tpu.vector_load %arg17[%parallel_loop3A_606, %parallel_loop3A_607] {strides = array<i32>} : memref<16x1024xf32, #tpu.memory_space<vmem>>, vector<1x16xf32>,
        %parallel_loop3A_609 = vector.shape_cast %parallel_loop3A_608 : vector<1x16xf32> to vector<16xf32>
        %parallel_loop3A_610 = arith.constant 12 : i32
        %parallel_loop3A_611 = arith.index_cast %parallel_loop3A_610 : i32 to index
        %parallel_loop3A_612 = arith.index_cast %parallel_loop3A_250 : i32 to index
        %parallel_loop3A_613 = tpu.vector_load %arg19[%parallel_loop3A_611, %parallel_loop3A_612] {strides = array<i32>} : memref<16x1024xf32, #tpu.memory_space<vmem>>, vector<1x16xf32>,
        %parallel_loop3A_614 = vector.shape_cast %parallel_loop3A_613 : vector<1x16xf32> to vector<16xf32>
        %parallel_loop3A_615 = arith.addf %parallel_loop3A_609, %parallel_loop3A_614 : vector<16xf32>
        %parallel_loop3A_616 = arith.constant 12 : i32
        %parallel_loop3A_617 = arith.index_cast %parallel_loop3A_616 : i32 to index
        %parallel_loop3A_618 = arith.index_cast %parallel_loop3A_250 : i32 to index
        %parallel_loop3A_619 = tpu.vector_load %arg20[%parallel_loop3A_617, %parallel_loop3A_618] {strides = array<i32>} : memref<16x1024xf32, #tpu.memory_space<vmem>>, vector<1x16xf32>,
        %parallel_loop3A_620 = vector.shape_cast %parallel_loop3A_619 : vector<1x16xf32> to vector<16xf32>
        %parallel_loop3A_621 = arith.addf %parallel_loop3A_615, %parallel_loop3A_620 : vector<16xf32>
        %parallel_loop3A_622 = vector.broadcast %squeeze3A_201 : f32 to vector<16xf32>
        %parallel_loop3A_623 = arith.subf %parallel_loop3A_621, %parallel_loop3A_622 : vector<16xf32>
        %parallel_loop3A_624 = vector.broadcast %squeeze3A_233 : f32 to vector<16xf32>
        %parallel_loop3A_625 = arith.mulf %parallel_loop3A_623, %parallel_loop3A_624 : vector<16xf32>
        %parallel_loop3A_626 = arith.mulf %parallel_loop3A_625, %parallel_loop3A_253 : vector<16xf32>
        %parallel_loop3A_627 = arith.addf %parallel_loop3A_626, %parallel_loop3A_256 : vector<16xf32>
        %parallel_loop3A_628 = arith.constant 12 : i32
        %parallel_loop3A_629 = arith.index_cast %parallel_loop3A_628 : i32 to index
        %parallel_loop3A_630 = arith.index_cast %parallel_loop3A_250 : i32 to index
        %parallel_loop3A_631 = tpu.vector_load %arg22[%parallel_loop3A_629, %parallel_loop3A_630] {strides = array<i32>} : memref<16x1024xf32, #tpu.memory_space<vmem>>, vector<1x16xf32>,
        %parallel_loop3A_632 = vector.shape_cast %parallel_loop3A_631 : vector<1x16xf32> to vector<16xf32>
        %parallel_loop3A_633 = vector.shape_cast %parallel_loop3A_627 : vector<16xf32> to vector<1x16xf32>
        tpu.vector_store %arg22[%parallel_loop3A_629, %parallel_loop3A_630], %parallel_loop3A_633 {strides = array<i32>} : memref<16x1024xf32, #tpu.memory_space<vmem>>, vector<1x16xf32>,
        %parallel_loop3A_634 = arith.constant 13 : i32
        %parallel_loop3A_635 = arith.index_cast %parallel_loop3A_634 : i32 to index
        %parallel_loop3A_636 = arith.index_cast %parallel_loop3A_250 : i32 to index
        %parallel_loop3A_637 = tpu.vector_load %arg17[%parallel_loop3A_635, %parallel_loop3A_636] {strides = array<i32>} : memref<16x1024xf32, #tpu.memory_space<vmem>>, vector<1x16xf32>,
        %parallel_loop3A_638 = vector.shape_cast %parallel_loop3A_637 : vector<1x16xf32> to vector<16xf32>
        %parallel_loop3A_639 = arith.constant 13 : i32
        %parallel_loop3A_640 = arith.index_cast %parallel_loop3A_639 : i32 to index
        %parallel_loop3A_641 = arith.index_cast %parallel_loop3A_250 : i32 to index
        %parallel_loop3A_642 = tpu.vector_load %arg19[%parallel_loop3A_640, %parallel_loop3A_641] {strides = array<i32>} : memref<16x1024xf32, #tpu.memory_space<vmem>>, vector<1x16xf32>,
        %parallel_loop3A_643 = vector.shape_cast %parallel_loop3A_642 : vector<1x16xf32> to vector<16xf32>
        %parallel_loop3A_644 = arith.addf %parallel_loop3A_638, %parallel_loop3A_643 : vector<16xf32>
        %parallel_loop3A_645 = arith.constant 13 : i32
        %parallel_loop3A_646 = arith.index_cast %parallel_loop3A_645 : i32 to index
        %parallel_loop3A_647 = arith.index_cast %parallel_loop3A_250 : i32 to index
        %parallel_loop3A_648 = tpu.vector_load %arg20[%parallel_loop3A_646, %parallel_loop3A_647] {strides = array<i32>} : memref<16x1024xf32, #tpu.memory_space<vmem>>, vector<1x16xf32>,
        %parallel_loop3A_649 = vector.shape_cast %parallel_loop3A_648 : vector<1x16xf32> to vector<16xf32>
        %parallel_loop3A_650 = arith.addf %parallel_loop3A_644, %parallel_loop3A_649 : vector<16xf32>
        %parallel_loop3A_651 = vector.broadcast %squeeze3A_203 : f32 to vector<16xf32>
        %parallel_loop3A_652 = arith.subf %parallel_loop3A_650, %parallel_loop3A_651 : vector<16xf32>
        %parallel_loop3A_653 = vector.broadcast %squeeze3A_235 : f32 to vector<16xf32>
        %parallel_loop3A_654 = arith.mulf %parallel_loop3A_652, %parallel_loop3A_653 : vector<16xf32>
        %parallel_loop3A_655 = arith.mulf %parallel_loop3A_654, %parallel_loop3A_253 : vector<16xf32>
        %parallel_loop3A_656 = arith.addf %parallel_loop3A_655, %parallel_loop3A_256 : vector<16xf32>
        %parallel_loop3A_657 = arith.constant 13 : i32
        %parallel_loop3A_658 = arith.index_cast %parallel_loop3A_657 : i32 to index
        %parallel_loop3A_659 = arith.index_cast %parallel_loop3A_250 : i32 to index
        %parallel_loop3A_660 = tpu.vector_load %arg22[%parallel_loop3A_658, %parallel_loop3A_659] {strides = array<i32>} : memref<16x1024xf32, #tpu.memory_space<vmem>>, vector<1x16xf32>,
        %parallel_loop3A_661 = vector.shape_cast %parallel_loop3A_660 : vector<1x16xf32> to vector<16xf32>
        %parallel_loop3A_662 = vector.shape_cast %parallel_loop3A_656 : vector<16xf32> to vector<1x16xf32>
        tpu.vector_store %arg22[%parallel_loop3A_658, %parallel_loop3A_659], %parallel_loop3A_662 {strides = array<i32>} : memref<16x1024xf32, #tpu.memory_space<vmem>>, vector<1x16xf32>,
        %parallel_loop3A_663 = arith.constant 14 : i32
        %parallel_loop3A_664 = arith.index_cast %parallel_loop3A_663 : i32 to index
        %parallel_loop3A_665 = arith.index_cast %parallel_loop3A_250 : i32 to index
        %parallel_loop3A_666 = tpu.vector_load %arg17[%parallel_loop3A_664, %parallel_loop3A_665] {strides = array<i32>} : memref<16x1024xf32, #tpu.memory_space<vmem>>, vector<1x16xf32>,
        %parallel_loop3A_667 = vector.shape_cast %parallel_loop3A_666 : vector<1x16xf32> to vector<16xf32>
        %parallel_loop3A_668 = arith.constant 14 : i32
        %parallel_loop3A_669 = arith.index_cast %parallel_loop3A_668 : i32 to index
        %parallel_loop3A_670 = arith.index_cast %parallel_loop3A_250 : i32 to index
        %parallel_loop3A_671 = tpu.vector_load %arg19[%parallel_loop3A_669, %parallel_loop3A_670] {strides = array<i32>} : memref<16x1024xf32, #tpu.memory_space<vmem>>, vector<1x16xf32>,
        %parallel_loop3A_672 = vector.shape_cast %parallel_loop3A_671 : vector<1x16xf32> to vector<16xf32>
        %parallel_loop3A_673 = arith.addf %parallel_loop3A_667, %parallel_loop3A_672 : vector<16xf32>
        %parallel_loop3A_674 = arith.constant 14 : i32
        %parallel_loop3A_675 = arith.index_cast %parallel_loop3A_674 : i32 to index
        %parallel_loop3A_676 = arith.index_cast %parallel_loop3A_250 : i32 to index
        %parallel_loop3A_677 = tpu.vector_load %arg20[%parallel_loop3A_675, %parallel_loop3A_676] {strides = array<i32>} : memref<16x1024xf32, #tpu.memory_space<vmem>>, vector<1x16xf32>,
        %parallel_loop3A_678 = vector.shape_cast %parallel_loop3A_677 : vector<1x16xf32> to vector<16xf32>
        %parallel_loop3A_679 = arith.addf %parallel_loop3A_673, %parallel_loop3A_678 : vector<16xf32>
        %parallel_loop3A_680 = vector.broadcast %squeeze3A_205 : f32 to vector<16xf32>
        %parallel_loop3A_681 = arith.subf %parallel_loop3A_679, %parallel_loop3A_680 : vector<16xf32>
        %parallel_loop3A_682 = vector.broadcast %squeeze3A_237 : f32 to vector<16xf32>
        %parallel_loop3A_683 = arith.mulf %parallel_loop3A_681, %parallel_loop3A_682 : vector<16xf32>
        %parallel_loop3A_684 = arith.mulf %parallel_loop3A_683, %parallel_loop3A_253 : vector<16xf32>
        %parallel_loop3A_685 = arith.addf %parallel_loop3A_684, %parallel_loop3A_256 : vector<16xf32>
        %parallel_loop3A_686 = arith.constant 14 : i32
        %parallel_loop3A_687 = arith.index_cast %parallel_loop3A_686 : i32 to index
        %parallel_loop3A_688 = arith.index_cast %parallel_loop3A_250 : i32 to index
        %parallel_loop3A_689 = tpu.vector_load %arg22[%parallel_loop3A_687, %parallel_loop3A_688] {strides = array<i32>} : memref<16x1024xf32, #tpu.memory_space<vmem>>, vector<1x16xf32>,
        %parallel_loop3A_690 = vector.shape_cast %parallel_loop3A_689 : vector<1x16xf32> to vector<16xf32>
        %parallel_loop3A_691 = vector.shape_cast %parallel_loop3A_685 : vector<16xf32> to vector<1x16xf32>
        tpu.vector_store %arg22[%parallel_loop3A_687, %parallel_loop3A_688], %parallel_loop3A_691 {strides = array<i32>} : memref<16x1024xf32, #tpu.memory_space<vmem>>, vector<1x16xf32>,
        %parallel_loop3A_692 = arith.constant 15 : i32
        %parallel_loop3A_693 = arith.index_cast %parallel_loop3A_692 : i32 to index
        %parallel_loop3A_694 = arith.index_cast %parallel_loop3A_250 : i32 to index
        %parallel_loop3A_695 = tpu.vector_load %arg17[%parallel_loop3A_693, %parallel_loop3A_694] {strides = array<i32>} : memref<16x1024xf32, #tpu.memory_space<vmem>>, vector<1x16xf32>,
        %parallel_loop3A_696 = vector.shape_cast %parallel_loop3A_695 : vector<1x16xf32> to vector<16xf32>
        %parallel_loop3A_697 = arith.constant 15 : i32
        %parallel_loop3A_698 = arith.index_cast %parallel_loop3A_697 : i32 to index
        %parallel_loop3A_699 = arith.index_cast %parallel_loop3A_250 : i32 to index
        %parallel_loop3A_700 = tpu.vector_load %arg19[%parallel_loop3A_698, %parallel_loop3A_699] {strides = array<i32>} : memref<16x1024xf32, #tpu.memory_space<vmem>>, vector<1x16xf32>,
        %parallel_loop3A_701 = vector.shape_cast %parallel_loop3A_700 : vector<1x16xf32> to vector<16xf32>
        %parallel_loop3A_702 = arith.addf %parallel_loop3A_696, %parallel_loop3A_701 : vector<16xf32>
        %parallel_loop3A_703 = arith.constant 15 : i32
        %parallel_loop3A_704 = arith.index_cast %parallel_loop3A_703 : i32 to index
        %parallel_loop3A_705 = arith.index_cast %parallel_loop3A_250 : i32 to index
        %parallel_loop3A_706 = tpu.vector_load %arg20[%parallel_loop3A_704, %parallel_loop3A_705] {strides = array<i32>} : memref<16x1024xf32, #tpu.memory_space<vmem>>, vector<1x16xf32>,
        %parallel_loop3A_707 = vector.shape_cast %parallel_loop3A_706 : vector<1x16xf32> to vector<16xf32>
        %parallel_loop3A_708 = arith.addf %parallel_loop3A_702, %parallel_loop3A_707 : vector<16xf32>
        %parallel_loop3A_709 = vector.broadcast %squeeze3A_207 : f32 to vector<16xf32>
        %parallel_loop3A_710 = arith.subf %parallel_loop3A_708, %parallel_loop3A_709 : vector<16xf32>
        %parallel_loop3A_711 = vector.broadcast %squeeze3A_239 : f32 to vector<16xf32>
        %parallel_loop3A_712 = arith.mulf %parallel_loop3A_710, %parallel_loop3A_711 : vector<16xf32>
        %parallel_loop3A_713 = arith.mulf %parallel_loop3A_712, %parallel_loop3A_253 : vector<16xf32>
        %parallel_loop3A_714 = arith.addf %parallel_loop3A_713, %parallel_loop3A_256 : vector<16xf32>
        %parallel_loop3A_715 = arith.constant 15 : i32
        %parallel_loop3A_716 = arith.index_cast %parallel_loop3A_715 : i32 to index
        %parallel_loop3A_717 = arith.index_cast %parallel_loop3A_250 : i32 to index
        %parallel_loop3A_718 = tpu.vector_load %arg22[%parallel_loop3A_716, %parallel_loop3A_717] {strides = array<i32>} : memref<16x1024xf32, #tpu.memory_space<vmem>>, vector<1x16xf32>,
        %parallel_loop3A_719 = vector.shape_cast %parallel_loop3A_718 : vector<1x16xf32> to vector<16xf32>
        %parallel_loop3A_720 = vector.shape_cast %parallel_loop3A_714 : vector<16xf32> to vector<1x16xf32>
        tpu.vector_store %arg22[%parallel_loop3A_716, %parallel_loop3A_717], %parallel_loop3A_720 {strides = array<i32>} : memref<16x1024xf32, #tpu.memory_space<vmem>>, vector<1x16xf32>,
      } {sc.loop_unroll_factor = 2 : i64, sc.parallel_access}
      %mul3A_243 = arith.constant 16 : i32
      %mul3A_244 = arith.muli %add3A_27, %mul3A_243 : i32
      %add3A_245 = arith.addi %mul3A_2, %mul3A_244 : i32
      %dma_start3A_246 = arith.constant 0 : i32
      %dma_start3A_247 = tpu.memref_slice %arg11[%add3A_245, %dma_start3A_246] : memref<32768x1024xf32, #tpu.memory_space<hbm>> -> memref<16x1024xf32, #tpu.memory_space<hbm>>
      %dma_start3A_248 = arith.constant 0 : i32
      %dma_start3A_249 = tpu.memref_slice %arg11[%add3A_245, %dma_start3A_248] : memref<32768x1024xf32, #tpu.memory_space<hbm>> -> memref<16x1024xf32, #tpu.memory_space<hbm>>
      tpu.enqueue_dma source(%arg22 : memref<16x1024xf32, #tpu.memory_space<vmem>>) target(%dma_start3A_249 : memref<16x1024xf32, #tpu.memory_space<hbm>>) target_semaphore(%arg30 : memref<!tpu.dma_semaphore, #tpu.memory_space<semaphore_mem>>)
    }
    %scan3A_17 = arith.constant 32 : i32
    %dma_wait3A = arith.constant 0 : i32
    %dma_wait3A_18 = tpu.memref_slice %arg11[%mul3A_2, %dma_wait3A] : memref<32768x1024xf32, #tpu.memory_space<hbm>> -> memref<16x1024xf32, #tpu.memory_space<hbm>>
    %dma_wait3A_19 = arith.constant 0 : i32
    %dma_wait3A_20 = tpu.memref_slice %arg11[%mul3A_2, %dma_wait3A_19] : memref<32768x1024xf32, #tpu.memory_space<hbm>> -> memref<16x1024xf32, #tpu.memory_space<hbm>>
    tpu.wait_dma2 semaphore(%arg29 : memref<!tpu.dma_semaphore, #tpu.memory_space<semaphore_mem>>) src(%arg21 : memref<16x1024xf32, #tpu.memory_space<vmem>>) dst(%dma_wait3A_20 : memref<16x1024xf32, #tpu.memory_space<hbm>>)
    %dma_wait3A_21 = arith.constant 0 : i32
    %dma_wait3A_22 = tpu.memref_slice %arg11[%mul3A_2, %dma_wait3A_21] : memref<32768x1024xf32, #tpu.memory_space<hbm>> -> memref<16x1024xf32, #tpu.memory_space<hbm>>
    %dma_wait3A_23 = arith.constant 0 : i32
    %dma_wait3A_24 = tpu.memref_slice %arg11[%mul3A_2, %dma_wait3A_23] : memref<32768x1024xf32, #tpu.memory_space<hbm>> -> memref<16x1024xf32, #tpu.memory_space<hbm>>
    tpu.wait_dma2 semaphore(%arg30 : memref<!tpu.dma_semaphore, #tpu.memory_space<semaphore_mem>>) src(%arg22 : memref<16x1024xf32, #tpu.memory_space<vmem>>) dst(%dma_wait3A_24 : memref<16x1024xf32, #tpu.memory_space<hbm>>)
    return
  }
}

module attributes {stable_mosaic.version = 14 : i64} {
  func.func @_tc_stats_kernel(%arg0: i32, %arg1: memref<512x1024xf32, #tpu.memory_space<vmem>>, %arg2: memref<64x1024xf32, #tpu.memory_space<vmem>>, %arg3: memref<64x1024xf32, #tpu.memory_space<vmem>>, %arg4: memref<1x8x512xi32, #tpu.memory_space<vmem>>, %arg5: memref<1x8x512xi32, #tpu.memory_space<vmem>>, %arg6: memref<1x8x512xf32, #tpu.memory_space<vmem>>, %arg7: memref<1x8x512xf32, #tpu.memory_space<vmem>>, %arg8: memref<2x512xf32, #tpu.memory_space<vmem>>, %arg9: memref<2x64xf32, #tpu.memory_space<vmem>>, %arg10: memref<2x64xf32, #tpu.memory_space<vmem>>, %arg11: memref<512x64xf32, #tpu.memory_space<vmem>>, %arg12: memref<512x64xf32, #tpu.memory_space<vmem>>, %arg13: memref<64x64xf32, #tpu.memory_space<vmem>>) attributes {dimension_semantics = [#tpu.dimension_semantics<arbitrary>], iteration_bounds = array<i64: 8>, scalar_prefetch = 0 : i64, scratch_operands = 6 : i64, tpu.core_type = #tpu.core_type<tc>, window_params = [{pipeline_mode = #tpu.pipeline_mode<synchronous>, transform_indices = @transform_0, window_bounds = array<i64: 512, 1024>}, {pipeline_mode = #tpu.pipeline_mode<synchronous>, transform_indices = @transform_1, window_bounds = array<i64: 64, 1024>}, {pipeline_mode = #tpu.pipeline_mode<synchronous>, transform_indices = @transform_2, window_bounds = array<i64: 64, 1024>}, {transform_indices = @transform_3, window_bounds = array<i64: 1, 8, 512>}, {transform_indices = @transform_4, window_bounds = array<i64: 1, 8, 512>}, {transform_indices = @transform_5, window_bounds = array<i64: 1, 8, 512>}, {transform_indices = @transform_6, window_bounds = array<i64: 1, 8, 512>}]} {
    %eq3A = arith.constant 0 : i32
    %eq3A_0 = arith.cmpi eq, %arg0, %eq3A : i32
    %convert_element_type3A = arith.extui %eq3A_0 : i1 to i32
    %cond3A = arith.constant 0 : i32
    %cond3A_1 = arith.cmpi ne, %convert_element_type3A, %cond3A : i32
    scf.if %cond3A_1 {
      %get3A = arith.constant 0 : index
      %get3A_6 = arith.constant 0 : index
      %get3A_7 = vector.load %arg1[%get3A, %get3A_6] : memref<512x1024xf32, #tpu.memory_space<vmem>>, vector<512x1024xf32>
      %get3A_8 = arith.constant 0 : index
      %get3A_9 = arith.constant 0 : index
      %get3A_10 = vector.load %arg2[%get3A_8, %get3A_9] : memref<64x1024xf32, #tpu.memory_space<vmem>>, vector<64x1024xf32>
      %get3A_11 = arith.constant 0 : index
      %get3A_12 = arith.constant 0 : index
      %get3A_13 = vector.load %arg3[%get3A_11, %get3A_12] : memref<64x1024xf32, #tpu.memory_space<vmem>>, vector<64x1024xf32>
      %reduce_sum3A = arith.constant dense<0.000000e+00> : vector<512xf32>
      %reduce_sum3A_14 = vector.multi_reduction <add>, %get3A_7, %reduce_sum3A [1] : vector<512x1024xf32> to vector<512xf32>
      %swap3A = arith.constant 0 : index
      %swap3A_15 = arith.constant 0 : index
      %swap3A_16 = vector.load %arg8[%swap3A, %swap3A_15] : memref<2x512xf32, #tpu.memory_space<vmem>>, vector<1x512xf32>
      %swap3A_17 = vector.shape_cast %swap3A_16 : vector<1x512xf32> to vector<512xf32>
      %swap3A_18 = vector.shape_cast %reduce_sum3A_14 : vector<512xf32> to vector<1x512xf32>
      tpu.vector_store %arg8[%swap3A, %swap3A_15], %swap3A_18 {strides = array<i32>} : memref<2x512xf32, #tpu.memory_space<vmem>>, vector<1x512xf32>,
      %mul3A = arith.mulf %get3A_7, %get3A_7 : vector<512x1024xf32>
      %reduce_sum3A_19 = arith.constant dense<0.000000e+00> : vector<512xf32>
      %reduce_sum3A_20 = vector.multi_reduction <add>, %mul3A, %reduce_sum3A_19 [1] : vector<512x1024xf32> to vector<512xf32>
      %swap3A_21 = arith.constant 1 : index
      %swap3A_22 = arith.constant 0 : index
      %swap3A_23 = vector.load %arg8[%swap3A_21, %swap3A_22] : memref<2x512xf32, #tpu.memory_space<vmem>>, vector<1x512xf32>
      %swap3A_24 = vector.shape_cast %swap3A_23 : vector<1x512xf32> to vector<512xf32>
      %swap3A_25 = vector.shape_cast %reduce_sum3A_20 : vector<512xf32> to vector<1x512xf32>
      tpu.vector_store %arg8[%swap3A_21, %swap3A_22], %swap3A_25 {strides = array<i32>} : memref<2x512xf32, #tpu.memory_space<vmem>>, vector<1x512xf32>,
      %reduce_sum3A_26 = arith.constant dense<0.000000e+00> : vector<64xf32>
      %reduce_sum3A_27 = vector.multi_reduction <add>, %get3A_10, %reduce_sum3A_26 [1] : vector<64x1024xf32> to vector<64xf32>
      %swap3A_28 = arith.constant 0 : index
      %swap3A_29 = arith.constant 0 : index
      %swap3A_30 = vector.load %arg9[%swap3A_28, %swap3A_29] : memref<2x64xf32, #tpu.memory_space<vmem>>, vector<1x64xf32>
      %swap3A_31 = vector.shape_cast %swap3A_30 : vector<1x64xf32> to vector<64xf32>
      %swap3A_32 = vector.shape_cast %reduce_sum3A_27 : vector<64xf32> to vector<1x64xf32>
      tpu.vector_store %arg9[%swap3A_28, %swap3A_29], %swap3A_32 {strides = array<i32>} : memref<2x64xf32, #tpu.memory_space<vmem>>, vector<1x64xf32>,
      %mul3A_33 = arith.mulf %get3A_10, %get3A_10 : vector<64x1024xf32>
      %reduce_sum3A_34 = arith.constant dense<0.000000e+00> : vector<64xf32>
      %reduce_sum3A_35 = vector.multi_reduction <add>, %mul3A_33, %reduce_sum3A_34 [1] : vector<64x1024xf32> to vector<64xf32>
      %swap3A_36 = arith.constant 1 : index
      %swap3A_37 = arith.constant 0 : index
      %swap3A_38 = vector.load %arg9[%swap3A_36, %swap3A_37] : memref<2x64xf32, #tpu.memory_space<vmem>>, vector<1x64xf32>
      %swap3A_39 = vector.shape_cast %swap3A_38 : vector<1x64xf32> to vector<64xf32>
      %swap3A_40 = vector.shape_cast %reduce_sum3A_35 : vector<64xf32> to vector<1x64xf32>
      tpu.vector_store %arg9[%swap3A_36, %swap3A_37], %swap3A_40 {strides = array<i32>} : memref<2x64xf32, #tpu.memory_space<vmem>>, vector<1x64xf32>,
      %reduce_sum3A_41 = arith.constant dense<0.000000e+00> : vector<64xf32>
      %reduce_sum3A_42 = vector.multi_reduction <add>, %get3A_13, %reduce_sum3A_41 [1] : vector<64x1024xf32> to vector<64xf32>
      %swap3A_43 = arith.constant 0 : index
      %swap3A_44 = arith.constant 0 : index
      %swap3A_45 = vector.load %arg10[%swap3A_43, %swap3A_44] : memref<2x64xf32, #tpu.memory_space<vmem>>, vector<1x64xf32>
      %swap3A_46 = vector.shape_cast %swap3A_45 : vector<1x64xf32> to vector<64xf32>
      %swap3A_47 = vector.shape_cast %reduce_sum3A_42 : vector<64xf32> to vector<1x64xf32>
      tpu.vector_store %arg10[%swap3A_43, %swap3A_44], %swap3A_47 {strides = array<i32>} : memref<2x64xf32, #tpu.memory_space<vmem>>, vector<1x64xf32>,
      %mul3A_48 = arith.mulf %get3A_13, %get3A_13 : vector<64x1024xf32>
      %reduce_sum3A_49 = arith.constant dense<0.000000e+00> : vector<64xf32>
      %reduce_sum3A_50 = vector.multi_reduction <add>, %mul3A_48, %reduce_sum3A_49 [1] : vector<64x1024xf32> to vector<64xf32>
      %swap3A_51 = arith.constant 1 : index
      %swap3A_52 = arith.constant 0 : index
      %swap3A_53 = vector.load %arg10[%swap3A_51, %swap3A_52] : memref<2x64xf32, #tpu.memory_space<vmem>>, vector<1x64xf32>
      %swap3A_54 = vector.shape_cast %swap3A_53 : vector<1x64xf32> to vector<64xf32>
      %swap3A_55 = vector.shape_cast %reduce_sum3A_50 : vector<64xf32> to vector<1x64xf32>
      tpu.vector_store %arg10[%swap3A_51, %swap3A_52], %swap3A_55 {strides = array<i32>} : memref<2x64xf32, #tpu.memory_space<vmem>>, vector<1x64xf32>,
      %dot_general3A = arith.constant dense<0.000000e+00> : vector<512x64xf32>
      %dot_general3A_56 = tpu.matmul %get3A_7, %get3A_10, %dot_general3A {dimension_numbers = #tpu.dot_dimension_numbers<[1], [1], [0], [0], [0, 0, 1, 0], [], []>, transpose_lhs_hint = false} : vector<512x1024xf32>, vector<64x1024xf32>, vector<512x64xf32> -> vector<512x64xf32>
      %swap3A_57 = arith.constant 0 : index
      %swap3A_58 = arith.constant 0 : index
      %swap3A_59 = vector.load %arg11[%swap3A_57, %swap3A_58] : memref<512x64xf32, #tpu.memory_space<vmem>>, vector<512x64xf32>
      tpu.vector_store %arg11[%swap3A_57, %swap3A_58], %dot_general3A_56 {strides = array<i32>} : memref<512x64xf32, #tpu.memory_space<vmem>>, vector<512x64xf32>,
      %dot_general3A_60 = arith.constant dense<0.000000e+00> : vector<512x64xf32>
      %dot_general3A_61 = tpu.matmul %get3A_7, %get3A_13, %dot_general3A_60 {dimension_numbers = #tpu.dot_dimension_numbers<[1], [1], [0], [0], [0, 0, 1, 0], [], []>, transpose_lhs_hint = false} : vector<512x1024xf32>, vector<64x1024xf32>, vector<512x64xf32> -> vector<512x64xf32>
      %swap3A_62 = arith.constant 0 : index
      %swap3A_63 = arith.constant 0 : index
      %swap3A_64 = vector.load %arg12[%swap3A_62, %swap3A_63] : memref<512x64xf32, #tpu.memory_space<vmem>>, vector<512x64xf32>
      tpu.vector_store %arg12[%swap3A_62, %swap3A_63], %dot_general3A_61 {strides = array<i32>} : memref<512x64xf32, #tpu.memory_space<vmem>>, vector<512x64xf32>,
      %dot_general3A_65 = arith.constant dense<0.000000e+00> : vector<64x64xf32>
      %dot_general3A_66 = tpu.matmul %get3A_10, %get3A_13, %dot_general3A_65 {dimension_numbers = #tpu.dot_dimension_numbers<[1], [1], [0], [0], [0, 0, 1, 0], [], []>, transpose_lhs_hint = false} : vector<64x1024xf32>, vector<64x1024xf32>, vector<64x64xf32> -> vector<64x64xf32>
      %swap3A_67 = arith.constant 0 : index
      %swap3A_68 = arith.constant 0 : index
      %swap3A_69 = vector.load %arg13[%swap3A_67, %swap3A_68] : memref<64x64xf32, #tpu.memory_space<vmem>>, vector<64x64xf32>
      tpu.vector_store %arg13[%swap3A_67, %swap3A_68], %dot_general3A_66 {strides = array<i32>} : memref<64x64xf32, #tpu.memory_space<vmem>>, vector<64x64xf32>,
    } else {
    }
    %iota3A = tpu.iota {dimensions = array<i32: 1>} : vector<1x64xi32>
    %scan3A = arith.constant 0 : i32
    %scan3A_2 = arith.constant 8 : i32
    %scan3A_3 = arith.addi %scan3A, %scan3A_2 : i32
    %scan3A_4 = arith.constant 1 : i32
    scf.for %scan3A_6 = %scan3A to %scan3A_3 step %scan3A_4  : i32 {
      %get3A = arith.constant 0 : index
      %get3A_7 = arith.index_cast %scan3A_6 : i32 to index
      %get3A_8 = arith.constant 0 : index
      %get3A_9 = vector.load %arg4[%get3A, %get3A_7, %get3A_8] : memref<1x8x512xi32, #tpu.memory_space<vmem>>, vector<1x1x512xi32>
      %get3A_10 = vector.shape_cast %get3A_9 : vector<1x1x512xi32> to vector<512xi32>
      %get3A_11 = arith.constant 0 : index
      %get3A_12 = arith.index_cast %scan3A_6 : i32 to index
      %get3A_13 = arith.constant 0 : index
      %get3A_14 = vector.load %arg5[%get3A_11, %get3A_12, %get3A_13] : memref<1x8x512xi32, #tpu.memory_space<vmem>>, vector<1x1x512xi32>
      %get3A_15 = vector.shape_cast %get3A_14 : vector<1x1x512xi32> to vector<512xi32>
      %broadcast_in_dim3A = vector.shape_cast %get3A_10 : vector<512xi32> to vector<512x1xi32>
      %eq3A_16 = vector.broadcast %broadcast_in_dim3A : vector<512x1xi32> to vector<512x64xi32>
      %eq3A_17 = vector.broadcast %iota3A : vector<1x64xi32> to vector<512x64xi32>
      %eq3A_18 = arith.cmpi eq, %eq3A_16, %eq3A_17 : vector<512x64xi32>
      %convert_element_type3A_19 = arith.extui %eq3A_18 : vector<512x64xi1> to vector<512x64xi32>
      %convert_element_type3A_20 = arith.sitofp %convert_element_type3A_19 : vector<512x64xi32> to vector<512x64xf32>
      %broadcast_in_dim3A_21 = vector.shape_cast %get3A_15 : vector<512xi32> to vector<512x1xi32>
      %eq3A_22 = vector.broadcast %broadcast_in_dim3A_21 : vector<512x1xi32> to vector<512x64xi32>
      %eq3A_23 = vector.broadcast %iota3A : vector<1x64xi32> to vector<512x64xi32>
      %eq3A_24 = arith.cmpi eq, %eq3A_22, %eq3A_23 : vector<512x64xi32>
      %convert_element_type3A_25 = arith.extui %eq3A_24 : vector<512x64xi1> to vector<512x64xi32>
      %convert_element_type3A_26 = arith.sitofp %convert_element_type3A_25 : vector<512x64xi32> to vector<512x64xf32>
      %get3A_27 = arith.constant 0 : index
      %get3A_28 = arith.constant 0 : index
      %get3A_29 = vector.load %arg9[%get3A_27, %get3A_28] : memref<2x64xf32, #tpu.memory_space<vmem>>, vector<1x64xf32>
      %get3A_30 = vector.shape_cast %get3A_29 : vector<1x64xf32> to vector<64xf32>
      %dot_general3A = arith.constant dense<0.000000e+00> : vector<512xf32>
      %dot_general3A_31 = tpu.matmul %convert_element_type3A_20, %get3A_30, %dot_general3A {dimension_numbers = #tpu.dot_dimension_numbers<[1], [0], [0], [], [0, 0], [], []>, transpose_lhs_hint = false} : vector<512x64xf32>, vector<64xf32>, vector<512xf32> -> vector<512xf32>
      %get3A_32 = arith.constant 0 : index
      %get3A_33 = arith.constant 0 : index
      %get3A_34 = vector.load %arg10[%get3A_32, %get3A_33] : memref<2x64xf32, #tpu.memory_space<vmem>>, vector<1x64xf32>
      %get3A_35 = vector.shape_cast %get3A_34 : vector<1x64xf32> to vector<64xf32>
      %dot_general3A_36 = arith.constant dense<0.000000e+00> : vector<512xf32>
      %dot_general3A_37 = tpu.matmul %convert_element_type3A_26, %get3A_35, %dot_general3A_36 {dimension_numbers = #tpu.dot_dimension_numbers<[1], [0], [0], [], [0, 0], [], []>, transpose_lhs_hint = false} : vector<512x64xf32>, vector<64xf32>, vector<512xf32> -> vector<512xf32>
      %add3A = arith.addf %dot_general3A_31, %dot_general3A_37 : vector<512xf32>
      %get3A_38 = arith.constant 1 : index
      %get3A_39 = arith.constant 0 : index
      %get3A_40 = vector.load %arg9[%get3A_38, %get3A_39] : memref<2x64xf32, #tpu.memory_space<vmem>>, vector<1x64xf32>
      %get3A_41 = vector.shape_cast %get3A_40 : vector<1x64xf32> to vector<64xf32>
      %dot_general3A_42 = arith.constant dense<0.000000e+00> : vector<512xf32>
      %dot_general3A_43 = tpu.matmul %convert_element_type3A_20, %get3A_41, %dot_general3A_42 {dimension_numbers = #tpu.dot_dimension_numbers<[1], [0], [0], [], [0, 0], [], []>, transpose_lhs_hint = false} : vector<512x64xf32>, vector<64xf32>, vector<512xf32> -> vector<512xf32>
      %get3A_44 = arith.constant 1 : index
      %get3A_45 = arith.constant 0 : index
      %get3A_46 = vector.load %arg10[%get3A_44, %get3A_45] : memref<2x64xf32, #tpu.memory_space<vmem>>, vector<1x64xf32>
      %get3A_47 = vector.shape_cast %get3A_46 : vector<1x64xf32> to vector<64xf32>
      %dot_general3A_48 = arith.constant dense<0.000000e+00> : vector<512xf32>
      %dot_general3A_49 = tpu.matmul %convert_element_type3A_26, %get3A_47, %dot_general3A_48 {dimension_numbers = #tpu.dot_dimension_numbers<[1], [0], [0], [], [0, 0], [], []>, transpose_lhs_hint = false} : vector<512x64xf32>, vector<64xf32>, vector<512xf32> -> vector<512xf32>
      %add3A_50 = arith.addf %dot_general3A_43, %dot_general3A_49 : vector<512xf32>
      %get3A_51 = arith.constant 0 : index
      %get3A_52 = arith.constant 0 : index
      %get3A_53 = vector.load %arg11[%get3A_51, %get3A_52] : memref<512x64xf32, #tpu.memory_space<vmem>>, vector<512x64xf32>
      %mul3A = arith.mulf %convert_element_type3A_20, %get3A_53 : vector<512x64xf32>
      %reduce_sum3A = arith.constant dense<0.000000e+00> : vector<512xf32>
      %reduce_sum3A_54 = vector.multi_reduction <add>, %mul3A, %reduce_sum3A [1] : vector<512x64xf32> to vector<512xf32>
      %get3A_55 = arith.constant 0 : index
      %get3A_56 = arith.constant 0 : index
      %get3A_57 = vector.load %arg12[%get3A_55, %get3A_56] : memref<512x64xf32, #tpu.memory_space<vmem>>, vector<512x64xf32>
      %mul3A_58 = arith.mulf %convert_element_type3A_26, %get3A_57 : vector<512x64xf32>
      %reduce_sum3A_59 = arith.constant dense<0.000000e+00> : vector<512xf32>
      %reduce_sum3A_60 = vector.multi_reduction <add>, %mul3A_58, %reduce_sum3A_59 [1] : vector<512x64xf32> to vector<512xf32>
      %get3A_61 = arith.constant 0 : index
      %get3A_62 = arith.constant 0 : index
      %get3A_63 = vector.load %arg13[%get3A_61, %get3A_62] : memref<64x64xf32, #tpu.memory_space<vmem>>, vector<64x64xf32>
      %dot_general3A_64 = arith.constant dense<0.000000e+00> : vector<512x64xf32>
      %dot_general3A_65 = tpu.matmul %convert_element_type3A_26, %get3A_63, %dot_general3A_64 {dimension_numbers = #tpu.dot_dimension_numbers<[1], [1], [0], [0], [0, 0, 1, 0], [], []>, transpose_lhs_hint = false} : vector<512x64xf32>, vector<64x64xf32>, vector<512x64xf32> -> vector<512x64xf32>
      %mul3A_66 = arith.mulf %convert_element_type3A_20, %dot_general3A_65 : vector<512x64xf32>
      %reduce_sum3A_67 = arith.constant dense<0.000000e+00> : vector<512xf32>
      %reduce_sum3A_68 = vector.multi_reduction <add>, %mul3A_66, %reduce_sum3A_67 [1] : vector<512x64xf32> to vector<512xf32>
      %get3A_69 = arith.constant 0 : index
      %get3A_70 = arith.constant 0 : index
      %get3A_71 = vector.load %arg8[%get3A_69, %get3A_70] : memref<2x512xf32, #tpu.memory_space<vmem>>, vector<1x512xf32>
      %get3A_72 = vector.shape_cast %get3A_71 : vector<1x512xf32> to vector<512xf32>
      %add3A_73 = arith.addf %get3A_72, %add3A : vector<512xf32>
      %mul3A_74 = arith.constant 9.765625E-4 : f32
      %mul3A_75 = vector.broadcast %mul3A_74 : f32 to vector<512xf32>
      %mul3A_76 = arith.mulf %add3A_73, %mul3A_75 : vector<512xf32>
      %get3A_77 = arith.constant 1 : index
      %get3A_78 = arith.constant 0 : index
      %get3A_79 = vector.load %arg8[%get3A_77, %get3A_78] : memref<2x512xf32, #tpu.memory_space<vmem>>, vector<1x512xf32>
      %get3A_80 = vector.shape_cast %get3A_79 : vector<1x512xf32> to vector<512xf32>
      %add3A_81 = arith.addf %get3A_80, %add3A_50 : vector<512xf32>
      %add3A_82 = arith.addf %reduce_sum3A_54, %reduce_sum3A_60 : vector<512xf32>
      %add3A_83 = arith.addf %add3A_82, %reduce_sum3A_68 : vector<512xf32>
      %mul3A_84 = arith.constant 2.000000e+00 : f32
      %mul3A_85 = vector.broadcast %mul3A_84 : f32 to vector<512xf32>
      %mul3A_86 = arith.mulf %mul3A_85, %add3A_83 : vector<512xf32>
      %add3A_87 = arith.addf %add3A_81, %mul3A_86 : vector<512xf32>
      %mul3A_88 = arith.constant 9.765625E-4 : f32
      %mul3A_89 = vector.broadcast %mul3A_88 : f32 to vector<512xf32>
      %mul3A_90 = arith.mulf %add3A_87, %mul3A_89 : vector<512xf32>
      %mul3A_91 = arith.mulf %mul3A_76, %mul3A_76 : vector<512xf32>
      %sub3A = arith.subf %mul3A_90, %mul3A_91 : vector<512xf32>
      %swap3A = arith.constant 0 : index
      %swap3A_92 = arith.index_cast %scan3A_6 : i32 to index
      %swap3A_93 = arith.constant 0 : index
      %swap3A_94 = vector.load %arg6[%swap3A, %swap3A_92, %swap3A_93] : memref<1x8x512xf32, #tpu.memory_space<vmem>>, vector<1x1x512xf32>
      %swap3A_95 = vector.shape_cast %swap3A_94 : vector<1x1x512xf32> to vector<512xf32>
      %swap3A_96 = vector.shape_cast %mul3A_76 : vector<512xf32> to vector<1x1x512xf32>
      tpu.vector_store %arg6[%swap3A, %swap3A_92, %swap3A_93], %swap3A_96 {strides = array<i32>} : memref<1x8x512xf32, #tpu.memory_space<vmem>>, vector<1x1x512xf32>,
      %add3A_97 = arith.constant 9.99999996E-13 : f32
      %add3A_98 = vector.broadcast %add3A_97 : f32 to vector<512xf32>
      %add3A_99 = arith.addf %sub3A, %add3A_98 : vector<512xf32>
      %rsqrt3A = math.rsqrt %add3A_99 : vector<512xf32>
      %swap3A_100 = arith.constant 0 : index
      %swap3A_101 = arith.index_cast %scan3A_6 : i32 to index
      %swap3A_102 = arith.constant 0 : index
      %swap3A_103 = vector.load %arg7[%swap3A_100, %swap3A_101, %swap3A_102] : memref<1x8x512xf32, #tpu.memory_space<vmem>>, vector<1x1x512xf32>
      %swap3A_104 = vector.shape_cast %swap3A_103 : vector<1x1x512xf32> to vector<512xf32>
      %swap3A_105 = vector.shape_cast %rsqrt3A : vector<512xf32> to vector<1x1x512xf32>
      tpu.vector_store %arg7[%swap3A_100, %swap3A_101, %swap3A_102], %swap3A_105 {strides = array<i32>} : memref<1x8x512xf32, #tpu.memory_space<vmem>>, vector<1x1x512xf32>,
    }
    %scan3A_5 = arith.constant 8 : i32
    return
  }
  func.func @transform_0(%arg0: i32) -> (i32, i32) {
    %c0_i32 = arith.constant 0 : i32
    %c0_i32_0 = arith.constant 0 : i32
    %c0_i32_1 = arith.constant 0 : i32
    return %c0_i32, %c0_i32_0 : i32, i32
  }
  func.func @transform_1(%arg0: i32) -> (i32, i32) {
    %c0_i32 = arith.constant 0 : i32
    %c0_i32_0 = arith.constant 0 : i32
    %c0_i32_1 = arith.constant 0 : i32
    return %c0_i32, %c0_i32_0 : i32, i32
  }
  func.func @transform_2(%arg0: i32) -> (i32, i32) {
    %c0_i32 = arith.constant 0 : i32
    %c0_i32_0 = arith.constant 0 : i32
    %c0_i32_1 = arith.constant 0 : i32
    return %c0_i32, %c0_i32_0 : i32, i32
  }
  func.func @transform_3(%arg0: i32) -> (i32, i32, i32) {
    %c0_i32 = arith.constant 0 : i32
    %c0_i32_0 = arith.constant 0 : i32
    %c0_i32_1 = arith.constant 0 : i32
    return %arg0, %c0_i32, %c0_i32_0 : i32, i32, i32
  }
  func.func @transform_4(%arg0: i32) -> (i32, i32, i32) {
    %c0_i32 = arith.constant 0 : i32
    %c0_i32_0 = arith.constant 0 : i32
    %c0_i32_1 = arith.constant 0 : i32
    return %arg0, %c0_i32, %c0_i32_0 : i32, i32, i32
  }
  func.func @transform_5(%arg0: i32) -> (i32, i32, i32) {
    %c0_i32 = arith.constant 0 : i32
    %c0_i32_0 = arith.constant 0 : i32
    %c0_i32_1 = arith.constant 0 : i32
    return %arg0, %c0_i32, %c0_i32_0 : i32, i32, i32
  }
  func.func @transform_6(%arg0: i32) -> (i32, i32, i32) {
    %c0_i32 = arith.constant 0 : i32
    %c0_i32_0 = arith.constant 0 : i32
    %c0_i32_1 = arith.constant 0 : i32
    return %arg0, %c0_i32, %c0_i32_0 : i32, i32, i32
  }
}

</mosaic_0001>

<sc_bundles>
// kernel: kernel.4.cloned.1.call-start
scs
__scs_entry_jumppad:
0x0: {  	(pc) =	sbr.rel $0x88, $3  }
0x1: {  	(tag) =	ssettag $0x0;
	lr =	simm.s32 $0x1  }
0x2: {  	[smem:$0x3F9B] =	sst lr;
	_ =	strace $0xD0000000  }
0x3: {  	_ = 	snop  }
0x4: {  	_ = 	snop  }
0x5: {  	_ = 	snop  }
0x6: {  	_ = 	snop  }
0x7: {  	_ = 	snop  }
__scs_overlays_trampoline_lowered:
0x8: {  	[smem:$0x3FAA] =	sst s0  }
0x9: {  	[smem:$0x3FAB] =	sst s1  }
0xa: {  	[smem:$0x3FAC] =	sst s2  }
0xb: {  	[smem:$0x3FAD] =	sst s3  }
0xc: {  	[smem:$0x3FAE] =	sst s4  }
0xd: {  	[smem:$0x3FAF] =	sst s5  }
0xe: {  	[smem:$0x3FB0] =	sst s6  }
0xf: {  	[smem:$0x3FB1] =	sst s7  }
0x10: {  	[smem:$0x3FB2] =	sst s8  }
0x11: {  	[smem:$0x3FB3] =	sst s9;
	s0 =	simm.s32 @!p0 $0x0  }
0x12: {  	s1 =	sld [smem:$0x3F99];
	s0 =	simm.s32 @p0 $0x1  }
0x13: {  	[smem:$0x3FB4] =	sst s0;
	s0 =	simm.s32 @!p1 $0x0  }
0x14: {  	s2 =	sld [smem:$0x3F98];
	s0 =	simm.s32 @p1 $0x1  }
0x15: {  	[smem:$0x3FB5] =	sst s0;
	s0 =	simm.s32 @!p2 $0x0  }
0x16: {  	s3 =	sld [smem:$0x3FDB];
	s0 =	simm.s32 @p2 $0x1  }
0x17: {  	s4 =	simm.s32 $0x1BF5;
	[smem:$0x3FB7] =	sst s0  }
0x18: {  	s0 =	sld [smem:$0x3F9A];
	_ =	swait.ge [sflag:s4], $0x0  }
0x19: {  	s7 =	sld [smem:$0x3F9B]  }
0x1a: {  	s8 =	sadd.s32 $0xFFFFE003, lr  }
0x1b: {  	s9 =	sadd.s32 $0xFFFFFEF7, lr;
	s5 =	simm.s32 $0xFFFFFFFF;
	p2 =	slt.u32 s8, $0xFFFFF086  }
0x1c: {  	p1 =	slt.u32 s9, $0xF7A;
	s5 =	simm.s32 @!p2 $0x0  }
0x1d: {  	s5 =	simm.s32 @p1 $0x1;
	p0 =	seq.s32 s7, s2  }
0x1e: {  	s7 =	smul.u32 @!p0 $0xF7A, s2;
	p2 =	seq.s32 @!p0 s5, $0x0  }
0x1f: {  	s9 =	smul.u32 $0xF7A, s1;
	s8 =	simm.s32 @!p0 $0x1BF5;
	p2 =	por !p2, p0  }
0x20: {  	[sflag:s8] =	ssyncset.s32 @!p0 $0xFFFFF086;
	s6 =	sadd.s32 @!p0 s3, s7;
	s7 =	simm.s32 @!p0 $0x108  }
0x21: {  	s3 =	sadd.s32 s3, s9;
	s6 =	sadd.s32 @!p0 $0x88, s6;
	s7 =	simm.s32 @p2 $0x1082  }
0x22: {  	[simem:s7], [sflag:s8] =	dma.local @!p0 [hbm:s6], $0xF7A  }
0x23: {  	s9 =	sor.u32 $0xD0000000, s2;
	s6 =	simm.s32 $0x108;
	_ =	swait.ge @!p0 [sflag:s8], $0x0  }
0x24: {  	s3 =	sadd.s32 $0x88, s3;
	s6 =	simm.s32 @!p1 $0x1082;
	[sflag:s4] =	ssyncset.s32 $0xFFFFF086  }
0x25: {  	[simem:s6], [sflag:s4] =	dma.local [hbm:s3], $0xF7A  }
0x26: {  	[smem:$0x3F9B] =	sst s1;
	(tag) =	ssettag s2;
	_ =	strace s9  }
0x27: {  	s1 =	sld [smem:$0x3FAB]  }
0x28: {  	s2 =	sld [smem:$0x3FAC]  }
0x29: {  	s4 =	sld [smem:$0x3FAE]  }
0x2a: {  	p0 =	seq.s32 s5, $0x0;
	s5 =	sld [smem:$0x3FAF]  }
0x2b: {  	s6 =	sld [smem:$0x3FB0]  }
0x2c: {  	s7 =	sld [smem:$0x3FB1]  }
0x2d: {  	s3 =	simm.s32 $0x108;
	s8 =	sld [smem:$0x3FB2]  }
0x2e: {  	s3 =	simm.s32 @!p0 $0x1082;
	s9 =	sld [smem:$0x3FB3]  }
0x2f: {  	lr =	sadd.s32 s0, s3;
	s0 =	sld [smem:$0x3FAA]  }
0x30: {  	s3 =	sld [smem:$0x3FAD]  }
0x31: {  	[smem:$0x3FB6] =	sst s10  }
0x32: {  	s10 =	sld [smem:$0x3FB4];
	_ =	sdelay $0x3  }
0x33: {  	p0 =	seq.s32 s10, $0x1;
	s10 =	sld [smem:$0x3FB6];
	_ =	sdelay $0x3  }
0x34: {  	[smem:$0x3FB6] =	sst s10  }
0x35: {  	s10 =	sld [smem:$0x3FB5];
	_ =	sdelay $0x3  }
0x36: {  	p1 =	seq.s32 s10, $0x1;
	s10 =	sld [smem:$0x3FB6];
	_ =	sdelay $0x3  }
0x37: {  	[smem:$0x3FB6] =	sst s10  }
0x38: {  	s10 =	sld [smem:$0x3FB7]  }
0x39: {  	_ = 	snop;
	(pc) =	sbr.ind lr, $3  }
0x3a: {  	_ = 	snop  }
0x3b: {  	_ = 	snop  }
0x3c: {  	p2 =	seq.s32 s10, $0x1;
	s10 =	sld [smem:$0x3FB6]  }
0x3d: {  	_ =	shalt  }
0x3e: {  	_ =	shalt  }
0x3f: {  	_ =	shalt  }
0x40: {  	_ =	shalt  }
0x41: {  	_ =	shalt  }
0x42: {  	_ =	shalt  }
0x43: {  	_ =	shalt  }
0x44: {  	_ =	shalt  }
0x45: {  	_ =	shalt  }
0x46: {  	_ =	shalt  }
0x47: {  	_ =	shalt  }
0x48: {  	_ =	shalt  }
0x49: {  	_ =	shalt  }
0x4a: {  	_ =	shalt  }
0x4b: {  	_ =	shalt  }
0x4c: {  	_ =	shalt  }
0x4d: {  	_ =	shalt  }
0x4e: {  	_ =	shalt  }
0x4f: {  	_ =	shalt  }
0x50: {  	_ =	shalt  }
0x51: {  	_ =	shalt  }
0x52: {  	_ =	shalt  }
0x53: {  	_ =	shalt  }
0x54: {  	_ =	shalt  }
0x55: {  	_ =	shalt  }
0x56: {  	_ =	shalt  }
0x57: {  	_ =	shalt  }
0x58: {  	_ =	shalt  }
0x59: {  	_ =	shalt  }
0x5a: {  	_ =	shalt  }
0x5b: {  	_ =	shalt  }
0x5c: {  	_ =	shalt  }
0x5d: {  	_ =	shalt  }
0x5e: {  	_ =	shalt  }
0x5f: {  	_ =	shalt  }
0x60: {  	_ =	shalt  }
0x61: {  	_ =	shalt  }
0x62: {  	_ =	shalt  }
0x63: {  	_ =	shalt  }
0x64: {  	_ =	shalt  }
0x65: {  	_ =	shalt  }
0x66: {  	_ =	shalt  }
0x67: {  	_ =	shalt  }
0x68: {  	_ =	shalt  }
0x69: {  	_ =	shalt  }
0x6a: {  	_ =	shalt  }
0x6b: {  	_ =	shalt  }
0x6c: {  	_ =	shalt  }
0x6d: {  	_ =	shalt  }
0x6e: {  	_ =	shalt  }
0x6f: {  	_ =	shalt  }
0x70: {  	_ =	shalt  }
0x71: {  	_ =	shalt  }
0x72: {  	_ =	shalt  }
0x73: {  	_ =	shalt  }
0x74: {  	_ =	shalt  }
0x75: {  	_ =	shalt  }
0x76: {  	_ =	shalt  }
0x77: {  	_ =	shalt  }
0x78: {  	_ =	shalt  }
0x79: {  	_ =	shalt  }
0x7a: {  	_ =	shalt  }
0x7b: {  	_ =	shalt  }
0x7c: {  	_ =	shalt  }
0x7d: {  	_ =	shalt  }
0x7e: {  	_ =	shalt  }
0x7f: {  	_ =	shalt  }
0x80: {  	_ =	shalt  }
0x81: {  	_ =	shalt  }
0x82: {  	_ =	shalt  }
0x83: {  	_ =	shalt  }
0x84: {  	_ =	shalt  }
0x85: {  	_ =	shalt  }
0x86: {  	_ =	shalt  }
0x87: {  	_ =	shalt  }
.Lfunc_end0:
.L_simem_size_0:
called_computation_lowered:
.L_overlay_start_0:
0x88: {  	s2 =	sld [smem:$0x3FD9]  }
0x89: {  	s3 =	sld [smem:$0x3FFE];
	_ =	sdelay $0x1  }
0x8a: {  	s1 =	srdreg.scid  }
0x8b: {  	s0 =	sand.u32 $0x1, s1  }
0x8c: {  	s17 =	sshll.u32 s0, $0xA;
	s2 =	sadd.s32 s3, s2  }
0x8d: {  	s2 =	sadd.s32 s2, s17  }
0x8e: {  	[smem:$0x3FC2] =	sst s2  }
0x8f: {  	_ = 	snop  }
0x90: {  	s2 =	sld [smem:$0x3FC8]  }
0x91: {  	s18 =	sld [smem:$0x3FC7]  }
0x92: {  	s4 =	sld [smem:$0x3FC6]  }
0x93: {  	s5 =	sld [smem:$0x3FC5]  }
0x94: {  	s6 =	sld [smem:$0x3FC4]  }
0x95: {  	s7 =	sld [smem:$0x3FD0];
	(tm) =	ssettm $0x1  }
0x96: {  	s8 =	sld [smem:$0x3FFB];
	_ =	sdelay $0x3  }
0x97: {  	_ =	strace s8  }
0x98: {  	s8 =	sld [smem:$0x3FFC];
	_ =	sdelay $0x3  }
0x99: {  	_ =	strace s8  }
0x9a: {  	s8 =	sld [smem:$0x3FFD];
	_ =	sdelay $0x3  }
0x9b: {  	_ =	strace s8  }
0x9c: {  	_ =	strace $0x8FFFFFFF  }
0x9d: {  	s19 =	sld [smem:$0x3FDB];
	_ =	sdelay $0x1  }
0x9e: {  	s9 =	simm.s32 $_scs_section_size  }
0x9f: {  	s10 =	simm.s32 $_size__tile_overlayer_lowered;
	s11 =	simm.s32 $_tile_overlayer_lowered  }
0xa0: {  	s22 =	simm.s32 $0x1BFF;
	s21 =	sshll.u32 s11, $0x1;
	s8 =	sadd.s32 s9, s19  }
0xa1: {  	s12 =	simm.s32 $0x0;
	s20 =	sshll.u32 s10, $0x1;
	s10 =	sadd.s32 s21, s8  }
0xa2: {  	[timem:s12], [sflag:s22] =	dma.local [hbm:s10], s20  }
0xa3: {  	_ =	swait.ge [sflag:s22], s20  }
0xa4: {  	s9 =	ssub.s32 $0x0, s20;
	[sflag:s22] =	ssyncset.done $0x0  }
0xa5: {  	[sflag:s22] =	ssyncadd.s32 s9;
	_ =	sdelay $0x1  }
0xa6: {  	s23 =	simm.s32 $0x1B8B  }
0xa7: {  	_ =	swait.ge [sflag:s23], $0x1  }
0xa8: {  	[sflag:s23] =	ssyncset.done $0x0  }
0xa9: {  	s25 =	simm.s32 $0x1B8E;
	s24 =	sld [smem:$0x3FFE];
	[sflag:s23] =	ssyncadd.s32 $0xFFFFFFFF  }
0xaa: {  	s26 =	simm.s32 $execute0_lowered;
	[smem:$0x3FD2] =	sst s25  }
0xab: {  	s10 =	sshll.u32 s26, $0x1;
	_ =	strace $0x80000046;
	[dreg:$0x1] =	wrdreg $0xFFFFFFFF  }
0xac: {  	s28 =	simm.s32 $_size_execute0_lowered;
	s8 =	sadd.s32 s8, s10;
	[dreg:$0x0] =	wrdreg $0x0  }
0xad: {  	s10 =	sshll.u32 s28, $0x1;
	[dreg:$0x2] =	wrdreg s8  }
0xae: {  	[dreg:$0x3] =	wrdreg s10  }
0xaf: {  	[dreg:$0x4] =	wrdreg $0xC0  }
0xb0: {  	_ =	task [dreg:s12], $0x5FFFF  }
0xb1: {  	[dreg:$0x1] =	wrdreg $0xFFFFFFFF  }
0xb2: {  	[dreg:$0x0] =	wrdreg $0x60  }
0xb3: {  	[dreg:$0x2] =	wrdreg s24  }
0xb4: {  	[dreg:$0x3] =	wrdreg s2  }
0xb5: {  	[dreg:$0x4] =	wrdreg s18  }
0xb6: {  	[dreg:$0x5] =	wrdreg s4  }
0xb7: {  	[dreg:$0x6] =	wrdreg s5  }
0xb8: {  	[dreg:$0x7] =	wrdreg s6  }
0xb9: {  	[dreg:$0x8] =	wrdreg s7  }
0xba: {  	[dreg:$0x9] =	wrdreg $0x9  }
0xbb: {  	_ =	task.clear_ibuf [dreg:s12], $0xAFFFF;
	_ =	strace $0x90000046  }
0xbc: {  	s29 =	simm.s32 $0x9;
	_ =	strace $0x80000048  }
0xbd: {  	_ =	swait.ge [sflag:s29], $0x1  }
0xbe: {  	[sflag:s29] =	ssyncadd.s32 $0xFFFFFFFF  }
0xbf: {  	_ =	strace $0x90000048  }
0xc0: {  	_ =	sfence  }
0xc1: {  	s30 =	sld [smem:$0x0];
	_ =	sdelay $0x2  }
0xc2: {  	s31 =	sshll.u32 s1, $0xD;
	s1 =	sshrl.u32 s1, $0x2  }
0xc3: {  	s3 =	sand.u32 $0x4000, s31;
	s1 =	sadd.s32 s1, s30  }
0xc4: {  	s0 =	sor.u32 s3, s0;
	s1 =	sshll.u32 s1, $0x11  }
0xc5: {  	s0 =	sor.u32 s1, s0  }
0xc6: {  	s0 =	sadd.s32 $0x8F2B, s0  }
0xc7: {  	[sflag:s0] =	ssyncadd.remote.s32 $0x1  }
0xc8: {  	_ =	sfence.sel $0xFFFF  }
0xc9: {  	[dreg:$0x0] =	wrdreg $0xFFFFFFFF;
	(pc) =	sbr.abs _section_cstart, $3  }
0xca: {  	[dreg:$0x1] =	wrdreg $0xFFFFFFFF  }
0xcb: {  	_ =	task.clear_ibuf [dreg:s12], $0x2FFFF;
	_ =	strace $0x9FFFFFFF  }
0xcc: {  	(tm) =	ssettm $0x7FFFFFFF  }
0xcd: {  	_ =	shalt  }
tec
execute0_lowered:
.L_overlay_start_1:
0x0: {  	(tag) =	ssettag $0x1  }
0x1: {  	s0 =	rddreg [dreg:$0x0]  }
0x2: {  	s31 =	rddreg [dreg:$0x2]  }
0x3: {  	s1 =	rddreg [dreg:$0x3]  }
0x4: {  	s3 =	srdreg.scid;
	s2 =	stileid.u32  }
0x5: {  	s8 =	simm.s32 $0x0;
	s3 =	sand.u32 $0x1, s3;
	s4 =	sshll.u32 s2, $0xB  }
0x6: {  	[smem:$0x7FF] =	sst s8;
	s5 =	sshll.u32 s3, $0xA;
	s3 =	ssub.s32 $0x2, s3  }
0x7: {  	s14 =	sadd.s32 $0x100, s31;
	s2 =	sor.u32 s5, s4;
	s25 =	sshrl.u32 s3, $0x1  }
0x8: {  	s15 =	sadd.s32 $0x200, s31;
	s4 =	sshrl.u32 s2, $0x3;
	s3 =	ssub.s32 s3, s25  }
0x9: {  	v2 =	vlaneseq.u32;
	[dreg:$0x8] =	wrdreg s2;
	s0 =	sadd.s32 s4, s0;
	s30 =	smax.u32 s3, $0x1  }
0xa: {  	v1 =	vshrl.u32 v2, $0x3;
	_ =	strace $0x80000047;
	s26 =	sadd.s32 $0x1400, s0;
	[dreg:$0xd] =	wrdreg s30  }
0xb: {  	s16 =	sadd.s32 $0x300, s31;
	v0 =	vand.u32 $0x7, v2;
	v62 =	vmul.u32 $0x8, v1;
	s28 =	sadd.s32 $0x2400, s0;
	[dreg:$0x9] =	wrdreg s26  }
0xc: {  	s17 =	sadd.s32 $0x100, s1;
	[tilespmem:$0x1FFD0] =	vst v0;
	s29 =	sadd.s32 $0x3400, s0;
	[dreg:$0xa] =	wrdreg s28  }
0xd: {  	s18 =	sadd.s32 $0x200, s1;
	v63 =	vor.u32 $0x8, v2;
	[tilespmem:$0x1FFE0] =	vst v62;
	s0 =	sadd.s32 $0x4400, s0;
	[dreg:$0xb] =	wrdreg s29  }
0xe: {  	vm0 =	vmmov $0xffff;
	s19 =	sadd.s32 $0x300, s1;
	s2 =	simm.s32 $0x0;
	[tilespmem:$0x1FFF0] =	vst v63;
	[dreg:$0xc] =	wrdreg s0  }
.LBB2_1:
0xf: {  	[dreg:$0xe] =	wrdreg s2  }
0x10: {  	s0 =	rddreg [dreg:$0x9];
	s1 =	simm.s32 $0x8  }
0x11: {  	[tilespmem:s8], [sflag:$0x8] =	stream.linear.gather [hbm4b:s0+s8], $0x400, $0x38;
	[tilespmem:$0x1D800] =	vst v63  }
0x12: {  	_ =	swait.ge [sflag:s1], $0x400  }
0x13: {  	[sflag:s1] =	ssyncset.done $0x0  }
0x14: {  	s25 =	simm.s32 $0x400;
	s24 =	rddreg [dreg:$0xa];
	[sflag:s1] =	ssyncadd.s32 $0xFFFFFC00  }
0x15: {  	[tilespmem:s25], [sflag:$0x8] =	stream.linear.gather [hbm4b:s24+s8], $0x400, $0x38;
	[tilespmem:$0x1D800] =	vst v63  }
0x16: {  	_ =	swait.ge [sflag:s1], $0x400  }
0x17: {  	[sflag:s1] =	ssyncset.done $0x0  }
0x18: {  	s28 =	simm.s32 $0x800;
	s26 =	rddreg [dreg:$0xb];
	[sflag:s1] =	ssyncadd.s32 $0xFFFFFC00  }
0x19: {  	[tilespmem:s28], [sflag:$0x8] =	stream.linear.gather [hbm4b:s26+s8], $0x400, $0x38;
	[tilespmem:$0x1D800] =	vst v63  }
0x1a: {  	_ =	swait.ge [sflag:s1], $0x400  }
0x1b: {  	[sflag:s1] =	ssyncset.done $0x0  }
0x1c: {  	s30 =	simm.s32 $0xC00;
	s29 =	rddreg [dreg:$0xc];
	[sflag:s1] =	ssyncadd.s32 $0xFFFFFC00  }
0x1d: {  	[tilespmem:s30], [sflag:$0x8] =	stream.linear.gather [hbm4b:s29+s8], $0x400, $0x38;
	[tilespmem:$0x1D800] =	vst v63  }
0x1e: {  	_ =	swait.ge [sflag:s1], $0x400  }
0x1f: {  	[sflag:s1] =	ssyncset.done $0x0  }
0x20: {  	[sflag:s1] =	ssyncadd.s32 $0xFFFFFC00  }
0x21: {  	s3 =	simm.s32 $0x1D000;
	s2 =	rddreg [dreg:$0x4]  }
0x22: {  	[tilespmem:s3], [sflag:$0x8] =	stream.linear.gather [hbm4b:s2+s8], $0x400, $0x38;
	[tilespmem:$0x1D800] =	vst v63  }
0x23: {  	_ =	swait.ge [sflag:s1], $0x400  }
0x24: {  	[sflag:s1] =	ssyncset.done $0x0  }
0x25: {  	[sflag:s1] =	ssyncadd.s32 $0xFFFFFC00  }
0x26: {  	s5 =	simm.s32 $0x1D400;
	s4 =	rddreg [dreg:$0x5]  }
0x27: {  	[tilespmem:s5], [sflag:$0x8] =	stream.linear.gather [hbm4b:s4+s8], $0x400, $0x38;
	[tilespmem:$0x1D800] =	vst v63  }
0x28: {  	_ =	swait.ge [sflag:s1], $0x400  }
0x29: {  	[sflag:s1] =	ssyncset.done $0x0  }
0x2a: {  	[sflag:s1] =	ssyncadd.s32 $0xFFFFFC00  }
0x2b: {  	v3 =	vld [tilespmem:$0x0];
	_ =	sdelay $0x2  }
0x2c: {  	v0 =	vld [tilespmem:$0x1FFD0];
	_ =	sdelay $0x1  }
0x2d: {  	v1 =	vld [tilespmem:$0x1FFE0];
	v4 =	vshll.u32 v3, $0x3  }
0x2e: {  	v3 =	vand.u32 $0x7, v3;
	v4 =	vand.u32 $0xFFFFFFC0, v4  }
0x2f: {  	v3 =	vor.u32 v3, v4  }
0x30: {  	v4 =	vperm.xlane v3, v0;
	_ =	sdelay $0x1  }
0x31: {  	v4 =	vadd.s32 v1, v4  }
0x32: {  	v2 =	vld [tilespmem:$0x1FFF0];
	_ =	sdelay $0x2  }
0x33: {  	s6 =	simm.s32 $0x1000  }
0x34: {  	v5 =	vld [tilespmem:$0x400];
	[tilespmem:s6], [sflag:$0x1] =	stream.indirect_vreg.gather [hbm4b:s31+s8], $0x80, v4, vm0, $0xb8  }
0x35: {  	s7 =	simm.s32 $0x1800;
	v3 =	vperm.xlane v3, v2  }
0x36: {  	[tilespmem:s7], [sflag:$0x1] =	stream.indirect_vreg.gather [hbm4b:s14+s8], $0x80, v4, vm0, $0xb8;
	[tilespmem:$0x1D800] =	vst v63  }
0x37: {  	s9 =	simm.s32 $0x2000;
	v3 =	vadd.s32 v1, v3  }
0x38: {  	[tilespmem:s9], [sflag:$0x1] =	stream.indirect_vreg.gather [hbm4b:s15+s8], $0x80, v4, vm0, $0xb8;
	[tilespmem:$0x1D800] =	vst v63  }
0x39: {  	s10 =	simm.s32 $0x2800  }
0x3a: {  	v62 =	vshll.u32 v5, $0x3;
	[tilespmem:s10], [sflag:$0x1] =	stream.indirect_vreg.gather [hbm4b:s16+s8], $0x80, v4, vm0, $0xb8;
	[tilespmem:$0x1D800] =	vst v63  }
0x3b: {  	s11 =	simm.s32 $0x3000;
	v5 =	vand.u32 $0x7, v5;
	v4 =	vand.u32 $0xFFFFFFC0, v62  }
0x3c: {  	v4 =	vor.u32 v5, v4;
	[tilespmem:s11], [sflag:$0x1] =	stream.indirect_vreg.gather [hbm4b:s31+s8], $0x80, v3, vm0, $0xb8;
	[tilespmem:$0x1D800] =	vst v63  }
0x3d: {  	s12 =	simm.s32 $0x3800;
	v5 =	vperm.xlane v4, v0  }
0x3e: {  	[tilespmem:s12], [sflag:$0x1] =	stream.indirect_vreg.gather [hbm4b:s14+s8], $0x80, v3, vm0, $0xb8;
	[tilespmem:$0x1D800] =	vst v63  }
0x3f: {  	s13 =	simm.s32 $0x4000;
	v5 =	vadd.s32 v1, v5  }
0x40: {  	[tilespmem:s13], [sflag:$0x1] =	stream.indirect_vreg.gather [hbm4b:s15+s8], $0x80, v3, vm0, $0xb8;
	[tilespmem:$0x1D800] =	vst v63  }
0x41: {  	s20 =	simm.s32 $0x4800  }
0x42: {  	[tilespmem:s20], [sflag:$0x1] =	stream.indirect_vreg.gather [hbm4b:s16+s8], $0x80, v3, vm0, $0xb8;
	[tilespmem:$0x1D800] =	vst v63  }
0x43: {  	s22 =	simm.s32 $0x9000;
	s21 =	rddreg [dreg:$0x3]  }
0x44: {  	[tilespmem:s22], [sflag:$0x3] =	stream.indirect_vreg.gather [hbm4b:s21+s8], $0x80, v5, vm0, $0xb8;
	[tilespmem:$0x1D800] =	vst v63  }
0x45: {  	s23 =	simm.s32 $0x9800;
	v63 =	vperm.xlane v4, v2  }
0x46: {  	[tilespmem:s23], [sflag:$0x3] =	stream.indirect_vreg.gather [hbm4b:s17+s8], $0x80, v5, vm0, $0xb8;
	[tilespmem:$0x1D800] =	vst v63  }
0x47: {  	s24 =	simm.s32 $0xA000;
	v3 =	vadd.s32 v1, v63  }
0x48: {  	[tilespmem:s24], [sflag:$0x3] =	stream.indirect_vreg.gather [hbm4b:s18+s8], $0x80, v5, vm0, $0xb8;
	[tilespmem:$0x1D800] =	vst v63  }
0x49: {  	s25 =	simm.s32 $0xA800  }
0x4a: {  	[tilespmem:s25], [sflag:$0x3] =	stream.indirect_vreg.gather [hbm4b:s19+s8], $0x80, v5, vm0, $0xb8;
	[tilespmem:$0x1D800] =	vst v63  }
0x4b: {  	s26 =	simm.s32 $0xB000  }
0x4c: {  	[tilespmem:s26], [sflag:$0x3] =	stream.indirect_vreg.gather [hbm4b:s21+s8], $0x80, v3, vm0, $0xb8;
	[tilespmem:$0x1D800] =	vst v63  }
0x4d: {  	s28 =	simm.s32 $0xB800  }
0x4e: {  	[tilespmem:s28], [sflag:$0x3] =	stream.indirect_vreg.gather [hbm4b:s17+s8], $0x80, v3, vm0, $0xb8;
	[tilespmem:$0x1D800] =	vst v63  }
0x4f: {  	s29 =	simm.s32 $0xC000  }
0x50: {  	[tilespmem:s29], [sflag:$0x3] =	stream.indirect_vreg.gather [hbm4b:s18+s8], $0x80, v3, vm0, $0xb8;
	[tilespmem:$0x1D800] =	vst v63  }
0x51: {  	s30 =	simm.s32 $0xC800;
	s6 =	simm.s32 $0x0  }
0x52: {  	[tilespmem:s30], [sflag:$0x3] =	stream.indirect_vreg.gather [hbm4b:s19+s8], $0x80, v3, vm0, $0xb8;
	[tilespmem:$0x1D800] =	vst v63  }
.LBB2_2:
0x53: {  	s23 =	sshll.u32 s6, $0x4  }
0x54: {  	s22 =	sor.u32 $0x200, s23  }
0x55: {  	v3 =	vld [tilespmem:s22+$0x0];
	_ =	sdelay $0x2  }
0x56: {  	v0 =	vld [tilespmem:$0x1FFD0];
	_ =	sdelay $0x1  }
0x57: {  	v1 =	vld [tilespmem:$0x1FFE0];
	v4 =	vshll.u32 v3, $0x3  }
0x58: {  	v3 =	vand.u32 $0x7, v3;
	v4 =	vand.u32 $0xFFFFFFC0, v4  }
0x59: {  	v3 =	vor.u32 v3, v4  }
0x5a: {  	v4 =	vperm.xlane v3, v0;
	_ =	sdelay $0x1  }
0x5b: {  	v4 =	vadd.s32 v1, v4  }
0x5c: {  	v2 =	vld [tilespmem:$0x1FFF0];
	_ =	sdelay $0x2  }
0x5d: {  	s0 =	simm.s32 $0x5000  }
0x5e: {  	v5 =	vld [tilespmem:s23+$0x600];
	[tilespmem:s0], [sflag:$0x2] =	stream.indirect_vreg.gather [hbm4b:s31+s8], $0x80, v4, vm0, $0xb8  }
0x5f: {  	s13 =	simm.s32 $0x5800;
	v3 =	vperm.xlane v3, v2  }
0x60: {  	[tilespmem:s13], [sflag:$0x2] =	stream.indirect_vreg.gather [hbm4b:s14+s8], $0x80, v4, vm0, $0xb8;
	[tilespmem:$0x1D800] =	vst v63  }
0x61: {  	s20 =	simm.s32 $0x6000;
	v3 =	vadd.s32 v1, v3  }
0x62: {  	[tilespmem:s20], [sflag:$0x2] =	stream.indirect_vreg.gather [hbm4b:s15+s8], $0x80, v4, vm0, $0xb8;
	[tilespmem:$0x1D800] =	vst v63  }
0x63: {  	s21 =	simm.s32 $0x6800  }
0x64: {  	[tilespmem:s21], [sflag:$0x2] =	stream.indirect_vreg.gather [hbm4b:s16+s8], $0x80, v4, vm0, $0xb8;
	v4 =	vshll.u32 v5, $0x3;
	[tilespmem:$0x1D800] =	vst v63  }
0x65: {  	s24 =	simm.s32 $0x7000;
	v5 =	vand.u32 $0x7, v5;
	v4 =	vand.u32 $0xFFFFFFC0, v4  }
0x66: {  	[tilespmem:s24], [sflag:$0x2] =	stream.indirect_vreg.gather [hbm4b:s31+s8], $0x80, v3, vm0, $0xb8;
	v4 =	vor.u32 v5, v4;
	[tilespmem:$0x1D800] =	vst v63  }
0x67: {  	s25 =	simm.s32 $0x7800;
	v5 =	vperm.xlane v4, v0  }
0x68: {  	[tilespmem:s25], [sflag:$0x2] =	stream.indirect_vreg.gather [hbm4b:s14+s8], $0x80, v3, vm0, $0xb8;
	[tilespmem:$0x1D800] =	vst v63  }
0x69: {  	s26 =	simm.s32 $0x8000;
	v5 =	vadd.s32 v1, v5  }
0x6a: {  	[tilespmem:s26], [sflag:$0x2] =	stream.indirect_vreg.gather [hbm4b:s15+s8], $0x80, v3, vm0, $0xb8;
	[tilespmem:$0x1D800] =	vst v63  }
0x6b: {  	s1 =	simm.s32 $0x8800  }
0x6c: {  	[tilespmem:s1], [sflag:$0x2] =	stream.indirect_vreg.gather [hbm4b:s16+s8], $0x80, v3, vm0, $0xb8;
	[tilespmem:$0x1D800] =	vst v63  }
0x6d: {  	s3 =	rddreg [dreg:$0x3];
	s1 =	simm.s32 $0xD000  }
0x6e: {  	[tilespmem:s1], [sflag:$0x4] =	stream.indirect_vreg.gather [hbm4b:s3+s8], $0x80, v5, vm0, $0xb8;
	[tilespmem:$0x1D800] =	vst v63  }
0x6f: {  	s4 =	simm.s32 $0xD800;
	v3 =	vperm.xlane v4, v2  }
0x70: {  	[tilespmem:s4], [sflag:$0x4] =	stream.indirect_vreg.gather [hbm4b:s17+s8], $0x80, v5, vm0, $0xb8;
	[tilespmem:$0x1D800] =	vst v63  }
0x71: {  	s5 =	simm.s32 $0xE000;
	v3 =	vadd.s32 v1, v3  }
0x72: {  	[tilespmem:s5], [sflag:$0x4] =	stream.indirect_vreg.gather [hbm4b:s18+s8], $0x80, v5, vm0, $0xb8;
	[tilespmem:$0x1D800] =	vst v63  }
0x73: {  	s7 =	simm.s32 $0xE800  }
0x74: {  	[tilespmem:s7], [sflag:$0x4] =	stream.indirect_vreg.gather [hbm4b:s19+s8], $0x80, v5, vm0, $0xb8;
	[tilespmem:$0x1D800] =	vst v63  }
0x75: {  	s9 =	simm.s32 $0xF000  }
0x76: {  	[tilespmem:s9], [sflag:$0x4] =	stream.indirect_vreg.gather [hbm4b:s3+s8], $0x80, v3, vm0, $0xb8;
	[tilespmem:$0x1D800] =	vst v63  }
0x77: {  	s10 =	simm.s32 $0xF800  }
0x78: {  	[tilespmem:s10], [sflag:$0x4] =	stream.indirect_vreg.gather [hbm4b:s17+s8], $0x80, v3, vm0, $0xb8;
	[tilespmem:$0x1D800] =	vst v63  }
0x79: {  	s11 =	simm.s32 $0x10000  }
0x7a: {  	[tilespmem:s11], [sflag:$0x4] =	stream.indirect_vreg.gather [hbm4b:s18+s8], $0x80, v3, vm0, $0xb8;
	[tilespmem:$0x1D800] =	vst v63  }
0x7b: {  	s12 =	simm.s32 $0x10800;
	s13 =	sshll.u32 s6, $0xB;
	s20 =	rddreg [dreg:$0x1]  }
0x7c: {  	[tilespmem:s12], [sflag:$0x4] =	stream.indirect_vreg.gather [hbm4b:s19+s8], $0x80, v3, vm0, $0xb8;
	[tilespmem:$0x1D800] =	vst v63  }
0x7d: {  	s0 =	sadd.s32 s20, s13;
	s21 =	simm.s32 $0x11000;
	s24 =	simm.s32 $0x1  }
0x7e: {  	[tilespmem:s21], [sflag:$0x7] =	stream.linear.gather [hbm4b:s0+s8], $0x4000, $0x38;
	[tilespmem:$0x1D800] =	vst v63  }
0x7f: {  	_ =	swait.ge [sflag:s24], $0x4000  }
0x80: {  	[sflag:s24] =	ssyncset.done $0x0  }
0x81: {  	s25 =	simm.s32 $0x3;
	[sflag:s24] =	ssyncadd.s32 $0xFFFFC000  }
0x82: {  	_ =	swait.ge [sflag:s25], $0x4000  }
0x83: {  	[sflag:s25] =	ssyncset.done $0x0  }
0x84: {  	s26 =	simm.s32 $0x7;
	[sflag:s25] =	ssyncadd.s32 $0xFFFFC000  }
0x85: {  	_ =	swait.ge [sflag:s26], $0x4000  }
0x86: {  	p0 =	seq.s32 s6, $0x0;
	[sflag:s26] =	ssyncset.done $0x0  }
0x87: {  	s0 =	simm.s32 @!p0 $0x5;
	[sflag:s26] =	ssyncadd.s32 $0xFFFFC000  }
0x88: {  	_ =	swait.ge @!p0 [sflag:s0], $0x4000  }
0x89: {  	s11 =	simm.s32 $0x0;
	[sflag:s0] =	ssyncset.done @!p0 $0x0  }
0x8a: {  	s1 =	sand.u32 $0x60, s11;
	s12 =	simm.s32 $0x0;
	[sflag:s0] =	ssyncadd.s32 @!p0 $0xFFFFC000  }
0x8b: {  	s4 =	sor.u32 $0x10, s1;
	s3 =	sand.u32 $0x1C00, s12;
	v41 =	vld [tilespmem:s23+$0x800]  }
0x8c: {  	s7 =	sor.u32 s4, s3;
	v2 =	vld [tilespmem:s23+$0xC00]  }
0x8d: {  	v3 =	vld [tilespmem:s7+$0x11000]  }
0x8e: {  	v4 =	vld [tilespmem:s7+$0x11080]  }
0x8f: {  	v5 =	vld [tilespmem:s7+$0x1000]  }
0x90: {  	v13 =	vld [tilespmem:s7+$0x9000]  }
0x91: {  	v14 =	vld [tilespmem:s7+$0x1080]  }
0x92: {  	v15 =	vld [tilespmem:s7+$0x9080]  }
0x93: {  	v16 =	vld [tilespmem:s7+$0x1100]  }
0x94: {  	v17 =	vld [tilespmem:s7+$0x9100]  }
0x95: {  	v18 =	vld [tilespmem:s7+$0x1180]  }
0x96: {  	v19 =	vld [tilespmem:s7+$0x9180]  }
0x97: {  	v20 =	vld [tilespmem:s7+$0x1200]  }
0x98: {  	v21 =	vld [tilespmem:s7+$0x9200]  }
0x99: {  	v22 =	vld [tilespmem:s7+$0x1280];
	v6 =	vbroadcast v41, $0x0;
	v7 =	vbroadcast v2, $0x0  }
0x9a: {  	v23 =	vld [tilespmem:s7+$0x9280];
	v8 =	vbroadcast v41, $0x1;
	v9 =	vbroadcast v2, $0x1  }
0x9b: {  	v24 =	vld [tilespmem:s7+$0x11100];
	v10 =	vbroadcast v41, $0x2;
	v11 =	vbroadcast v2, $0x2  }
0x9c: {  	v25 =	vld [tilespmem:s7+$0x11180];
	v12 =	vbroadcast v41, $0x3;
	v5 =	vadd.f32 v13, v5;
	v26 =	vadd.f32 v15, v14  }
0x9d: {  	s5 =	sand.u32 $0x380, s11;
	v13 =	vbroadcast v2, $0x3;
	v17 =	vadd.f32 v17, v16;
	v18 =	vadd.f32 v19, v18;
	v19 =	vld [tilespmem:s7+$0x11200]  }
0x9e: {  	s4 =	sor.u32 s5, s4;
	v14 =	vbroadcast v41, $0x4;
	v20 =	vadd.f32 v21, v20;
	v3 =	vadd.f32 v3, v5;
	v5 =	vld [tilespmem:s7+$0x11280]  }
0x9f: {  	v1 =	vld [tilespmem:s4+$0x1D000];
	v15 =	vbroadcast v2, $0x4;
	v21 =	vadd.f32 v23, v22;
	v4 =	vadd.f32 v4, v26  }
0xa0: {  	v16 =	vbroadcast v41, $0x5;
	v22 =	vadd.f32 v24, v17;
	v3 =	vsub.f32 v3, v6  }
0xa1: {  	v0 =	vld [tilespmem:s4+$0x1D400];
	v17 =	vbroadcast v2, $0x5;
	v18 =	vadd.f32 v25, v18;
	v4 =	vsub.f32 v4, v8  }
0xa2: {  	v22 =	vsub.f32 v22, v10;
	v19 =	vadd.f32 v19, v20;
	v3 =	vmul.f32 v3, v7  }
0xa3: {  	v18 =	vsub.f32 v18, v12;
	v4 =	vmul.f32 v4, v9;
	v5 =	vadd.f32 v5, v21  }
0xa4: {  	v20 =	vmul.f32 v22, v11;
	v19 =	vsub.f32 v19, v14;
	v3 =	vmul.f32 v3, v1  }
0xa5: {  	v18 =	vmul.f32 v18, v13;
	v4 =	vmul.f32 v4, v1;
	v5 =	vsub.f32 v5, v16  }
0xa6: {  	v20 =	vmul.f32 v20, v1;
	v19 =	vmul.f32 v19, v15;
	v3 =	vadd.f32 v3, v0  }
0xa7: {  	v18 =	vmul.f32 v18, v1;
	v4 =	vadd.f32 v4, v0;
	v5 =	vmul.f32 v5, v17  }
0xa8: {  	v19 =	vmul.f32 v19, v1;
	[tilespmem:s7+$0x15000] =	vst v3;
	v3 =	vadd.f32 v20, v0  }
0xa9: {  	s9 =	sand.u32 $0x3, s12;
	[tilespmem:s7+$0x15080] =	vst v4;
	v4 =	vadd.f32 v18, v0;
	v5 =	vmul.f32 v5, v1  }
0xaa: {  	s10 =	simm.s32 $0x1D000;
	s4 =	sshll.u32 s9, $0x5;
	v18 =	vadd.f32 v19, v0;
	[tilespmem:s7+$0x15100] =	vst v3  }
0xab: {  	s5 =	sor.u32 s1, s3;
	v3 =	vld [tilespmem:s10+$0x0];
	s10 =	sadd.s32 $0x0, s4;
	[tilespmem:s7+$0x15180] =	vst v4;
	v4 =	vadd.f32 v5, v0  }
0xac: {  	v27 =	vld [tilespmem:s5+$0x1280];
	[tilespmem:s7+$0x15200] =	vst v18;
	s0 =	sadd.s32 $0x10, s10  }
0xad: {  	v28 =	vld [tilespmem:s5+$0x9280];
	s13 =	sor.u32 $0x300, s0;
	[tilespmem:s7+$0x15280] =	vst v4  }
0xae: {  	v4 =	vld [tilespmem:s13+$0x1000]  }
0xaf: {  	v19 =	vld [tilespmem:s13+$0x9000]  }
0xb0: {  	v29 =	vld [tilespmem:s5+$0x11000]  }
0xb1: {  	v21 =	vld [tilespmem:s13+$0x11000]  }
0xb2: {  	v30 =	vld [tilespmem:s5+$0x11080]  }
0xb3: {  	v23 =	vld [tilespmem:s5+$0x1100]  }
0xb4: {  	v24 =	vld [tilespmem:s5+$0x9100];
	v4 =	vadd.f32 v19, v4  }
0xb5: {  	v22 =	vld [tilespmem:s5+$0x9080]  }
0xb6: {  	v31 =	vbroadcast v41, $0x6;
	v20 =	vld [tilespmem:s5+$0x1080];
	v4 =	vadd.f32 v21, v4  }
0xb7: {  	v5 =	vld [tilespmem:s5+$0x1000]  }
0xb8: {  	v32 =	vbroadcast v2, $0x6;
	v18 =	vld [tilespmem:s5+$0x9000];
	v4 =	vsub.f32 v4, v31  }
0xb9: {  	v25 =	vld [tilespmem:s5+$0x9180]  }
0xba: {  	v26 =	vld [tilespmem:s5+$0x9200];
	v4 =	vmul.f32 v4, v32  }
0xbb: {  	v20 =	vadd.f32 v22, v20;
	v19 =	vld [tilespmem:s5+$0x1180]  }
0xbc: {  	v21 =	vld [tilespmem:s5+$0x1200];
	v4 =	vmul.f32 v4, v1  }
0xbd: {  	v20 =	vadd.f32 v30, v20;
	v5 =	vadd.f32 v18, v5;
	v18 =	vld [tilespmem:s5+$0x11100]  }
0xbe: {  	v23 =	vadd.f32 v24, v23;
	v24 =	vld [tilespmem:s5+$0x11200];
	v4 =	vadd.f32 v4, v0  }
0xbf: {  	v22 =	vld [tilespmem:s5+$0x11180];
	v20 =	vsub.f32 v20, v8  }
0xc0: {  	s20 =	sor.u32 $0x380, s0;
	v5 =	vadd.f32 v29, v5;
	v19 =	vadd.f32 v25, v19;
	v25 =	vld [tilespmem:s5+$0x11280];
	[tilespmem:s13+$0x15000] =	vst v4  }
0xc1: {  	v21 =	vadd.f32 v26, v21;
	v26 =	vadd.f32 v28, v27;
	v27 =	vld [tilespmem:s20+$0x1000]  }
0xc2: {  	s21 =	simm.s32 $0x1D400;
	v18 =	vadd.f32 v18, v23;
	v23 =	vld [tilespmem:s20+$0x9000]  }
0xc3: {  	v36 =	vbroadcast v41, $0x7;
	v20 =	vmul.f32 v20, v9;
	v5 =	vsub.f32 v5, v6;
	v4 =	vld [tilespmem:s21+$0x0]  }
0xc4: {  	v35 =	vbroadcast v2, $0x7;
	v18 =	vsub.f32 v18, v10;
	v19 =	vadd.f32 v22, v19;
	v22 =	vld [tilespmem:s20+$0x11000]  }
0xc5: {  	v20 =	vmul.f32 v20, v3;
	v5 =	vmul.f32 v5, v7;
	v21 =	vadd.f32 v24, v21  }
0xc6: {  	v18 =	vmul.f32 v18, v11;
	v19 =	vsub.f32 v19, v12;
	v24 =	vadd.f32 v25, v26  }
0xc7: {  	v5 =	vmul.f32 v5, v3;
	v21 =	vsub.f32 v21, v14;
	v23 =	vadd.f32 v23, v27  }
0xc8: {  	v18 =	vmul.f32 v18, v3;
	v19 =	vmul.f32 v19, v13;
	v24 =	vsub.f32 v24, v16  }
0xc9: {  	v21 =	vmul.f32 v21, v15;
	v5 =	vadd.f32 v5, v4;
	v22 =	vadd.f32 v22, v23  }
0xca: {  	v19 =	vmul.f32 v19, v3;
	v20 =	vadd.f32 v20, v4;
	v23 =	vmul.f32 v24, v17  }
0xcb: {  	v21 =	vmul.f32 v21, v3;
	[tilespmem:s5+$0x15000] =	vst v5;
	v5 =	vadd.f32 v18, v4;
	v18 =	vsub.f32 v22, v36  }
0xcc: {  	v19 =	vadd.f32 v19, v4;
	[tilespmem:s5+$0x15080] =	vst v20;
	v22 =	vmul.f32 v23, v3  }
0xcd: {  	v20 =	vadd.f32 v21, v4;
	[tilespmem:s5+$0x15100] =	vst v5;
	v5 =	vmul.f32 v18, v35  }
0xce: {  	[tilespmem:s5+$0x15180] =	vst v19;
	v18 =	vadd.f32 v22, v4  }
0xcf: {  	[tilespmem:s5+$0x15200] =	vst v20;
	v5 =	vmul.f32 v5, v1  }
0xd0: {  	s9 =	sor.u32 $0x300, s10;
	[tilespmem:s5+$0x15280] =	vst v18  }
0xd1: {  	v18 =	vld [tilespmem:s9+$0x1000];
	v5 =	vadd.f32 v5, v0  }
0xd2: {  	v19 =	vld [tilespmem:s9+$0x9000]  }
0xd3: {  	v20 =	vld [tilespmem:s9+$0x11000];
	[tilespmem:s20+$0x15000] =	vst v5  }
0xd4: {  	v5 =	vld [tilespmem:s7+$0x13000]  }
0xd5: {  	v27 =	vld [tilespmem:s7+$0x13080]  }
0xd6: {  	v21 =	vld [tilespmem:s7+$0x3000]  }
0xd7: {  	v25 =	vld [tilespmem:s7+$0xB000]  }
0xd8: {  	v28 =	vld [tilespmem:s7+$0x3080]  }
0xd9: {  	v29 =	vld [tilespmem:s7+$0xB080]  }
0xda: {  	v30 =	vld [tilespmem:s7+$0x3100]  }
0xdb: {  	v33 =	vld [tilespmem:s7+$0xB100]  }
0xdc: {  	v34 =	vld [tilespmem:s7+$0x3180]  }
0xdd: {  	v37 =	vld [tilespmem:s7+$0xB180]  }
0xde: {  	v38 =	vld [tilespmem:s7+$0x3200];
	v18 =	vadd.f32 v19, v18  }
0xdf: {  	v39 =	vld [tilespmem:s7+$0xB200]  }
0xe0: {  	v40 =	vld [tilespmem:s7+$0x3280];
	v18 =	vadd.f32 v20, v18  }
0xe1: {  	v26 =	vbroadcast v41, $0x9;
	v23 =	vbroadcast v41, $0xA;
	v45 =	vld [tilespmem:s7+$0xB280]  }
0xe2: {  	v22 =	vbroadcast v41, $0x8;
	v47 =	vld [tilespmem:s7+$0x13100];
	v19 =	vbroadcast v2, $0x8;
	v18 =	vsub.f32 v18, v31  }
0xe3: {  	v48 =	vld [tilespmem:s7+$0x13180];
	v20 =	vbroadcast v2, $0x9;
	v25 =	vadd.f32 v25, v21;
	v29 =	vadd.f32 v29, v28  }
0xe4: {  	v21 =	vbroadcast v2, $0xB;
	v30 =	vadd.f32 v33, v30;
	v54 =	vadd.f32 v37, v34  }
0xe5: {  	v56 =	vadd.f32 v39, v38;
	v18 =	vmul.f32 v18, v32;
	v5 =	vadd.f32 v5, v25  }
0xe6: {  	v28 =	vbroadcast v41, $0xC;
	v40 =	vadd.f32 v45, v40;
	v58 =	vadd.f32 v27, v29  }
0xe7: {  	v55 =	vld [tilespmem:s7+$0x13200];
	v30 =	vadd.f32 v47, v30;
	v24 =	vmul.f32 v18, v3;
	v5 =	vsub.f32 v5, v22  }
0xe8: {  	s20 =	simm.s32 $0x20;
	v57 =	vld [tilespmem:s7+$0x13280];
	v25 =	vbroadcast v2, $0xC;
	v33 =	vadd.f32 v48, v54;
	v39 =	vsub.f32 v58, v26  }
0xe9: {  	s21 =	simm.s32 $0x100;
	s4 =	sand.u32 $0x60, s20;
	v46 =	vadd.f32 v24, v4;
	v24 =	vbroadcast v41, $0xB;
	v59 =	vmul.f32 v5, v19  }
0xea: {  	s25 =	sand.u32 $0x1C00, s21;
	[tilespmem:$0x1FF90] =	vst v41;
	s13 =	sor.u32 $0x10, s4;
	v18 =	vbroadcast v2, $0xA;
	v30 =	vsub.f32 v30, v23;
	v60 =	vmul.f32 v39, v20  }
0xeb: {  	s11 =	sor.u32 s11, s12;
	[tilespmem:$0x1FFA0] =	vst v2;
	s12 =	sor.u32 s13, s25;
	v29 =	vbroadcast v41, $0xD;
	v33 =	vsub.f32 v33, v24;
	v61 =	vmul.f32 v59, v1  }
0xec: {  	v62 =	vld [tilespmem:s12+$0x9000];
	v34 =	vadd.f32 v55, v56;
	v30 =	vmul.f32 v30, v18;
	v37 =	vmul.f32 v60, v1  }
0xed: {  	v45 =	vld [tilespmem:s12+$0x11000];
	v38 =	vadd.f32 v57, v40;
	v33 =	vmul.f32 v33, v21;
	v39 =	vadd.f32 v61, v0  }
0xee: {  	s24 =	simm.s32 $0x1D420;
	v47 =	vld [tilespmem:s12+$0x1000];
	v34 =	vsub.f32 v34, v28;
	[tilespmem:s9+$0x15000] =	vst v46;
	v30 =	vmul.f32 v30, v1;
	v37 =	vadd.f32 v37, v0  }
0xef: {  	v27 =	vbroadcast v2, $0xD;
	v38 =	vsub.f32 v38, v29;
	v5 =	vld [tilespmem:s24+$0x0];
	v33 =	vmul.f32 v33, v1;
	[tilespmem:s7+$0x17000] =	vst v39  }
0xf0: {  	s3 =	sor.u32 $0x380, s11;
	v34 =	vmul.f32 v34, v25;
	v46 =	vld [tilespmem:s12+$0x11080];
	v30 =	vadd.f32 v30, v0;
	[tilespmem:s7+$0x17080] =	vst v37  }
0xf1: {  	v38 =	vmul.f32 v38, v27;
	v40 =	vld [tilespmem:s3+$0x1000];
	[tilespmem:$0x1FFB0] =	vst v1;
	v33 =	vadd.f32 v33, v0  }
0xf2: {  	v34 =	vmul.f32 v34, v1;
	[tilespmem:s7+$0x17100] =	vst v30  }
0xf3: {  	v63 =	vmul.f32 v38, v1;
	v42 =	vld [tilespmem:s12+$0x1080];
	[tilespmem:s7+$0x17180] =	vst v33  }
0xf4: {  	v30 =	vadd.f32 v34, v0;
	v43 =	vld [tilespmem:s12+$0x9080];
	[tilespmem:$0x1FFC0] =	vst v0  }
0xf5: {  	v59 =	vadd.f32 v63, v0;
	v60 =	vld [tilespmem:s12+$0x1100]  }
0xf6: {  	[tilespmem:s7+$0x17200] =	vst v30;
	v30 =	vld [tilespmem:s12+$0x9100]  }
0xf7: {  	s26 =	sor.u32 $0x2300, s0;
	[tilespmem:s7+$0x17280] =	vst v59;
	v49 =	vld [tilespmem:s12+$0x1180]  }
0xf8: {  	v33 =	vld [tilespmem:s26+$0x1000]  }
0xf9: {  	v61 =	vld [tilespmem:s26+$0x9000]  }
0xfa: {  	v51 =	vld [tilespmem:s12+$0x9180]  }
0xfb: {  	v50 =	vld [tilespmem:s26+$0x11000]  }
0xfc: {  	v52 =	vld [tilespmem:s12+$0x1200]  }
0xfd: {  	v53 =	vld [tilespmem:s12+$0x9200]  }
0xfe: {  	v54 =	vld [tilespmem:s12+$0x1280];
	v34 =	vadd.f32 v61, v33  }
0xff: {  	v55 =	vld [tilespmem:s12+$0x9280]  }
0x100: {  	v39 =	vadd.f32 v62, v47;
	v56 =	vld [tilespmem:s12+$0x11100];
	v33 =	vbroadcast v41, $0xE;
	v50 =	vadd.f32 v50, v34  }
0x101: {  	v62 =	vld [tilespmem:s12+$0x11180]  }
0x102: {  	v39 =	vadd.f32 v45, v39;
	v57 =	vld [tilespmem:s3+$0x9000];
	v34 =	vbroadcast v2, $0xE;
	v50 =	vsub.f32 v50, v33  }
0x103: {  	s24 =	sand.u32 $0x380, s20;
	v59 =	vld [tilespmem:s12+$0x11280];
	v38 =	vadd.f32 v43, v42  }
0x104: {  	s13 =	sor.u32 s24, s13;
	v39 =	vsub.f32 v39, v6;
	v43 =	vld [tilespmem:s12+$0x11200];
	v30 =	vadd.f32 v30, v60;
	v50 =	vmul.f32 v50, v34  }
0x105: {  	v45 =	vld [tilespmem:s13+$0x1D000];
	v38 =	vadd.f32 v46, v38;
	v63 =	vadd.f32 v51, v49  }
0x106: {  	s24 =	sor.u32 s4, s25;
	v46 =	vld [tilespmem:s13+$0x1D400];
	v42 =	vadd.f32 v53, v52;
	v60 =	vadd.f32 v56, v30;
	v30 =	vmul.f32 v50, v1  }
0x107: {  	v58 =	vadd.f32 v55, v54;
	v38 =	vsub.f32 v38, v8;
	v54 =	vld [tilespmem:s24+$0x1000]  }
0x108: {  	v39 =	vmul.f32 v39, v7;
	v51 =	vld [tilespmem:s24+$0x9000];
	v37 =	vadd.f32 v62, v63;
	v61 =	vadd.f32 v30, v0  }
0x109: {  	v55 =	vld [tilespmem:s24+$0x9080];
	v48 =	vadd.f32 v43, v42;
	v38 =	vmul.f32 v38, v9;
	v53 =	vsub.f32 v60, v10  }
0x10a: {  	s7 =	sor.u32 $0x2380, s0;
	v39 =	vmul.f32 v39, v45;
	v62 =	vadd.f32 v59, v58;
	v56 =	vld [tilespmem:s24+$0x1100];
	v37 =	vsub.f32 v37, v12;
	[tilespmem:s26+$0x15000] =	vst v61  }
0x10b: {  	v48 =	vsub.f32 v48, v14;
	v38 =	vmul.f32 v38, v45;
	v63 =	vmul.f32 v53, v11;
	v0 =	vld [tilespmem:s7+$0x11000]  }
0x10c: {  	v39 =	vadd.f32 v39, v46;
	v49 =	vsub.f32 v62, v16;
	v53 =	vld [tilespmem:s24+$0x1080];
	v37 =	vmul.f32 v37, v13  }
0x10d: {  	s1 =	simm.s32 $0x1D020;
	v42 =	vmul.f32 v48, v15;
	v38 =	vadd.f32 v38, v46;
	v52 =	vmul.f32 v63, v45;
	v50 =	vld [tilespmem:s3+$0x11000]  }
0x10e: {  	[tilespmem:s12+$0x15000] =	vst v39;
	v49 =	vmul.f32 v49, v17;
	v37 =	vmul.f32 v37, v45;
	v30 =	vld [tilespmem:s1+$0x0]  }
0x10f: {  	s4 =	simm.s32 $0x1;
	v44 =	vmul.f32 v42, v45;
	[tilespmem:s12+$0x15080] =	vst v38;
	v43 =	vadd.f32 v52, v46;
	v47 =	vld [tilespmem:s7+$0x1000]  }
0x110: {  	s0 =	sand.u32 $0x3, s4;
	v60 =	vmul.f32 v49, v45;
	v37 =	vadd.f32 v37, v46;
	v48 =	vld [tilespmem:s7+$0x9000];
	[tilespmem:$0x1FF80] =	vst v0  }
0x111: {  	s0 =	sshll.u32 s0, $0x5;
	v61 =	vadd.f32 v44, v46;
	[tilespmem:s12+$0x15100] =	vst v43  }
0x112: {  	s13 =	sadd.s32 $0x100, s0;
	v62 =	vadd.f32 v60, v46;
	v52 =	vld [tilespmem:s24+$0x9100];
	[tilespmem:s12+$0x15180] =	vst v37  }
0x113: {  	s28 =	sadd.s32 $0x10, s13;
	v38 =	vld [tilespmem:s24+$0x1180];
	[tilespmem:s12+$0x15200] =	vst v61  }
0x114: {  	s9 =	sor.u32 $0x300, s28;
	v39 =	vld [tilespmem:s24+$0x9180];
	[tilespmem:s12+$0x15280] =	vst v62  }
0x115: {  	v63 =	vadd.f32 v57, v40;
	v44 =	vld [tilespmem:s9+$0x1000]  }
0x116: {  	v43 =	vld [tilespmem:s9+$0x9000]  }
0x117: {  	v37 =	vadd.f32 v50, v63;
	v50 =	vld [tilespmem:s24+$0x1200]  }
0x118: {  	v58 =	vld [tilespmem:s9+$0x11000]  }
0x119: {  	v59 =	vld [tilespmem:s24+$0x9200];
	v37 =	vsub.f32 v37, v36  }
0x11a: {  	v60 =	vld [tilespmem:s24+$0x1280]  }
0x11b: {  	v61 =	vld [tilespmem:s24+$0x9280];
	v37 =	vmul.f32 v37, v35;
	v40 =	vadd.f32 v43, v44  }
0x11c: {  	v62 =	vld [tilespmem:s24+$0x11080]  }
0x11d: {  	v44 =	vld [tilespmem:s24+$0x11000];
	v37 =	vmul.f32 v37, v3;
	v40 =	vadd.f32 v58, v40  }
0x11e: {  	v51 =	vadd.f32 v51, v54;
	v63 =	vld [tilespmem:s24+$0x11180]  }
0x11f: {  	v54 =	vld [tilespmem:s24+$0x11200];
	v37 =	vadd.f32 v37, v4;
	v40 =	vsub.f32 v40, v31  }
0x120: {  	v58 =	vld [tilespmem:s24+$0x11100]  }
0x121: {  	[tilespmem:s3+$0x15000] =	vst v37;
	v37 =	vadd.f32 v55, v53;
	v53 =	vld [tilespmem:s24+$0x11280];
	v40 =	vmul.f32 v40, v32  }
0x122: {  	v38 =	vadd.f32 v39, v38;
	v44 =	vadd.f32 v44, v51;
	v51 =	vld [tilespmem:s5+$0x3000]  }
0x123: {  	v52 =	vadd.f32 v52, v56;
	v50 =	vadd.f32 v59, v50;
	v56 =	vld [tilespmem:s5+$0xB000];
	v40 =	vmul.f32 v40, v45  }
0x124: {  	v38 =	vadd.f32 v63, v38;
	v57 =	vld [tilespmem:s5+$0x3080]  }
0x125: {  	v50 =	vadd.f32 v54, v50;
	v59 =	vld [tilespmem:s5+$0x3100];
	v40 =	vadd.f32 v40, v46  }
0x126: {  	v61 =	vadd.f32 v61, v60;
	v54 =	vld [tilespmem:s5+$0xB100];
	v37 =	vadd.f32 v62, v37  }
0x127: {  	s25 =	sor.u32 $0x380, s28;
	v38 =	vsub.f32 v38, v12;
	v50 =	vsub.f32 v50, v14;
	v60 =	vld [tilespmem:s5+$0x3180];
	[tilespmem:s9+$0x15000] =	vst v40  }
0x128: {  	v37 =	vsub.f32 v37, v8;
	v63 =	vadd.f32 v53, v61;
	v53 =	vld [tilespmem:s25+$0x1000]  }
0x129: {  	v50 =	vmul.f32 v50, v15;
	v55 =	vld [tilespmem:s25+$0x9000]  }
0x12a: {  	v38 =	vmul.f32 v38, v13;
	v41 =	vld [tilespmem:s5+$0x3280];
	v52 =	vadd.f32 v58, v52;
	v37 =	vmul.f32 v37, v9  }
0x12b: {  	v39 =	vsub.f32 v44, v6;
	v50 =	vmul.f32 v50, v30;
	v61 =	vld [tilespmem:s25+$0x11000]  }
0x12c: {  	v1 =	vld [tilespmem:s5+$0x13100];
	v38 =	vmul.f32 v38, v30;
	v52 =	vsub.f32 v52, v10;
	v37 =	vmul.f32 v37, v30  }
0x12d: {  	v2 =	vld [tilespmem:s5+$0x13180];
	v39 =	vmul.f32 v39, v7;
	v50 =	vadd.f32 v50, v5;
	v40 =	vsub.f32 v63, v16  }
0x12e: {  	v62 =	vld [tilespmem:s5+$0xB180];
	v52 =	vmul.f32 v52, v11;
	v37 =	vadd.f32 v37, v5;
	v55 =	vadd.f32 v55, v53  }
0x12f: {  	v58 =	vld [tilespmem:s5+$0xB080];
	v38 =	vadd.f32 v38, v5;
	v39 =	vmul.f32 v39, v30;
	[tilespmem:s24+$0x15200] =	vst v50;
	v40 =	vmul.f32 v40, v17  }
0x130: {  	v50 =	vld [tilespmem:s5+$0x13000];
	v52 =	vmul.f32 v52, v30;
	[tilespmem:s24+$0x15080] =	vst v37;
	v37 =	vadd.f32 v61, v55  }
0x131: {  	[tilespmem:s24+$0x15180] =	vst v38;
	v38 =	vld [tilespmem:s5+$0x13200];
	v39 =	vadd.f32 v39, v5;
	v40 =	vmul.f32 v40, v30  }
0x132: {  	v63 =	vld [tilespmem:s5+$0x3200];
	v44 =	vadd.f32 v52, v5;
	v37 =	vsub.f32 v37, v36  }
0x133: {  	[tilespmem:s24+$0x15000] =	vst v39;
	v52 =	vld [tilespmem:s5+$0xB200];
	v40 =	vadd.f32 v40, v5  }
0x134: {  	v39 =	vld [tilespmem:s5+$0xB280];
	[tilespmem:s24+$0x15100] =	vst v44;
	v37 =	vmul.f32 v37, v35  }
0x135: {  	s26 =	sor.u32 $0x300, s13;
	v44 =	vadd.f32 v58, v57;
	v57 =	vld [tilespmem:s5+$0x13280];
	[tilespmem:s24+$0x15280] =	vst v40  }
0x136: {  	v53 =	vld [tilespmem:s26+$0x1000];
	v37 =	vmul.f32 v37, v45  }
0x137: {  	v55 =	vld [tilespmem:s26+$0x9000]  }
0x138: {  	v40 =	vld [tilespmem:s5+$0x13080];
	v0 =	vadd.f32 v37, v46  }
0x139: {  	s1 =	simm.s32 $0x1D440;
	v51 =	vadd.f32 v56, v51;
	v61 =	vld [tilespmem:s26+$0x11000]  }
0x13a: {  	v54 =	vadd.f32 v54, v59;
	v37 =	vld [tilespmem:s1+$0x0];
	[tilespmem:s25+$0x15000] =	vst v0  }
0x13b: {  	v60 =	vadd.f32 v62, v60;
	v50 =	vadd.f32 v50, v51;
	v51 =	vld [tilespmem:s12+$0x13000]  }
0x13c: {  	v1 =	vadd.f32 v1, v54;
	v62 =	vadd.f32 v55, v53;
	v53 =	vld [tilespmem:s12+$0x13080]  }
0x13d: {  	v0 =	vadd.f32 v52, v63;
	v63 =	vsub.f32 v50, v22;
	v50 =	vld [tilespmem:s12+$0x3000]  }
0x13e: {  	v2 =	vadd.f32 v2, v60;
	v40 =	vadd.f32 v40, v44;
	v44 =	vld [tilespmem:s12+$0xB000]  }
0x13f: {  	v1 =	vsub.f32 v1, v23;
	v54 =	vld [tilespmem:s12+$0x3080]  }
0x140: {  	v2 =	vsub.f32 v2, v24;
	v39 =	vadd.f32 v39, v41;
	v49 =	vld [tilespmem:s12+$0xB080]  }
0x141: {  	v1 =	vmul.f32 v1, v18;
	v56 =	vld [tilespmem:s12+$0x3100]  }
0x142: {  	v2 =	vmul.f32 v2, v21;
	v39 =	vadd.f32 v57, v39;
	v57 =	vld [tilespmem:s12+$0xB100]  }
0x143: {  	v1 =	vmul.f32 v1, v3;
	v52 =	vadd.f32 v61, v62;
	v58 =	vld [tilespmem:s12+$0x3180]  }
0x144: {  	v2 =	vmul.f32 v2, v3;
	v39 =	vsub.f32 v39, v29;
	v59 =	vld [tilespmem:s12+$0xB180]  }
0x145: {  	v1 =	vadd.f32 v1, v4;
	v60 =	vld [tilespmem:s12+$0x3200];
	v41 =	vmul.f32 v63, v19;
	v52 =	vsub.f32 v52, v31  }
0x146: {  	v39 =	vmul.f32 v39, v27;
	v40 =	vsub.f32 v40, v26;
	v61 =	vld [tilespmem:s12+$0xB200];
	v0 =	vadd.f32 v38, v0  }
0x147: {  	v2 =	vadd.f32 v2, v4;
	v62 =	vld [tilespmem:s12+$0x3280];
	v41 =	vmul.f32 v41, v3;
	v52 =	vmul.f32 v52, v32  }
0x148: {  	v39 =	vmul.f32 v39, v3;
	v40 =	vmul.f32 v40, v20;
	v63 =	vld [tilespmem:s12+$0xB280];
	v0 =	vsub.f32 v0, v28  }
0x149: {  	v52 =	vmul.f32 v52, v30;
	v41 =	vadd.f32 v41, v4;
	v44 =	vadd.f32 v44, v50;
	v50 =	vld [tilespmem:s12+$0x13180]  }
0x14a: {  	[tilespmem:s5+$0x17100] =	vst v1;
	v0 =	vmul.f32 v0, v25;
	v38 =	vadd.f32 v49, v54;
	v54 =	vadd.f32 v57, v56;
	v57 =	vld [tilespmem:s12+$0x13200]  }
0x14b: {  	v40 =	vmul.f32 v40, v3;
	v52 =	vadd.f32 v52, v5;
	[tilespmem:s5+$0x17000] =	vst v41;
	v41 =	vld [tilespmem:s12+$0x13100]  }
0x14c: {  	s20 =	sor.u32 s20, s21;
	s21 =	sor.u32 $0x2300, s10;
	s10 =	simm.s32 $0x1D040;
	[tilespmem:s5+$0x17180] =	vst v2;
	v39 =	vadd.f32 v39, v4;
	v0 =	vmul.f32 v0, v3;
	v1 =	vadd.f32 v51, v44;
	v44 =	vld [tilespmem:s12+$0x13280]  }
0x14d: {  	s0 =	sor.u32 $0x380, s20;
	v40 =	vadd.f32 v40, v4;
	v2 =	vadd.f32 v53, v38;
	v38 =	vld [tilespmem:s10+$0x0];
	[tilespmem:s26+$0x15000] =	vst v52  }
0x14e: {  	[tilespmem:s5+$0x17280] =	vst v39;
	v0 =	vadd.f32 v0, v4;
	v52 =	vld [tilespmem:s0+$0x1000]  }
0x14f: {  	[tilespmem:s5+$0x17080] =	vst v40;
	v55 =	vld [tilespmem:s0+$0x9000]  }
0x150: {  	s29 =	simm.s32 $0x40;
	v56 =	vadd.f32 v59, v58;
	v53 =	vld [tilespmem:s0+$0x11000];
	[tilespmem:s5+$0x17200] =	vst v0  }
0x151: {  	s30 =	simm.s32 $0x200;
	s4 =	sand.u32 $0x60, s29;
	v49 =	vadd.f32 v61, v60;
	v60 =	vadd.f32 v63, v62;
	v51 =	vld [tilespmem:s21+$0x1000]  }
0x152: {  	s9 =	sor.u32 $0x10, s4;
	v0 =	vsub.f32 v1, v22;
	s5 =	sand.u32 $0x1C00, s30;
	v1 =	vadd.f32 v41, v54;
	v54 =	vld [tilespmem:s21+$0x9000]  }
0x153: {  	v2 =	vsub.f32 v2, v26;
	v61 =	vadd.f32 v50, v56;
	v50 =	vld [tilespmem:s21+$0x11000];
	s25 =	sor.u32 s9, s5  }
0x154: {  	v40 =	vadd.f32 v57, v49;
	v56 =	vld [tilespmem:s25+$0x11000]  }
0x155: {  	v2 =	vmul.f32 v2, v20;
	v39 =	vsub.f32 v61, v24;
	v62 =	vadd.f32 v44, v60;
	v57 =	vld [tilespmem:s25+$0x11080]  }
0x156: {  	v0 =	vmul.f32 v0, v19;
	v58 =	vld [tilespmem:s25+$0x1000];
	v1 =	vsub.f32 v1, v23  }
0x157: {  	v2 =	vmul.f32 v2, v45;
	v42 =	vld [tilespmem:s25+$0x9000];
	v39 =	vmul.f32 v39, v21;
	v41 =	vsub.f32 v62, v29  }
0x158: {  	v40 =	vsub.f32 v40, v28;
	v43 =	vld [tilespmem:s25+$0x1080];
	v0 =	vmul.f32 v0, v45;
	v1 =	vmul.f32 v1, v18  }
0x159: {  	v60 =	vld [tilespmem:s25+$0x1180];
	v2 =	vadd.f32 v2, v46;
	v39 =	vmul.f32 v39, v45;
	v41 =	vmul.f32 v41, v27  }
0x15a: {  	v59 =	vld [tilespmem:s25+$0x9200];
	v40 =	vmul.f32 v40, v25;
	v0 =	vadd.f32 v0, v46;
	v1 =	vmul.f32 v1, v45  }
0x15b: {  	s26 =	sor.u32 s4, s5;
	v61 =	vld [tilespmem:s25+$0x9280];
	[tilespmem:s12+$0x17080] =	vst v2;
	v2 =	vadd.f32 v39, v46;
	v63 =	vmul.f32 v41, v45  }
0x15c: {  	v47 =	vadd.f32 v48, v47;
	v48 =	vld [tilespmem:s26+$0x9280];
	[tilespmem:s12+$0x17000] =	vst v0;
	v0 =	vadd.f32 v1, v46;
	v1 =	vmul.f32 v40, v45  }
0x15d: {  	v62 =	vld [tilespmem:s25+$0x9180];
	[tilespmem:s12+$0x17180] =	vst v2;
	v2 =	vadd.f32 v63, v46  }
0x15e: {  	v51 =	vadd.f32 v54, v51;
	v54 =	vld [tilespmem:s26+$0x11080];
	[tilespmem:s12+$0x17100] =	vst v0;
	v0 =	vadd.f32 v1, v46  }
0x15f: {  	v41 =	vld [tilespmem:s25+$0x9080];
	[tilespmem:s12+$0x17280] =	vst v2  }
0x160: {  	s1 =	sor.u32 $0x2300, s28;
	v39 =	vld [tilespmem:s25+$0x9100];
	[tilespmem:s12+$0x17200] =	vst v0  }
0x161: {  	v2 =	vld [tilespmem:s1+$0x1000]  }
0x162: {  	v44 =	vld [tilespmem:s1+$0x9000]  }
0x163: {  	v42 =	vadd.f32 v42, v58;
	v58 =	vld [tilespmem:s25+$0x11180]  }
0x164: {  	v49 =	vld [tilespmem:s1+$0x11000]  }
0x165: {  	v60 =	vadd.f32 v62, v60;
	v62 =	vld [tilespmem:s25+$0x11200]  }
0x166: {  	v40 =	vld [tilespmem:s25+$0x1100]  }
0x167: {  	v63 =	vld [tilespmem:s25+$0x1200];
	v2 =	vadd.f32 v44, v2  }
0x168: {  	v1 =	vld [tilespmem:s25+$0x11100];
	v41 =	vadd.f32 v41, v43  }
0x169: {  	s4 =	sand.u32 $0x380, s29;
	v0 =	vld [tilespmem:s25+$0x1280];
	v2 =	vadd.f32 v49, v2  }
0x16a: {  	s3 =	sor.u32 s4, s9;
	v42 =	vadd.f32 v56, v42;
	v56 =	vld [tilespmem:s25+$0x11280];
	v41 =	vadd.f32 v57, v41  }
0x16b: {  	v40 =	vadd.f32 v39, v40;
	v39 =	vld [tilespmem:s3+$0x1D000];
	v2 =	vsub.f32 v2, v33  }
0x16c: {  	v58 =	vadd.f32 v58, v60;
	v60 =	vld [tilespmem:s26+$0x1080];
	v41 =	vsub.f32 v41, v8  }
0x16d: {  	v59 =	vadd.f32 v59, v63;
	v1 =	vadd.f32 v1, v40;
	v40 =	vld [tilespmem:s3+$0x1D400];
	v2 =	vmul.f32 v2, v34  }
0x16e: {  	v43 =	vld [tilespmem:s26+$0x9180];
	v58 =	vsub.f32 v58, v12;
	v0 =	vadd.f32 v61, v0;
	v41 =	vmul.f32 v41, v9  }
0x16f: {  	v42 =	vsub.f32 v42, v6;
	v57 =	vld [tilespmem:s26+$0x9000];
	v59 =	vadd.f32 v62, v59;
	v2 =	vmul.f32 v2, v45  }
0x170: {  	v58 =	vmul.f32 v58, v13;
	v62 =	vld [tilespmem:s26+$0x1100];
	v0 =	vadd.f32 v56, v0;
	v41 =	vmul.f32 v41, v39  }
0x171: {  	v42 =	vmul.f32 v42, v7;
	v1 =	vsub.f32 v1, v10;
	v44 =	vld [tilespmem:s26+$0x9100];
	v2 =	vadd.f32 v2, v46  }
0x172: {  	v58 =	vmul.f32 v58, v39;
	v56 =	vld [tilespmem:s26+$0x9080];
	v0 =	vsub.f32 v0, v16;
	v41 =	vadd.f32 v41, v40  }
0x173: {  	v1 =	vmul.f32 v1, v11;
	v49 =	vld [tilespmem:s26+$0x1000];
	[tilespmem:s1+$0x15000] =	vst v2;
	v2 =	vmul.f32 v42, v39;
	v42 =	vsub.f32 v59, v14  }
0x174: {  	v52 =	vadd.f32 v55, v52;
	s3 =	sor.u32 $0x2380, s28;
	v0 =	vmul.f32 v0, v17;
	[tilespmem:s25+$0x15080] =	vst v41;
	v41 =	vadd.f32 v58, v40;
	v58 =	vld [tilespmem:s26+$0x1180]  }
0x175: {  	v1 =	vmul.f32 v1, v39;
	v59 =	vld [tilespmem:s3+$0x1000];
	v2 =	vadd.f32 v2, v40;
	v42 =	vmul.f32 v42, v15  }
0x176: {  	s5 =	simm.s32 $0x2;
	v52 =	vadd.f32 v53, v52;
	v0 =	vmul.f32 v0, v39;
	[tilespmem:s25+$0x15180] =	vst v41;
	v61 =	vld [tilespmem:s3+$0x9000]  }
0x177: {  	s9 =	sand.u32 $0x3, s5;
	v1 =	vadd.f32 v1, v40;
	v41 =	vld [tilespmem:s26+$0x9200];
	[tilespmem:s25+$0x15000] =	vst v2;
	v2 =	vmul.f32 v42, v39  }
0x178: {  	s4 =	sshll.u32 s9, $0x5;
	v52 =	vsub.f32 v52, v36;
	v0 =	vadd.f32 v0, v40;
	v63 =	vld [tilespmem:s3+$0x11000]  }
0x179: {  	s9 =	sadd.s32 $0x200, s4;
	[tilespmem:s25+$0x15100] =	vst v1;
	v42 =	vld [tilespmem:s26+$0x1200];
	v1 =	vadd.f32 v2, v40  }
0x17a: {  	v52 =	vmul.f32 v52, v35;
	s28 =	sadd.s32 $0x10, s9;
	[tilespmem:s25+$0x15280] =	vst v0;
	v2 =	vld [tilespmem:s26+$0x1280]  }
0x17b: {  	s12 =	sor.u32 $0x300, s28;
	v61 =	vadd.f32 v61, v59;
	v59 =	vld [tilespmem:s26+$0x11180];
	[tilespmem:s25+$0x15200] =	vst v1  }
0x17c: {  	v52 =	vmul.f32 v52, v30;
	v53 =	vld [tilespmem:s12+$0x1000]  }
0x17d: {  	v55 =	vld [tilespmem:s12+$0x9000]  }
0x17e: {  	v52 =	vadd.f32 v52, v5;
	v0 =	vld [tilespmem:s12+$0x11000]  }
0x17f: {  	v1 =	vld [tilespmem:$0x1FF80]  }
0x180: {  	[tilespmem:s0+$0x15000] =	vst v52;
	v52 =	vld [tilespmem:s26+$0x11280]  }
0x181: {  	v56 =	vadd.f32 v56, v60;
	v60 =	vld [tilespmem:s24+$0x3000]  }
0x182: {  	v49 =	vadd.f32 v57, v49;
	v57 =	vadd.f32 v63, v61;
	v63 =	vld [tilespmem:$0x1FF90]  }
0x183: {  	v43 =	vadd.f32 v43, v58;
	v61 =	vadd.f32 v54, v56;
	v54 =	vld [tilespmem:s24+$0x3080]  }
0x184: {  	v47 =	vadd.f32 v1, v47;
	v1 =	vld [tilespmem:s26+$0x11000];
	v53 =	vadd.f32 v55, v53  }
0x185: {  	v50 =	vadd.f32 v50, v51;
	v43 =	vadd.f32 v59, v43;
	v55 =	vld [tilespmem:s26+$0x11100]  }
0x186: {  	v44 =	vadd.f32 v44, v62;
	v62 =	vld [tilespmem:$0x1FFA0];
	v0 =	vadd.f32 v0, v53  }
0x187: {  	v56 =	vld [tilespmem:s24+$0x3100];
	v2 =	vadd.f32 v48, v2;
	v43 =	vsub.f32 v43, v12  }
0x188: {  	v58 =	vadd.f32 v41, v42;
	v53 =	vld [tilespmem:s26+$0x11200];
	v0 =	vsub.f32 v0, v31  }
0x189: {  	v51 =	vld [tilespmem:s24+$0x13000];
	v2 =	vadd.f32 v52, v2;
	v43 =	vmul.f32 v43, v13;
	v1 =	vadd.f32 v1, v49  }
0x18a: {  	v48 =	vld [tilespmem:s24+$0xB000];
	v44 =	vadd.f32 v55, v44;
	v49 =	vsub.f32 v61, v8;
	v0 =	vmul.f32 v0, v32  }
0x18b: {  	v59 =	vld [tilespmem:s24+$0xB180];
	v2 =	vsub.f32 v2, v16;
	v43 =	vmul.f32 v43, v38;
	v1 =	vsub.f32 v1, v6  }
0x18c: {  	v52 =	vld [tilespmem:s24+$0x3180];
	v44 =	vsub.f32 v44, v10;
	v49 =	vmul.f32 v49, v9;
	v0 =	vmul.f32 v0, v39  }
0x18d: {  	v55 =	vld [tilespmem:s24+$0xB080];
	v43 =	vadd.f32 v43, v37;
	v53 =	vadd.f32 v53, v58;
	v1 =	vmul.f32 v1, v7  }
0x18e: {  	v58 =	vld [tilespmem:s24+$0xB100];
	v44 =	vmul.f32 v44, v11;
	v49 =	vmul.f32 v49, v38;
	v0 =	vadd.f32 v0, v40  }
0x18f: {  	[tilespmem:s26+$0x15180] =	vst v43;
	v43 =	vld [tilespmem:s24+$0xB280];
	v53 =	vsub.f32 v53, v14;
	v1 =	vmul.f32 v1, v38  }
0x190: {  	s4 =	sor.u32 $0x380, s28;
	v2 =	vmul.f32 v2, v17;
	v44 =	vmul.f32 v44, v38;
	v49 =	vadd.f32 v49, v37;
	[tilespmem:s12+$0x15000] =	vst v0;
	v0 =	vld [tilespmem:s24+$0x3200]  }
0x191: {  	v41 =	vbroadcast v63, $0xF;
	v53 =	vmul.f32 v53, v15;
	v1 =	vadd.f32 v1, v37;
	v61 =	vld [tilespmem:s4+$0x1000]  }
0x192: {  	v42 =	vbroadcast v62, $0xF;
	v2 =	vmul.f32 v2, v38;
	v62 =	vld [tilespmem:s4+$0x9000];
	v44 =	vadd.f32 v44, v37;
	[tilespmem:s26+$0x15080] =	vst v49  }
0x193: {  	v63 =	vsub.f32 v57, v41;
	v57 =	vld [tilespmem:s4+$0x11000];
	[tilespmem:s26+$0x15000] =	vst v1;
	v1 =	vsub.f32 v47, v41;
	v47 =	vmul.f32 v53, v38  }
0x194: {  	v2 =	vadd.f32 v2, v37;
	v53 =	vld [tilespmem:s24+$0xB200];
	[tilespmem:s26+$0x15100] =	vst v44  }
0x195: {  	v49 =	vmul.f32 v63, v42;
	v63 =	vld [tilespmem:$0x1FFB0];
	v47 =	vadd.f32 v47, v37  }
0x196: {  	v44 =	vld [tilespmem:s24+$0x3280];
	[tilespmem:s26+$0x15280] =	vst v2  }
0x197: {  	s0 =	sor.u32 $0x300, s9;
	v2 =	vld [tilespmem:s24+$0x13080];
	v62 =	vadd.f32 v62, v61;
	[tilespmem:s26+$0x15200] =	vst v47;
	v47 =	vsub.f32 v50, v33  }
0x198: {  	v45 =	vmul.f32 v49, v45;
	v1 =	vmul.f32 v1, v42;
	v50 =	vld [tilespmem:s0+$0x1000]  }
0x199: {  	v61 =	vadd.f32 v57, v62;
	v62 =	vadd.f32 v48, v60;
	v48 =	vld [tilespmem:s0+$0x9000];
	v47 =	vmul.f32 v47, v34  }
0x19a: {  	v54 =	vadd.f32 v55, v54;
	v45 =	vadd.f32 v45, v46;
	v1 =	vmul.f32 v1, v63;
	v63 =	vld [tilespmem:$0x1FFC0]  }
0x19b: {  	v55 =	vld [tilespmem:s0+$0x11000];
	v57 =	vadd.f32 v58, v56;
	v49 =	vsub.f32 v61, v36;
	v47 =	vmul.f32 v47, v3  }
0x19c: {  	v58 =	vld [tilespmem:s24+$0x13100];
	v2 =	vadd.f32 v2, v54;
	v46 =	vadd.f32 v51, v62  }
0x19d: {  	v59 =	vadd.f32 v59, v52;
	v60 =	vld [tilespmem:s24+$0x13180];
	v51 =	vmul.f32 v49, v35;
	v47 =	vadd.f32 v47, v4  }
0x19e: {  	v2 =	vsub.f32 v2, v26;
	v46 =	vsub.f32 v46, v22;
	v49 =	vld [tilespmem:s24+$0x13200]  }
0x19f: {  	s11 =	sor.u32 $0x2380, s11;
	v1 =	vadd.f32 v1, v63;
	v63 =	vadd.f32 v48, v50;
	v51 =	vmul.f32 v51, v39;
	v50 =	vld [tilespmem:s24+$0x13280];
	[tilespmem:s21+$0x15000] =	vst v47  }
0x1a0: {  	s2 =	smov.u32 s31;
	s1 =	sor.u32 s29, s30;
	v48 =	vadd.f32 v43, v44;
	v47 =	vadd.f32 v53, v0;
	v0 =	vmul.f32 v46, v19;
	v43 =	vld [tilespmem:s11+$0x1000]  }
0x1a1: {  	s31 =	sor.u32 $0x2300, s13;
	s13 =	sor.u32 $0x2380, s1;
	s12 =	sor.u32 $0x2380, s20;
	[tilespmem:s3+$0x15000] =	vst v45;
	v52 =	vmul.f32 v2, v20;
	v56 =	vadd.f32 v55, v63;
	v55 =	vadd.f32 v51, v40;
	v44 =	vld [tilespmem:s11+$0x9000]  }
0x1a2: {  	s20 =	sor.u32 $0x380, s1;
	v54 =	vadd.f32 v58, v57;
	s21 =	simm.s32 $0x1D460;
	v53 =	vadd.f32 v60, v59;
	[tilespmem:s7+$0x15000] =	vst v1;
	s7 =	sor.u32 $0x2300, s9;
	v45 =	vld [tilespmem:s11+$0x11000];
	v51 =	vmul.f32 v0, v30  }
.LBB2_3:
0x1a3: {  	v46 =	vld [tilespmem:s21+$0x0];
	v0 =	vsub.f32 v56, v31;
	[tilespmem:s4+$0x15000] =	vst v55;
	v1 =	vmul.f32 v52, v30;
	v2 =	vadd.f32 v49, v47  }
0x1a4: {  	v47 =	vld [tilespmem:s25+$0x13000];
	v49 =	vsub.f32 v54, v23;
	v48 =	vadd.f32 v50, v48  }
0x1a5: {  	v52 =	vsub.f32 v53, v24;
	v0 =	vmul.f32 v0, v32;
	v50 =	vld [tilespmem:s25+$0x13080];
	v2 =	vsub.f32 v2, v28  }
0x1a6: {  	v51 =	vadd.f32 v51, v5;
	v53 =	vld [tilespmem:s25+$0x3000];
	v49 =	vmul.f32 v49, v18;
	v48 =	vsub.f32 v48, v29  }
0x1a7: {  	v1 =	vadd.f32 v1, v5;
	v52 =	vmul.f32 v52, v21;
	v0 =	vmul.f32 v0, v38;
	v54 =	vld [tilespmem:s25+$0xB000]  }
0x1a8: {  	v43 =	vadd.f32 v44, v43;
	v2 =	vmul.f32 v2, v25;
	v55 =	vld [tilespmem:s25+$0x3080];
	[tilespmem:s24+$0x17000] =	vst v51;
	v48 =	vmul.f32 v48, v27  }
0x1a9: {  	v0 =	vadd.f32 v0, v37;
	v44 =	vld [tilespmem:s25+$0xB080];
	[tilespmem:s24+$0x17080] =	vst v1;
	v1 =	vmul.f32 v49, v30;
	v49 =	vmul.f32 v52, v30  }
0x1aa: {  	v43 =	vadd.f32 v45, v43;
	v2 =	vmul.f32 v2, v30;
	v51 =	vld [tilespmem:s25+$0x3100];
	v48 =	vmul.f32 v48, v30  }
0x1ab: {  	[tilespmem:s0+$0x15000] =	vst v0;
	v0 =	vld [tilespmem:s25+$0xB100];
	v1 =	vadd.f32 v1, v5;
	v45 =	vadd.f32 v49, v5  }
0x1ac: {  	v2 =	vadd.f32 v2, v5;
	v49 =	vld [tilespmem:s25+$0x3180];
	v48 =	vadd.f32 v48, v5  }
0x1ad: {  	v52 =	vld [tilespmem:s25+$0xB180];
	[tilespmem:s24+$0x17100] =	vst v1;
	v1 =	vsub.f32 v43, v41  }
0x1ae: {  	v43 =	vld [tilespmem:s25+$0x3200];
	[tilespmem:s24+$0x17180] =	vst v45  }
0x1af: {  	v45 =	vld [tilespmem:s25+$0xB200];
	[tilespmem:s24+$0x17200] =	vst v2;
	v1 =	vmul.f32 v1, v42  }
0x1b0: {  	v2 =	vld [tilespmem:s25+$0x3280];
	[tilespmem:s24+$0x17280] =	vst v48;
	s24 =	smov.u32 s26  }
0x1b1: {  	v48 =	vld [tilespmem:s25+$0xB280];
	v1 =	vmul.f32 v1, v3;
	v3 =	vmov v30;
	v30 =	vmov v38  }
0x1b2: {  	v38 =	vld [tilespmem:s25+$0x13100]  }
0x1b3: {  	v53 =	vadd.f32 v54, v53;
	v44 =	vadd.f32 v44, v55;
	v54 =	vld [tilespmem:s25+$0x13180]  }
0x1b4: {  	v0 =	vadd.f32 v0, v51;
	v49 =	vadd.f32 v52, v49;
	v51 =	vld [tilespmem:s25+$0x13200]  }
0x1b5: {  	v47 =	vadd.f32 v47, v53;
	v43 =	vadd.f32 v45, v43;
	v45 =	vld [tilespmem:s25+$0x13280]  }
0x1b6: {  	v44 =	vadd.f32 v50, v44;
	v52 =	vld [tilespmem:s20+$0x1000];
	v2 =	vadd.f32 v48, v2  }
0x1b7: {  	v47 =	vsub.f32 v47, v22;
	v48 =	vld [tilespmem:s20+$0x9000];
	v0 =	vadd.f32 v38, v0  }
0x1b8: {  	v38 =	vsub.f32 v44, v26;
	v50 =	vld [tilespmem:s20+$0x11000];
	v44 =	vadd.f32 v54, v49  }
0x1b9: {  	s29 =	sadd.s32 $0x20, s29;
	s10 =	sadd.s32 $0x20, s10;
	v47 =	vmul.f32 v47, v19;
	v0 =	vsub.f32 v0, v23;
	v43 =	vadd.f32 v51, v43;
	v49 =	vld [tilespmem:s31+$0x1000]  }
0x1ba: {  	s30 =	sadd.s32 $0x100, s30;
	s3 =	sand.u32 $0x60, s29;
	p1 =	slt.u32 s29, $0x3E0;
	v51 =	vmul.f32 v38, v20;
	v44 =	vsub.f32 v44, v24;
	v2 =	vadd.f32 v45, v2;
	v45 =	vld [tilespmem:s31+$0x9000]  }
0x1bb: {  	s9 =	sand.u32 $0x1C00, s30;
	s1 =	sor.u32 s29, s30;
	s0 =	sor.u32 $0x10, s3;
	v47 =	vmul.f32 v47, v39;
	v0 =	vmul.f32 v0, v18;
	v43 =	vsub.f32 v43, v28;
	v53 =	vld [tilespmem:s31+$0x11000]  }
0x1bc: {  	s4 =	sor.u32 $0x380, s1;
	s26 =	sor.u32 s3, s9;
	s9 =	sor.u32 s0, s9;
	v51 =	vmul.f32 v51, v39;
	v38 =	vld [tilespmem:s10+$0x0];
	v44 =	vmul.f32 v44, v21;
	v2 =	vsub.f32 v2, v29  }
0x1bd: {  	s1 =	sor.u32 $0x2380, s1;
	v47 =	vadd.f32 v47, v40;
	v54 =	vld [tilespmem:s9+$0x11000];
	v0 =	vmul.f32 v0, v39;
	v43 =	vmul.f32 v43, v25  }
0x1be: {  	v51 =	vadd.f32 v51, v40;
	v55 =	vld [tilespmem:s9+$0x11080];
	v44 =	vmul.f32 v44, v39;
	v2 =	vmul.f32 v2, v27  }
0x1bf: {  	v48 =	vadd.f32 v48, v52;
	v56 =	vld [tilespmem:s9+$0x1000];
	[tilespmem:s25+$0x17000] =	vst v47;
	v0 =	vadd.f32 v0, v40;
	v43 =	vmul.f32 v43, v39  }
0x1c0: {  	v45 =	vadd.f32 v45, v49;
	v47 =	vld [tilespmem:s9+$0x9000];
	[tilespmem:s25+$0x17080] =	vst v51;
	v44 =	vadd.f32 v44, v40;
	v2 =	vmul.f32 v2, v39  }
0x1c1: {  	v48 =	vadd.f32 v50, v48;
	v49 =	vld [tilespmem:s9+$0x1080];
	[tilespmem:s25+$0x17100] =	vst v0;
	v0 =	vadd.f32 v43, v40  }
0x1c2: {  	v43 =	vld [tilespmem:s9+$0x9080];
	[tilespmem:s25+$0x17180] =	vst v44;
	v2 =	vadd.f32 v2, v40;
	v44 =	vadd.f32 v53, v45  }
0x1c3: {  	v48 =	vsub.f32 v48, v36;
	v45 =	vld [tilespmem:s9+$0x1100];
	[tilespmem:s25+$0x17200] =	vst v0;
	v0 =	vadd.f32 v1, v4;
	v4 =	vmovc v5;
	v5 =	vmov v37  }
0x1c4: {  	s3 =	sor.u32 $0x2300, s28;
	v37 =	vmov v46;
	v1 =	vld [tilespmem:s9+$0x9100];
	[tilespmem:s25+$0x17280] =	vst v2;
	v2 =	vsub.f32 v44, v33;
	s25 =	smov.u32 s9  }
0x1c5: {  	v44 =	vmul.f32 v48, v35;
	v46 =	vld [tilespmem:s3+$0x1000];
	[tilespmem:s11+$0x15000] =	vst v0;
	s11 =	smov.u32 s12;
	s12 =	smov.u32 s13;
	s13 =	smov.u32 s1  }
0x1c6: {  	v0 =	vld [tilespmem:s3+$0x9000];
	v2 =	vmul.f32 v2, v34  }
0x1c7: {  	v44 =	vmul.f32 v44, v30;
	v48 =	vld [tilespmem:s25+$0x1180]  }
0x1c8: {  	v50 =	vld [tilespmem:s3+$0x11000];
	v2 =	vmul.f32 v2, v3  }
0x1c9: {  	v44 =	vadd.f32 v44, v5;
	v51 =	vld [tilespmem:s25+$0x9180]  }
0x1ca: {  	v52 =	vld [tilespmem:s25+$0x1200];
	v2 =	vadd.f32 v2, v4  }
0x1cb: {  	v53 =	vld [tilespmem:s25+$0x9200];
	[tilespmem:s20+$0x15000] =	vst v44;
	v0 =	vadd.f32 v0, v46;
	s20 =	smov.u32 s4  }
0x1cc: {  	v44 =	vld [tilespmem:s25+$0x1280];
	[tilespmem:s31+$0x15000] =	vst v2;
	s31 =	smov.u32 s7  }
0x1cd: {  	v2 =	vld [tilespmem:s25+$0x9280];
	v0 =	vadd.f32 v50, v0  }
0x1ce: {  	v46 =	vld [tilespmem:s25+$0x11100]  }
0x1cf: {  	v47 =	vadd.f32 v47, v56;
	v50 =	vld [tilespmem:s25+$0x11180];
	v0 =	vsub.f32 v0, v33  }
0x1d0: {  	v43 =	vadd.f32 v43, v49;
	v1 =	vadd.f32 v1, v45;
	v56 =	vld [tilespmem:s26+$0x1000]  }
0x1d1: {  	s1 =	sand.u32 $0x380, s29;
	v45 =	vadd.f32 v51, v48;
	v48 =	vadd.f32 v53, v52;
	v49 =	vld [tilespmem:s25+$0x11200];
	v0 =	vmul.f32 v0, v34  }
0x1d2: {  	s0 =	sor.u32 s1, s0;
	v47 =	vadd.f32 v54, v47;
	v2 =	vadd.f32 v2, v44;
	v44 =	vld [tilespmem:s25+$0x11280]  }
0x1d3: {  	v43 =	vadd.f32 v55, v43;
	v51 =	vld [tilespmem:s0+$0x1D000];
	v1 =	vadd.f32 v46, v1;
	v0 =	vmul.f32 v0, v39  }
0x1d4: {  	v47 =	vsub.f32 v47, v6;
	v46 =	vld [tilespmem:s26+$0x9000];
	v45 =	vadd.f32 v50, v45  }
0x1d5: {  	v43 =	vsub.f32 v43, v8;
	v50 =	vld [tilespmem:s0+$0x1D400];
	v0 =	vadd.f32 v0, v40  }
0x1d6: {  	v47 =	vmul.f32 v47, v7;
	v1 =	vsub.f32 v1, v10;
	v52 =	vld [tilespmem:s26+$0x1080];
	v48 =	vadd.f32 v49, v48  }
0x1d7: {  	v43 =	vmul.f32 v43, v9;
	v45 =	vsub.f32 v45, v12;
	v49 =	vld [tilespmem:s26+$0x9080];
	v2 =	vadd.f32 v44, v2;
	[tilespmem:s3+$0x15000] =	vst v0;
	s3 =	sor.u32 $0x2380, s28  }
0x1d8: {  	v1 =	vmul.f32 v1, v11;
	v0 =	vmul.f32 v47, v51;
	v44 =	vsub.f32 v48, v14;
	v47 =	vld [tilespmem:s3+$0x1000]  }
0x1d9: {  	v43 =	vmul.f32 v43, v51;
	v45 =	vmul.f32 v45, v13;
	v2 =	vsub.f32 v2, v16;
	v48 =	vld [tilespmem:s3+$0x9000]  }
0x1da: {  	v1 =	vmul.f32 v1, v51;
	v53 =	vld [tilespmem:s26+$0x1100];
	v0 =	vadd.f32 v0, v50;
	v44 =	vmul.f32 v44, v15  }
0x1db: {  	v43 =	vadd.f32 v43, v50;
	v45 =	vmul.f32 v45, v51;
	v2 =	vmul.f32 v2, v17;
	v54 =	vld [tilespmem:s3+$0x11000]  }
0x1dc: {  	s5 =	sadd.s32 $0x1, s5;
	v46 =	vadd.f32 v46, v56;
	v55 =	vld [tilespmem:s26+$0x9100];
	[tilespmem:s25+$0x15000] =	vst v0;
	v0 =	vadd.f32 v1, v50;
	v1 =	vmul.f32 v44, v51  }
0x1dd: {  	s0 =	sand.u32 $0x3, s5;
	v44 =	vadd.f32 v49, v52;
	v49 =	vld [tilespmem:s26+$0x1180];
	[tilespmem:s25+$0x15080] =	vst v43;
	v43 =	vadd.f32 v45, v50;
	v2 =	vmul.f32 v2, v51  }
0x1de: {  	s0 =	sshll.u32 s0, $0x5;
	v45 =	vld [tilespmem:s26+$0x9180];
	[tilespmem:s25+$0x15100] =	vst v0;
	v0 =	vadd.f32 v1, v50;
	v1 =	vadd.f32 v48, v47  }
0x1df: {  	s1 =	sadd.s32 s0, s30;
	v47 =	vld [tilespmem:s26+$0x1200];
	[tilespmem:s25+$0x15180] =	vst v43;
	v2 =	vadd.f32 v2, v50  }
0x1e0: {  	s0 =	sor.u32 $0x300, s1;
	s7 =	sor.u32 $0x2300, s1;
	s28 =	sadd.s32 $0x10, s1;
	v43 =	vld [tilespmem:s26+$0x9200];
	[tilespmem:s25+$0x15200] =	vst v0;
	v0 =	vadd.f32 v54, v1  }
0x1e1: {  	s4 =	sor.u32 $0x300, s28;
	v1 =	vadd.f32 v55, v53;
	v48 =	vld [tilespmem:s26+$0x1280];
	[tilespmem:s25+$0x15280] =	vst v2  }
0x1e2: {  	v2 =	vld [tilespmem:s4+$0x1000];
	v0 =	vsub.f32 v0, v41  }
0x1e3: {  	v45 =	vadd.f32 v45, v49;
	v49 =	vld [tilespmem:s4+$0x9000]  }
0x1e4: {  	v52 =	vld [tilespmem:s26+$0x9280];
	v0 =	vmul.f32 v0, v42  }
0x1e5: {  	v43 =	vadd.f32 v43, v47;
	v47 =	vld [tilespmem:s4+$0x11000]  }
0x1e6: {  	v53 =	vld [tilespmem:s26+$0x11000];
	v0 =	vmul.f32 v0, v39;
	v39 =	vmov v51  }
0x1e7: {  	v51 =	vld [tilespmem:s26+$0x11080]  }
0x1e8: {  	v54 =	vld [tilespmem:s26+$0x11100];
	v2 =	vadd.f32 v49, v2;
	v0 =	vadd.f32 v0, v40;
	v40 =	vmov v50  }
0x1e9: {  	v49 =	vld [tilespmem:s26+$0x11180];
	v48 =	vadd.f32 v52, v48  }
0x1ea: {  	v50 =	vld [tilespmem:s26+$0x11200];
	v2 =	vadd.f32 v47, v2;
	[tilespmem:s3+$0x15000] =	vst v0  }
0x1eb: {  	v0 =	vadd.f32 v53, v46;
	v46 =	vld [tilespmem:s26+$0x11280]  }
0x1ec: {  	v44 =	vadd.f32 v51, v44;
	v2 =	vsub.f32 v2, v31;
	v47 =	vld [tilespmem:s24+$0x3000]  }
0x1ed: {  	v0 =	vsub.f32 v0, v6;
	v1 =	vadd.f32 v54, v1;
	v51 =	vld [tilespmem:s24+$0xB000]  }
0x1ee: {  	v44 =	vsub.f32 v44, v8;
	v45 =	vadd.f32 v49, v45;
	v2 =	vmul.f32 v2, v32;
	v49 =	vld [tilespmem:s24+$0x3080]  }
0x1ef: {  	v0 =	vmul.f32 v0, v7;
	v1 =	vsub.f32 v1, v10;
	v43 =	vadd.f32 v50, v43;
	v50 =	vld [tilespmem:s24+$0xB080]  }
0x1f0: {  	v45 =	vsub.f32 v45, v12;
	v46 =	vadd.f32 v46, v48;
	v2 =	vmul.f32 v2, v39;
	v48 =	vld [tilespmem:s24+$0x3100]  }
0x1f1: {  	v44 =	vmul.f32 v44, v9;
	v1 =	vmul.f32 v1, v11;
	v43 =	vsub.f32 v43, v14;
	v52 =	vld [tilespmem:s24+$0xB100]  }
0x1f2: {  	v45 =	vmul.f32 v45, v13;
	v46 =	vsub.f32 v46, v16;
	v2 =	vadd.f32 v2, v40;
	v53 =	vld [tilespmem:s24+$0x3180]  }
0x1f3: {  	v0 =	vmul.f32 v0, v38;
	v51 =	vadd.f32 v51, v47;
	v43 =	vmul.f32 v43, v15;
	v47 =	vld [tilespmem:s24+$0xB180]  }
0x1f4: {  	v44 =	vmul.f32 v44, v38;
	v46 =	vmul.f32 v46, v17;
	[tilespmem:s4+$0x15000] =	vst v2;
	s4 =	sor.u32 $0x380, s28;
	v2 =	vadd.f32 v50, v49;
	v49 =	vld [tilespmem:s24+$0x3200]  }
0x1f5: {  	v0 =	vadd.f32 v0, v37;
	v1 =	vmul.f32 v1, v38;
	v45 =	vmul.f32 v45, v38;
	v50 =	vld [tilespmem:s4+$0x1000]  }
0x1f6: {  	v44 =	vadd.f32 v44, v37;
	v43 =	vmul.f32 v43, v38;
	v46 =	vmul.f32 v46, v38;
	v54 =	vld [tilespmem:s4+$0x9000]  }
0x1f7: {  	[tilespmem:s26+$0x15000] =	vst v0;
	v0 =	vadd.f32 v1, v37;
	v1 =	vadd.f32 v45, v37;
	v45 =	vld [tilespmem:s24+$0xB200]  }
0x1f8: {  	v43 =	vadd.f32 v43, v37;
	[tilespmem:s26+$0x15080] =	vst v44;
	v44 =	vadd.f32 v46, v37;
	v46 =	vld [tilespmem:s4+$0x11000]  }
0x1f9: {  	v53 =	vadd.f32 v47, v53;
	[tilespmem:s26+$0x15100] =	vst v0;
	v0 =	vadd.f32 v52, v48;
	v48 =	vld [tilespmem:s24+$0x3280]  }
0x1fa: {  	[tilespmem:s26+$0x15180] =	vst v1;
	v1 =	vld [tilespmem:s24+$0xB280]  }
0x1fb: {  	[tilespmem:s26+$0x15200] =	vst v43;
	v43 =	vadd.f32 v54, v50;
	v50 =	vld [tilespmem:s24+$0x13000]  }
0x1fc: {  	[tilespmem:s26+$0x15280] =	vst v44;
	v44 =	vld [tilespmem:s24+$0x13080];
	v47 =	vadd.f32 v45, v49  }
0x1fd: {  	v45 =	vld [tilespmem:s0+$0x1000];
	v43 =	vadd.f32 v46, v43  }
0x1fe: {  	v46 =	vld [tilespmem:s0+$0x9000]  }
0x1ff: {  	v52 =	vld [tilespmem:s0+$0x11000];
	v43 =	vsub.f32 v43, v36;
	v48 =	vadd.f32 v1, v48  }
0x200: {  	v1 =	vadd.f32 v50, v51;
	v54 =	vld [tilespmem:s24+$0x13100]  }
0x201: {  	v43 =	vmul.f32 v43, v35;
	v2 =	vadd.f32 v44, v2;
	v57 =	vld [tilespmem:s24+$0x13180]  }
.Ltmp0:
0x202: {  	v1 =	vsub.f32 v1, v22;
	v49 =	vld [tilespmem:s24+$0x13200];
	(pc) =	sbr.rel @p1 .LBB2_3-.Ltmp0, $4  }
0x203: {  	v44 =	vadd.f32 v46, v45;
	v45 =	vmul.f32 v43, v39;
	v2 =	vsub.f32 v2, v26;
	v50 =	vld [tilespmem:s24+$0x13280]  }
0x204: {  	v1 =	vmul.f32 v1, v19;
	v43 =	vld [tilespmem:s11+$0x1000]  }
0x205: {  	v56 =	vadd.f32 v52, v44;
	v55 =	vadd.f32 v45, v40;
	v52 =	vmul.f32 v2, v20;
	v44 =	vld [tilespmem:s11+$0x9000]  }
0x206: {  	s21 =	sadd.s32 $0x20, s21;
	v54 =	vadd.f32 v54, v0;
	v51 =	vmul.f32 v1, v30;
	v53 =	vadd.f32 v57, v53;
	v45 =	vld [tilespmem:s11+$0x11000]  }
0x207: {  	v0 =	vsub.f32 v56, v31;
	_ =	sdelay $0x1  }
0x208: {  	v0 =	vmul.f32 v0, v32;
	_ =	sdelay $0x1  }
0x209: {  	v0 =	vmul.f32 v0, v38;
	_ =	sdelay $0x1  }
0x20a: {  	[tilespmem:s4+$0x15000] =	vst v55;
	v0 =	vadd.f32 v0, v37  }
0x20b: {  	v1 =	vld [tilespmem:s25+$0x13000]  }
0x20c: {  	v2 =	vld [tilespmem:s25+$0x13080];
	[tilespmem:s0+$0x15000] =	vst v0  }
0x20d: {  	v0 =	vld [tilespmem:s20+$0x1000]  }
0x20e: {  	v6 =	vld [tilespmem:s20+$0x9000]  }
0x20f: {  	v7 =	vld [tilespmem:s25+$0x3000]  }
0x210: {  	v8 =	vld [tilespmem:s20+$0x11000]  }
0x211: {  	v9 =	vld [tilespmem:s25+$0xB000]  }
0x212: {  	v10 =	vld [tilespmem:s25+$0x3080]  }
0x213: {  	v11 =	vld [tilespmem:s25+$0xB080];
	v0 =	vadd.f32 v6, v0  }
0x214: {  	v12 =	vld [tilespmem:s25+$0xB100]  }
0x215: {  	v13 =	vld [tilespmem:s25+$0xB180];
	v0 =	vadd.f32 v8, v0  }
0x216: {  	v15 =	vld [tilespmem:s25+$0x3200]  }
0x217: {  	v17 =	vld [tilespmem:s25+$0xB200];
	v0 =	vsub.f32 v0, v36  }
0x218: {  	v63 =	vld [tilespmem:s25+$0x3280]  }
0x219: {  	v46 =	vld [tilespmem:s25+$0xB280];
	v0 =	vmul.f32 v0, v35  }
0x21a: {  	v16 =	vsub.f32 v53, v24;
	v53 =	vld [tilespmem:s25+$0x13100]  }
0x21b: {  	v14 =	vsub.f32 v54, v23;
	v54 =	vld [tilespmem:s25+$0x13180];
	v0 =	vmul.f32 v0, v38  }
0x21c: {  	v62 =	vadd.f32 v49, v47;
	v55 =	vld [tilespmem:s25+$0x13200]  }
0x21d: {  	v14 =	vmul.f32 v14, v18;
	v7 =	vadd.f32 v9, v7;
	v6 =	vld [tilespmem:s25+$0x3100];
	v0 =	vadd.f32 v0, v37  }
0x21e: {  	v31 =	vmul.f32 v52, v30;
	v52 =	vadd.f32 v50, v48;
	v47 =	vadd.f32 v51, v5;
	v9 =	vld [tilespmem:s25+$0x13280]  }
0x21f: {  	v32 =	vsub.f32 v62, v28;
	v14 =	vmul.f32 v14, v30;
	v1 =	vadd.f32 v1, v7;
	v8 =	vld [tilespmem:s25+$0x3180];
	[tilespmem:s20+$0x15000] =	vst v0  }
0x220: {  	v31 =	vadd.f32 v31, v5;
	v0 =	vadd.f32 v11, v10;
	v10 =	vld [tilespmem:s26+$0x3000]  }
0x221: {  	v14 =	vadd.f32 v14, v5;
	v1 =	vsub.f32 v1, v22;
	v7 =	vld [tilespmem:s26+$0xB000]  }
0x222: {  	v16 =	vmul.f32 v16, v21;
	v6 =	vadd.f32 v12, v6;
	v12 =	vadd.f32 v17, v15;
	v15 =	vld [tilespmem:s26+$0xB080]  }
0x223: {  	v36 =	vsub.f32 v52, v29;
	v17 =	vadd.f32 v46, v63;
	v11 =	vmul.f32 v32, v25;
	v32 =	vld [tilespmem:s26+$0x3100]  }
0x224: {  	v16 =	vmul.f32 v16, v30;
	v8 =	vadd.f32 v13, v8;
	v6 =	vadd.f32 v53, v6;
	v35 =	vld [tilespmem:s26+$0xB100]  }
0x225: {  	v1 =	vmul.f32 v1, v19;
	v12 =	vadd.f32 v55, v12;
	v9 =	vadd.f32 v9, v17;
	v17 =	vld [tilespmem:s26+$0x3180]  }
0x226: {  	v13 =	vmul.f32 v36, v27;
	v8 =	vadd.f32 v54, v8;
	v6 =	vsub.f32 v6, v23;
	v56 =	vld [tilespmem:s26+$0xB180]  }
0x227: {  	v1 =	vmul.f32 v1, v39;
	v12 =	vsub.f32 v12, v28;
	v9 =	vsub.f32 v9, v29;
	v57 =	vld [tilespmem:s26+$0x3200]  }
0x228: {  	v13 =	vmul.f32 v13, v30;
	v8 =	vsub.f32 v8, v24;
	v6 =	vmul.f32 v6, v18;
	v58 =	vld [tilespmem:s26+$0xB200]  }
0x229: {  	v16 =	vadd.f32 v16, v5;
	v12 =	vmul.f32 v12, v25;
	v9 =	vmul.f32 v9, v27;
	v59 =	vld [tilespmem:s26+$0x3280]  }
0x22a: {  	v1 =	vadd.f32 v1, v40;
	v8 =	vmul.f32 v8, v21;
	v6 =	vmul.f32 v6, v39;
	v60 =	vld [tilespmem:s26+$0xB280]  }
0x22b: {  	v13 =	vadd.f32 v13, v5;
	v12 =	vmul.f32 v12, v39;
	v9 =	vmul.f32 v9, v39;
	v61 =	vld [tilespmem:s26+$0x13000]  }
0x22c: {  	v0 =	vadd.f32 v2, v0;
	v2 =	vld [tilespmem:s26+$0x3080];
	v11 =	vmul.f32 v11, v30;
	v6 =	vadd.f32 v6, v40  }
0x22d: {  	v62 =	vld [tilespmem:s26+$0x13080];
	v8 =	vmul.f32 v8, v39;
	v12 =	vadd.f32 v12, v40;
	v9 =	vadd.f32 v9, v40  }
0x22e: {  	v63 =	vld [tilespmem:s26+$0x13100];
	v0 =	vsub.f32 v0, v26;
	v11 =	vadd.f32 v11, v5  }
0x22f: {  	v8 =	vadd.f32 v8, v40;
	v7 =	vadd.f32 v7, v10  }
0x230: {  	[tilespmem:s24+$0x17100] =	vst v14;
	v0 =	vmul.f32 v0, v20;
	v10 =	vld [tilespmem:s26+$0x13180];
	v17 =	vadd.f32 v56, v17;
	v14 =	vadd.f32 v58, v57  }
0x231: {  	[tilespmem:s24+$0x17080] =	vst v31;
	v31 =	vld [tilespmem:s26+$0x13200];
	v2 =	vadd.f32 v15, v2;
	v15 =	vadd.f32 v35, v32  }
0x232: {  	[tilespmem:s24+$0x17180] =	vst v16;
	v54 =	vld [tilespmem:s26+$0x13280];
	v16 =	vadd.f32 v60, v59;
	v0 =	vmul.f32 v0, v39;
	v7 =	vadd.f32 v61, v7  }
0x233: {  	[tilespmem:s24+$0x17200] =	vst v11;
	v2 =	vadd.f32 v62, v2;
	v11 =	vadd.f32 v63, v15  }
0x234: {  	[tilespmem:s24+$0x17000] =	vst v47;
	v0 =	vadd.f32 v0, v40;
	v7 =	vsub.f32 v7, v22  }
0x235: {  	[tilespmem:s25+$0x17000] =	vst v1;
	v2 =	vsub.f32 v2, v26;
	v10 =	vadd.f32 v10, v17  }
0x236: {  	[tilespmem:s24+$0x17280] =	vst v13;
	v11 =	vsub.f32 v11, v23;
	v1 =	vmul.f32 v7, v19;
	v7 =	vadd.f32 v31, v14  }
0x237: {  	[tilespmem:s25+$0x17080] =	vst v0;
	v0 =	vmul.f32 v2, v20;
	v2 =	vadd.f32 v54, v16;
	v10 =	vsub.f32 v10, v24  }
0x238: {  	[tilespmem:s25+$0x17100] =	vst v6;
	v1 =	vmul.f32 v1, v38;
	v6 =	vsub.f32 v7, v28;
	v7 =	vmul.f32 v11, v18  }
0x239: {  	[tilespmem:s25+$0x17180] =	vst v8;
	v0 =	vmul.f32 v0, v38;
	v2 =	vsub.f32 v2, v29;
	v8 =	vmul.f32 v10, v21  }
0x23a: {  	[tilespmem:s25+$0x17200] =	vst v12;
	v1 =	vadd.f32 v1, v37;
	v6 =	vmul.f32 v6, v25;
	v7 =	vmul.f32 v7, v38  }
0x23b: {  	[tilespmem:s25+$0x17280] =	vst v9;
	v0 =	vadd.f32 v0, v37;
	v2 =	vmul.f32 v2, v27;
	v8 =	vmul.f32 v8, v38  }
0x23c: {  	s9 =	sor.u32 $0x2300, s28;
	v9 =	vld [tilespmem:s31+$0x1000];
	[tilespmem:s26+$0x17000] =	vst v1;
	v1 =	vmul.f32 v6, v38;
	v6 =	vadd.f32 v7, v37  }
0x23d: {  	v7 =	vld [tilespmem:s9+$0x1000];
	[tilespmem:s26+$0x17080] =	vst v0;
	v0 =	vmul.f32 v2, v38;
	v2 =	vadd.f32 v8, v37  }
0x23e: {  	v8 =	vld [tilespmem:s9+$0x9000];
	v1 =	vadd.f32 v1, v37;
	[tilespmem:s26+$0x17100] =	vst v6  }
0x23f: {  	v6 =	vld [tilespmem:s31+$0x9000];
	v0 =	vadd.f32 v0, v37;
	[tilespmem:s26+$0x17180] =	vst v2  }
0x240: {  	v2 =	vld [tilespmem:s9+$0x11000];
	[tilespmem:s26+$0x17200] =	vst v1  }
0x241: {  	v1 =	vld [tilespmem:s31+$0x11000];
	[tilespmem:s26+$0x17280] =	vst v0  }
0x242: {  	v0 =	vld [tilespmem:s7+$0x1000]  }
0x243: {  	v7 =	vadd.f32 v8, v7;
	v8 =	vld [tilespmem:s7+$0x9000];
	_ =	sdelay $0x1  }
0x244: {  	v2 =	vadd.f32 v2, v7;
	v7 =	vld [tilespmem:s7+$0x11000]  }
0x245: {  	v6 =	vadd.f32 v6, v9  }
0x246: {  	v2 =	vsub.f32 v2, v33  }
0x247: {  	v1 =	vadd.f32 v1, v6;
	v0 =	vadd.f32 v8, v0  }
0x248: {  	v2 =	vmul.f32 v2, v34  }
0x249: {  	v1 =	vsub.f32 v1, v33;
	v0 =	vadd.f32 v7, v0  }
0x24a: {  	v2 =	vmul.f32 v2, v39  }
0x24b: {  	v1 =	vmul.f32 v1, v34;
	v0 =	vsub.f32 v0, v33  }
0x24c: {  	v2 =	vadd.f32 v2, v40  }
0x24d: {  	v1 =	vmul.f32 v1, v30;
	v0 =	vmul.f32 v0, v34  }
0x24e: {  	s10 =	sor.u32 $0x2380, s28;
	[tilespmem:s9+$0x15000] =	vst v2  }
0x24f: {  	v1 =	vadd.f32 v1, v5;
	v2 =	vld [tilespmem:s10+$0x1000];
	v0 =	vmul.f32 v0, v38  }
0x250: {  	v6 =	vld [tilespmem:s10+$0x9000]  }
0x251: {  	[tilespmem:s31+$0x15000] =	vst v1;
	v1 =	vld [tilespmem:s10+$0x11000];
	v0 =	vadd.f32 v0, v37  }
0x252: {  	v7 =	vld [tilespmem:s12+$0x1000]  }
0x253: {  	v8 =	vld [tilespmem:s12+$0x9000];
	[tilespmem:s7+$0x15000] =	vst v0  }
0x254: {  	v0 =	vld [tilespmem:s13+$0x1000]  }
0x255: {  	v11 =	vadd.f32 v44, v43;
	v9 =	vld [tilespmem:s13+$0x9000]  }
0x256: {  	v10 =	vld [tilespmem:s12+$0x11000];
	v2 =	vadd.f32 v6, v2  }
0x257: {  	v12 =	vld [tilespmem:s13+$0x11000];
	v6 =	vadd.f32 v45, v11  }
0x258: {  	v1 =	vadd.f32 v1, v2  }
0x259: {  	v7 =	vadd.f32 v8, v7;
	v2 =	vsub.f32 v6, v41  }
0x25a: {  	v1 =	vsub.f32 v1, v41;
	v0 =	vadd.f32 v9, v0  }
0x25b: {  	v6 =	vadd.f32 v10, v7;
	v2 =	vmul.f32 v2, v42  }
0x25c: {  	v1 =	vmul.f32 v1, v42;
	v0 =	vadd.f32 v12, v0  }
0x25d: {  	v6 =	vsub.f32 v6, v41;
	v2 =	vmul.f32 v2, v3  }
0x25e: {  	v1 =	vmul.f32 v1, v39;
	v0 =	vsub.f32 v0, v41  }
0x25f: {  	v3 =	vmul.f32 v6, v42;
	v2 =	vadd.f32 v2, v4  }
0x260: {  	v1 =	vadd.f32 v1, v40;
	v0 =	vmul.f32 v0, v42  }
0x261: {  	v3 =	vmul.f32 v3, v30;
	[tilespmem:s11+$0x15000] =	vst v2  }
0x262: {  	[tilespmem:s10+$0x15000] =	vst v1;
	v0 =	vmul.f32 v0, v38  }
0x263: {  	v2 =	vadd.f32 v3, v5;
	s0 =	rddreg [dreg:$0x8]  }
0x264: {  	s0 =	sadd.s32 s0, s23;
	v0 =	vadd.f32 v0, v37  }
0x265: {  	s1 =	rddreg [dreg:$0x6];
	[tilespmem:s12+$0x15000] =	vst v2;
	s0 =	sshll.u32 s0, $0x7  }
0x266: {  	p1 =	seq.s32 s6, $0x1F;
	s11 =	simm.s32 $0x15000;
	s0 =	sadd.s32 s1, s0;
	[tilespmem:s13+$0x15000] =	vst v0  }
0x267: {  	[hbm4b:s0+s8] =	stream.linear.scatter [tilespmem:s11], [sflag:$0x5], $0x4000, $0x38;
	[tilespmem:$0x1D800] =	vst v63  }
0x268: {  	v0 =	vld @!p1 [tilespmem:s23+$0x10];
	_ =	sdelay $0x4  }
0x269: {  	v1 =	vshll.u32 @!p1 v0, $0x3  }
0x26a: {  	v2 =	vlaneseq.u32 @!p1;
	v0 =	vand.u32 @!p1 $0x7, v0;
	v1 =	vand.u32 @!p1 $0xFFFFFFC0, v1  }
0x26b: {  	v3 =	vshrl.u32 @!p1 v2, $0x3;
	v0 =	vor.u32 @!p1 v0, v1;
	v1 =	vand.u32 @!p1 $0x7, v2  }
0x26c: {  	v3 =	vmul.u32 @!p1 $0x8, v3;
	v4 =	vperm.xlane @!p1 v0, v1;
	_ =	sdelay $0x1  }
0x26d: {  	v4 =	vadd.s32 @!p1 v3, v4;
	_ =	sdelay $0x3  }
0x26e: {  	vm1 =	vmmov @!p1 $0xffff;
	s1 =	simm.s32 @!p1 $0x1000;
	s0 =	simm.s32 @!p1 $0x0  }
0x26f: {  	v5 =	vld @!p1 [tilespmem:s23+$0x410];
	v2 =	vor.u32 @!p1 $0x8, v2;
	[tilespmem:s1], [sflag:$0x1] =	stream.indirect_vreg.gather @!p1 [hbm4b:s2+s0], $0x80, v4, vm1, $0xb8;
	[tilespmem:$0x1D800] =	vst v63  }
0x270: {  	v0 =	vperm.xlane @!p1 v0, v2;
	s1 =	simm.s32 @!p1 $0x1800  }
0x271: {  	[tilespmem:s1], [sflag:$0x1] =	stream.indirect_vreg.gather @!p1 [hbm4b:s14+s0], $0x80, v4, vm1, $0xb8;
	[tilespmem:$0x1D800] =	vst v63  }
0x272: {  	v0 =	vadd.s32 @!p1 v3, v0;
	s1 =	simm.s32 @!p1 $0x2000  }
0x273: {  	[tilespmem:s1], [sflag:$0x1] =	stream.indirect_vreg.gather @!p1 [hbm4b:s15+s0], $0x80, v4, vm1, $0xb8;
	[tilespmem:$0x1D800] =	vst v63  }
0x274: {  	s1 =	simm.s32 @!p1 $0x2800  }
0x275: {  	[tilespmem:s1], [sflag:$0x1] =	stream.indirect_vreg.gather @!p1 [hbm4b:s16+s0], $0x80, v4, vm1, $0xb8;
	v4 =	vshll.u32 @!p1 v5, $0x3;
	[tilespmem:$0x1D800] =	vst v63  }
0x276: {  	s1 =	simm.s32 @!p1 $0x3000;
	v5 =	vand.u32 @!p1 $0x7, v5;
	v4 =	vand.u32 @!p1 $0xFFFFFFC0, v4  }
0x277: {  	[tilespmem:s1], [sflag:$0x1] =	stream.indirect_vreg.gather @!p1 [hbm4b:s2+s0], $0x80, v0, vm1, $0xb8;
	v4 =	vor.u32 @!p1 v5, v4;
	[tilespmem:$0x1D800] =	vst v63  }
0x278: {  	s1 =	simm.s32 @!p1 $0x3800;
	v1 =	vperm.xlane @!p1 v4, v1  }
0x279: {  	[tilespmem:s1], [sflag:$0x1] =	stream.indirect_vreg.gather @!p1 [hbm4b:s14+s0], $0x80, v0, vm1, $0xb8;
	[tilespmem:$0x1D800] =	vst v63  }
0x27a: {  	s1 =	simm.s32 @!p1 $0x4000;
	v1 =	vadd.s32 @!p1 v3, v1  }
0x27b: {  	[tilespmem:s1], [sflag:$0x1] =	stream.indirect_vreg.gather @!p1 [hbm4b:s15+s0], $0x80, v0, vm1, $0xb8;
	[tilespmem:$0x1D800] =	vst v63  }
0x27c: {  	s1 =	simm.s32 @!p1 $0x4800  }
0x27d: {  	[tilespmem:s1], [sflag:$0x1] =	stream.indirect_vreg.gather @!p1 [hbm4b:s16+s0], $0x80, v0, vm1, $0xb8;
	[tilespmem:$0x1D800] =	vst v63  }
0x27e: {  	s31 =	smov.u32 s2;
	s2 =	rddreg [dreg:$0x3];
	s1 =	simm.s32 @!p1 $0x9000  }
0x27f: {  	[tilespmem:s1], [sflag:$0x3] =	stream.indirect_vreg.gather @!p1 [hbm4b:s2+s0], $0x80, v1, vm1, $0xb8;
	[tilespmem:$0x1D800] =	vst v63  }
0x280: {  	v0 =	vperm.xlane @!p1 v4, v2;
	s1 =	simm.s32 @!p1 $0x9800  }
0x281: {  	[tilespmem:s1], [sflag:$0x3] =	stream.indirect_vreg.gather @!p1 [hbm4b:s17+s0], $0x80, v1, vm1, $0xb8;
	[tilespmem:$0x1D800] =	vst v63  }
0x282: {  	v0 =	vadd.s32 @!p1 v3, v0;
	s1 =	simm.s32 @!p1 $0xA000  }
0x283: {  	[tilespmem:s1], [sflag:$0x3] =	stream.indirect_vreg.gather @!p1 [hbm4b:s18+s0], $0x80, v1, vm1, $0xb8;
	[tilespmem:$0x1D800] =	vst v63  }
0x284: {  	s1 =	simm.s32 @!p1 $0xA800  }
0x285: {  	[tilespmem:s1], [sflag:$0x3] =	stream.indirect_vreg.gather @!p1 [hbm4b:s19+s0], $0x80, v1, vm1, $0xb8;
	[tilespmem:$0x1D800] =	vst v63  }
0x286: {  	s1 =	simm.s32 @!p1 $0xB000  }
0x287: {  	[tilespmem:s1], [sflag:$0x3] =	stream.indirect_vreg.gather @!p1 [hbm4b:s2+s0], $0x80, v0, vm1, $0xb8;
	[tilespmem:$0x1D800] =	vst v63  }
0x288: {  	s1 =	simm.s32 @!p1 $0xB800  }
0x289: {  	[tilespmem:s1], [sflag:$0x3] =	stream.indirect_vreg.gather @!p1 [hbm4b:s17+s0], $0x80, v0, vm1, $0xb8;
	[tilespmem:$0x1D800] =	vst v63  }
0x28a: {  	s1 =	simm.s32 @!p1 $0xC000  }
0x28b: {  	[tilespmem:s1], [sflag:$0x3] =	stream.indirect_vreg.gather @!p1 [hbm4b:s18+s0], $0x80, v0, vm1, $0xb8;
	[tilespmem:$0x1D800] =	vst v63  }
0x28c: {  	s12 =	simm.s32 $0x2;
	s1 =	simm.s32 @!p1 $0xC800  }
0x28d: {  	[tilespmem:s1], [sflag:$0x3] =	stream.indirect_vreg.gather @!p1 [hbm4b:s19+s0], $0x80, v0, vm1, $0xb8;
	[tilespmem:$0x1D800] =	vst v63  }
0x28e: {  	_ =	swait.ge [sflag:s12], $0x4000  }
0x28f: {  	[sflag:s12] =	ssyncset.done $0x0  }
0x290: {  	s13 =	simm.s32 $0x4;
	[sflag:s12] =	ssyncadd.s32 $0xFFFFC000  }
0x291: {  	_ =	swait.ge [sflag:s13], $0x4000  }
0x292: {  	[sflag:s13] =	ssyncset.done $0x0  }
0x293: {  	s0 =	simm.s32 @!p0 $0x6;
	[sflag:s13] =	ssyncadd.s32 $0xFFFFC000  }
0x294: {  	_ =	swait.ge @!p0 [sflag:s0], $0x4000  }
0x295: {  	s20 =	simm.s32 $0x0;
	[sflag:s0] =	ssyncset.done @!p0 $0x0  }
0x296: {  	s21 =	simm.s32 $0x0;
	s23 =	sand.u32 $0x60, s20;
	[sflag:s0] =	ssyncadd.s32 @!p0 $0xFFFFC000  }
0x297: {  	s3 =	sand.u32 $0x1C00, s21;
	s24 =	sor.u32 $0x10, s23;
	v29 =	vld [tilespmem:s22+$0x800]  }
0x298: {  	s7 =	sor.u32 s24, s3;
	v55 =	vld [tilespmem:s22+$0xC00]  }
0x299: {  	v0 =	vld [tilespmem:s7+$0x11000]  }
0x29a: {  	v1 =	vld [tilespmem:s7+$0x11080]  }
0x29b: {  	v2 =	vld [tilespmem:s7+$0x5000]  }
0x29c: {  	v3 =	vld [tilespmem:s7+$0xD000]  }
0x29d: {  	v4 =	vld [tilespmem:s7+$0x5080]  }
0x29e: {  	v5 =	vld [tilespmem:s7+$0xD080]  }
0x29f: {  	v14 =	vld [tilespmem:s7+$0x5100]  }
0x2a0: {  	v15 =	vld [tilespmem:s7+$0xD100]  }
0x2a1: {  	v16 =	vld [tilespmem:s7+$0x5180]  }
0x2a2: {  	v17 =	vld [tilespmem:s7+$0xD180]  }
0x2a3: {  	v18 =	vld [tilespmem:s7+$0x5200]  }
0x2a4: {  	v19 =	vld [tilespmem:s7+$0xD200]  }
0x2a5: {  	v20 =	vld [tilespmem:s7+$0x5280];
	v6 =	vbroadcast v29, $0x0;
	v7 =	vbroadcast v55, $0x0  }
0x2a6: {  	v21 =	vld [tilespmem:s7+$0xD280];
	v8 =	vbroadcast v29, $0x1;
	v9 =	vbroadcast v55, $0x1  }
0x2a7: {  	v22 =	vld [tilespmem:s7+$0x11100];
	v10 =	vbroadcast v29, $0x2;
	v11 =	vbroadcast v55, $0x2  }
0x2a8: {  	v12 =	vbroadcast v29, $0x3;
	v2 =	vadd.f32 v3, v2;
	v3 =	vld [tilespmem:s7+$0x11180];
	v4 =	vadd.f32 v5, v4  }
0x2a9: {  	s25 =	sand.u32 $0x380, s20;
	v24 =	vld [tilespmem:s7+$0x11200];
	v13 =	vbroadcast v55, $0x3;
	v5 =	vadd.f32 v15, v14;
	v23 =	vadd.f32 v17, v16  }
0x2aa: {  	s1 =	sor.u32 s25, s24;
	v14 =	vbroadcast v29, $0x4;
	v18 =	vadd.f32 v19, v18;
	v0 =	vadd.f32 v0, v2;
	v2 =	vld [tilespmem:s7+$0x11280]  }
0x2ab: {  	v42 =	vld [tilespmem:s1+$0x1D000];
	v15 =	vbroadcast v55, $0x4;
	v19 =	vadd.f32 v21, v20;
	v1 =	vadd.f32 v1, v4  }
0x2ac: {  	v16 =	vbroadcast v29, $0x5;
	v4 =	vadd.f32 v22, v5;
	v0 =	vsub.f32 v0, v6  }
0x2ad: {  	v41 =	vld [tilespmem:s1+$0x1D400];
	v17 =	vbroadcast v55, $0x5;
	v1 =	vsub.f32 v1, v8;
	v3 =	vadd.f32 v3, v23  }
0x2ae: {  	v5 =	vadd.f32 v24, v18;
	v4 =	vsub.f32 v4, v10;
	v0 =	vmul.f32 v0, v7  }
0x2af: {  	v1 =	vmul.f32 v1, v9;
	v3 =	vsub.f32 v3, v12;
	v2 =	vadd.f32 v2, v19  }
0x2b0: {  	v5 =	vsub.f32 v5, v14;
	v4 =	vmul.f32 v4, v11;
	v0 =	vmul.f32 v0, v42  }
0x2b1: {  	v1 =	vmul.f32 v1, v42;
	v3 =	vmul.f32 v3, v13;
	v2 =	vsub.f32 v2, v16  }
0x2b2: {  	v5 =	vmul.f32 v5, v15;
	v4 =	vmul.f32 v4, v42;
	v0 =	vadd.f32 v0, v41  }
0x2b3: {  	v1 =	vadd.f32 v1, v41;
	v3 =	vmul.f32 v3, v42;
	v2 =	vmul.f32 v2, v17  }
0x2b4: {  	[tilespmem:s7+$0x19000] =	vst v0;
	v0 =	vadd.f32 v4, v41;
	v4 =	vmul.f32 v5, v42  }
0x2b5: {  	s26 =	sand.u32 $0x3, s21;
	[tilespmem:s7+$0x19080] =	vst v1;
	v1 =	vadd.f32 v3, v41;
	v2 =	vmul.f32 v2, v42  }
0x2b6: {  	s5 =	sor.u32 s23, s3;
	s1 =	sshll.u32 s26, $0x5;
	[tilespmem:s7+$0x19100] =	vst v0;
	v0 =	vadd.f32 v4, v41  }
0x2b7: {  	v25 =	vld [tilespmem:s5+$0xD280];
	s10 =	sadd.s32 $0x0, s1;
	[tilespmem:s7+$0x19180] =	vst v1;
	v1 =	vadd.f32 v2, v41  }
0x2b8: {  	v26 =	vld [tilespmem:s5+$0x11000];
	s0 =	sadd.s32 $0x10, s10;
	[tilespmem:s7+$0x19200] =	vst v0  }
0x2b9: {  	v27 =	vld [tilespmem:s5+$0x11080];
	s3 =	sor.u32 $0x300, s0;
	[tilespmem:s7+$0x19280] =	vst v1  }
0x2ba: {  	v1 =	vld [tilespmem:s3+$0x5000]  }
0x2bb: {  	v4 =	vld [tilespmem:s3+$0xD000]  }
0x2bc: {  	v20 =	vld [tilespmem:s5+$0x5100]  }
0x2bd: {  	v18 =	vld [tilespmem:s3+$0x11000]  }
0x2be: {  	v21 =	vld [tilespmem:s5+$0xD100]  }
0x2bf: {  	v22 =	vld [tilespmem:s5+$0xD180]  }
0x2c0: {  	v24 =	vld [tilespmem:s5+$0x5280];
	v1 =	vadd.f32 v4, v1  }
0x2c1: {  	v19 =	vld [tilespmem:s5+$0xD080]  }
0x2c2: {  	v31 =	vbroadcast v29, $0x6;
	v5 =	vld [tilespmem:s5+$0x5080];
	v1 =	vadd.f32 v18, v1  }
0x2c3: {  	v2 =	vld [tilespmem:s5+$0x5000]  }
0x2c4: {  	v32 =	vbroadcast v55, $0x6;
	v0 =	vld [tilespmem:s5+$0xD000];
	v1 =	vsub.f32 v1, v31  }
0x2c5: {  	v23 =	vld [tilespmem:s5+$0xD200]  }
0x2c6: {  	v4 =	vld [tilespmem:s5+$0x5180];
	v1 =	vmul.f32 v1, v32  }
0x2c7: {  	s2 =	simm.s32 $0x1D000;
	v18 =	vld [tilespmem:s5+$0x5200]  }
0x2c8: {  	v3 =	vld [tilespmem:s2+$0x0];
	v5 =	vadd.f32 v19, v5;
	v1 =	vmul.f32 v1, v42  }
0x2c9: {  	v0 =	vadd.f32 v0, v2;
	v2 =	vld [tilespmem:s5+$0x11100]  }
0x2ca: {  	v19 =	vld [tilespmem:s5+$0x11180];
	v5 =	vadd.f32 v27, v5;
	v1 =	vadd.f32 v1, v41  }
0x2cb: {  	v20 =	vadd.f32 v21, v20;
	v21 =	vadd.f32 v22, v4;
	v22 =	vld [tilespmem:s5+$0x11200]  }
0x2cc: {  	s4 =	sor.u32 $0x380, s0;
	v5 =	vsub.f32 v5, v8;
	v18 =	vadd.f32 v23, v18;
	v23 =	vld [tilespmem:s5+$0x11280];
	[tilespmem:s3+$0x19000] =	vst v1  }
0x2cd: {  	v0 =	vadd.f32 v26, v0;
	v1 =	vadd.f32 v25, v24;
	v24 =	vld [tilespmem:s4+$0x5000]  }
0x2ce: {  	s9 =	simm.s32 $0x1D400;
	v2 =	vadd.f32 v2, v20;
	v20 =	vld [tilespmem:s4+$0xD000]  }
0x2cf: {  	v35 =	vbroadcast v29, $0x7;
	v5 =	vmul.f32 v5, v9;
	v0 =	vsub.f32 v0, v6;
	v4 =	vld [tilespmem:s9+$0x0]  }
0x2d0: {  	v36 =	vbroadcast v55, $0x7;
	v2 =	vsub.f32 v2, v10;
	v19 =	vadd.f32 v19, v21;
	v21 =	vld [tilespmem:s4+$0x11000]  }
0x2d1: {  	v5 =	vmul.f32 v5, v3;
	v0 =	vmul.f32 v0, v7;
	v18 =	vadd.f32 v22, v18  }
0x2d2: {  	v2 =	vmul.f32 v2, v11;
	v19 =	vsub.f32 v19, v12;
	v1 =	vadd.f32 v23, v1  }
0x2d3: {  	v0 =	vmul.f32 v0, v3;
	v18 =	vsub.f32 v18, v14;
	v20 =	vadd.f32 v20, v24  }
0x2d4: {  	v2 =	vmul.f32 v2, v3;
	v19 =	vmul.f32 v19, v13;
	v1 =	vsub.f32 v1, v16  }
0x2d5: {  	v0 =	vadd.f32 v0, v4;
	v18 =	vmul.f32 v18, v15;
	v20 =	vadd.f32 v21, v20  }
0x2d6: {  	v5 =	vadd.f32 v5, v4;
	v19 =	vmul.f32 v19, v3;
	v1 =	vmul.f32 v1, v17  }
0x2d7: {  	[tilespmem:s5+$0x19000] =	vst v0;
	v0 =	vadd.f32 v2, v4;
	v18 =	vmul.f32 v18, v3;
	v2 =	vsub.f32 v20, v35  }
0x2d8: {  	[tilespmem:s5+$0x19080] =	vst v5;
	v19 =	vadd.f32 v19, v4;
	v1 =	vmul.f32 v1, v3  }
0x2d9: {  	[tilespmem:s5+$0x19100] =	vst v0;
	v5 =	vadd.f32 v18, v4;
	v0 =	vmul.f32 v2, v36  }
0x2da: {  	[tilespmem:s5+$0x19180] =	vst v19;
	v1 =	vadd.f32 v1, v4  }
0x2db: {  	[tilespmem:s5+$0x19200] =	vst v5;
	v0 =	vmul.f32 v0, v42  }
0x2dc: {  	s9 =	sor.u32 $0x300, s10;
	[tilespmem:s5+$0x19280] =	vst v1  }
0x2dd: {  	v1 =	vld [tilespmem:s9+$0x5000];
	v0 =	vadd.f32 v0, v41  }
0x2de: {  	v2 =	vld [tilespmem:s9+$0xD000]  }
0x2df: {  	v5 =	vld [tilespmem:s9+$0x11000];
	[tilespmem:s4+$0x19000] =	vst v0  }
0x2e0: {  	v0 =	vld [tilespmem:s7+$0x13000]  }
0x2e1: {  	v26 =	vld [tilespmem:s7+$0x13080]  }
0x2e2: {  	v21 =	vld [tilespmem:s7+$0x7000]  }
0x2e3: {  	v24 =	vld [tilespmem:s7+$0xF000]  }
0x2e4: {  	v1 =	vadd.f32 v2, v1;
	v2 =	vld [tilespmem:s7+$0x7080]  }
0x2e5: {  	v27 =	vld [tilespmem:s7+$0xF080]  }
0x2e6: {  	v28 =	vld [tilespmem:s7+$0xF100]  }
0x2e7: {  	v30 =	vld [tilespmem:s7+$0x7180]  }
0x2e8: {  	v56 =	vld [tilespmem:s7+$0xF180]  }
0x2e9: {  	v57 =	vld [tilespmem:s7+$0x7200]  }
0x2ea: {  	v58 =	vld [tilespmem:s7+$0xF200]  }
0x2eb: {  	v19 =	vbroadcast v55, $0x8;
	v20 =	vmov v29;
	v59 =	vld [tilespmem:s7+$0x7280]  }
0x2ec: {  	v18 =	vmovc v55;
	v29 =	vbroadcast v29, $0x8;
	v25 =	vbroadcast v20, $0x9;
	v1 =	vadd.f32 v5, v1;
	v5 =	vld [tilespmem:s7+$0x7100]  }
0x2ed: {  	v43 =	vmovc v18;
	v60 =	vmov v20;
	v20 =	vbroadcast v18, $0x9;
	v18 =	vbroadcast v18, $0xA;
	v49 =	vld [tilespmem:s7+$0xF280]  }
0x2ee: {  	v22 =	vbroadcast v60, $0xA;
	v50 =	vld [tilespmem:s7+$0x13100];
	v1 =	vsub.f32 v1, v31;
	v24 =	vadd.f32 v24, v21  }
0x2ef: {  	v23 =	vbroadcast v60, $0xB;
	v51 =	vld [tilespmem:s7+$0x13180];
	v2 =	vadd.f32 v27, v2;
	v30 =	vadd.f32 v56, v30  }
0x2f0: {  	v1 =	vmul.f32 v1, v32;
	v34 =	vadd.f32 v58, v57;
	v0 =	vadd.f32 v0, v24  }
0x2f1: {  	v21 =	vbroadcast v43, $0xB;
	v5 =	vadd.f32 v28, v5;
	v2 =	vadd.f32 v26, v2  }
0x2f2: {  	v52 =	vld [tilespmem:s7+$0x13200];
	v27 =	vbroadcast v60, $0xC;
	v38 =	vadd.f32 v49, v59;
	v0 =	vsub.f32 v0, v29  }
0x2f3: {  	s11 =	sor.u32 s20, s21;
	s20 =	simm.s32 $0x20;
	v53 =	vld [tilespmem:s7+$0x13280];
	v1 =	vmul.f32 v1, v3;
	v5 =	vadd.f32 v50, v5;
	v2 =	vsub.f32 v2, v25  }
0x2f4: {  	s21 =	simm.s32 $0x100;
	s4 =	sand.u32 $0x60, s20;
	v28 =	vbroadcast v60, $0xD;
	v30 =	vadd.f32 v51, v30;
	v0 =	vmul.f32 v0, v19  }
0x2f5: {  	s23 =	sand.u32 $0x1C00, s21;
	s24 =	sor.u32 $0x10, s4;
	[tilespmem:$0x1FF40] =	vst v60;
	v1 =	vadd.f32 v1, v4;
	v54 =	vsub.f32 v5, v22;
	v2 =	vmul.f32 v2, v20  }
0x2f6: {  	[tilespmem:$0x1FF50] =	vst v43;
	s12 =	sor.u32 s24, s23;
	v24 =	vbroadcast v43, $0xC;
	v30 =	vsub.f32 v30, v23;
	v0 =	vmul.f32 v0, v42  }
0x2f7: {  	v39 =	vld [tilespmem:s12+$0x11080];
	v33 =	vadd.f32 v52, v34;
	[tilespmem:s9+$0x19000] =	vst v1;
	v1 =	vmul.f32 v54, v18;
	v2 =	vmul.f32 v2, v42  }
0x2f8: {  	v40 =	vld [tilespmem:s12+$0x5000];
	v55 =	vadd.f32 v53, v38;
	v30 =	vmul.f32 v30, v21;
	v0 =	vadd.f32 v0, v41  }
0x2f9: {  	v56 =	vld [tilespmem:s12+$0xD000];
	v33 =	vsub.f32 v33, v27;
	v1 =	vmul.f32 v1, v42;
	v2 =	vadd.f32 v2, v41  }
0x2fa: {  	s13 =	simm.s32 $0x1D420;
	v26 =	vbroadcast v43, $0xD;
	v38 =	vld [tilespmem:s12+$0x11000];
	v34 =	vsub.f32 v55, v28;
	v30 =	vmul.f32 v30, v42;
	[tilespmem:s7+$0x1B000] =	vst v0  }
0x2fb: {  	s3 =	sor.u32 $0x380, s11;
	v5 =	vld [tilespmem:s13+$0x0];
	v33 =	vmul.f32 v33, v24;
	v0 =	vadd.f32 v1, v41;
	[tilespmem:s7+$0x1B080] =	vst v2  }
0x2fc: {  	v34 =	vmul.f32 v34, v26;
	v37 =	vld [tilespmem:s3+$0x5000];
	v2 =	vadd.f32 v30, v41;
	[tilespmem:$0x1FF60] =	vst v42  }
0x2fd: {  	v1 =	vmul.f32 v33, v42;
	[tilespmem:s7+$0x1B100] =	vst v0  }
0x2fe: {  	v30 =	vmul.f32 v34, v42;
	v46 =	vld [tilespmem:s12+$0x5080];
	[tilespmem:s7+$0x1B180] =	vst v2  }
0x2ff: {  	v0 =	vadd.f32 v1, v41;
	v1 =	vld [tilespmem:s12+$0xD080];
	[tilespmem:$0x1FF70] =	vst v41  }
0x300: {  	v2 =	vadd.f32 v30, v41;
	v30 =	vld [tilespmem:s12+$0x5100]  }
0x301: {  	[tilespmem:s7+$0x1B200] =	vst v0;
	v0 =	vld [tilespmem:s12+$0xD100]  }
0x302: {  	s25 =	sor.u32 $0x2300, s0;
	[tilespmem:s7+$0x1B280] =	vst v2;
	v47 =	vld [tilespmem:s12+$0x5180]  }
0x303: {  	v2 =	vld [tilespmem:s25+$0x5000]  }
0x304: {  	v61 =	vld [tilespmem:s25+$0xD000]  }
0x305: {  	v63 =	vld [tilespmem:s12+$0xD180]  }
0x306: {  	v62 =	vld [tilespmem:s25+$0x11000]  }
0x307: {  	v57 =	vld [tilespmem:s12+$0x5200]  }
0x308: {  	v58 =	vld [tilespmem:s12+$0xD200]  }
0x309: {  	v59 =	vld [tilespmem:s12+$0x5280];
	v2 =	vadd.f32 v61, v2  }
0x30a: {  	v40 =	vadd.f32 v56, v40;
	v33 =	vbroadcast v60, $0xE;
	v60 =	vld [tilespmem:s12+$0xD280]  }
0x30b: {  	v55 =	vld [tilespmem:s3+$0xD000];
	v2 =	vadd.f32 v62, v2  }
0x30c: {  	v38 =	vadd.f32 v38, v40;
	v61 =	vld [tilespmem:s12+$0x11100]  }
0x30d: {  	s26 =	sand.u32 $0x380, s20;
	v34 =	vbroadcast v43, $0xE;
	v1 =	vadd.f32 v1, v46;
	v62 =	vld [tilespmem:s12+$0x11180];
	v2 =	vsub.f32 v2, v33  }
0x30e: {  	s1 =	sor.u32 s26, s24;
	v38 =	vsub.f32 v38, v6;
	v56 =	vld [tilespmem:s12+$0x11200]  }
0x30f: {  	v45 =	vld [tilespmem:s1+$0x1D000];
	v0 =	vadd.f32 v0, v30;
	v1 =	vadd.f32 v39, v1;
	v2 =	vmul.f32 v2, v34  }
0x310: {  	s23 =	sor.u32 s4, s23;
	v30 =	vadd.f32 v63, v47;
	v63 =	vadd.f32 v58, v57;
	v58 =	vld [tilespmem:s12+$0x11280]  }
0x311: {  	v51 =	vld [tilespmem:s23+$0x5000];
	v57 =	vadd.f32 v60, v59;
	v1 =	vsub.f32 v1, v8;
	v2 =	vmul.f32 v2, v42  }
0x312: {  	v38 =	vmul.f32 v38, v7;
	v46 =	vld [tilespmem:s1+$0x1D400];
	v0 =	vadd.f32 v61, v0;
	v60 =	vadd.f32 v62, v30  }
0x313: {  	v50 =	vld [tilespmem:s23+$0xD000];
	v47 =	vadd.f32 v56, v63;
	v1 =	vmul.f32 v1, v9;
	v2 =	vadd.f32 v2, v41  }
0x314: {  	v52 =	vld [tilespmem:s23+$0x5080];
	v0 =	vsub.f32 v0, v10;
	v61 =	vsub.f32 v60, v12  }
0x315: {  	v53 =	vld [tilespmem:s23+$0xD080];
	s7 =	sor.u32 $0x2380, s0;
	v38 =	vmul.f32 v38, v45;
	v40 =	vadd.f32 v58, v57;
	v1 =	vmul.f32 v1, v45;
	[tilespmem:s25+$0x19000] =	vst v2  }
0x316: {  	v47 =	vsub.f32 v47, v14;
	v0 =	vmul.f32 v0, v11;
	v48 =	vmul.f32 v61, v13;
	v61 =	vld [tilespmem:s7+$0x11000]  }
0x317: {  	v44 =	vld [tilespmem:s23+$0x5100];
	v40 =	vsub.f32 v40, v16;
	v1 =	vadd.f32 v1, v46  }
0x318: {  	s2 =	simm.s32 $0x1D020;
	v59 =	vld [tilespmem:s3+$0x11000];
	v62 =	vmul.f32 v47, v15;
	v0 =	vmul.f32 v0, v45;
	v2 =	vadd.f32 v38, v46  }
0x319: {  	v30 =	vld [tilespmem:s2+$0x0];
	v40 =	vmul.f32 v40, v17;
	[tilespmem:s12+$0x19080] =	vst v1;
	v63 =	vmul.f32 v48, v45  }
0x31a: {  	s4 =	simm.s32 $0x1;
	v47 =	vld [tilespmem:s7+$0x5000];
	v0 =	vadd.f32 v0, v46;
	[tilespmem:s12+$0x19000] =	vst v2;
	v2 =	vmul.f32 v62, v45  }
0x31b: {  	s0 =	sand.u32 $0x3, s4;
	v40 =	vmul.f32 v40, v45;
	v48 =	vld [tilespmem:s7+$0xD000];
	v1 =	vadd.f32 v63, v46;
	[tilespmem:$0x1FF30] =	vst v61  }
0x31c: {  	s0 =	sshll.u32 s0, $0x5;
	[tilespmem:s12+$0x19100] =	vst v0;
	v0 =	vadd.f32 v2, v46  }
0x31d: {  	s13 =	sadd.s32 $0x100, s0;
	v2 =	vld [tilespmem:s23+$0xD100];
	[tilespmem:s12+$0x19180] =	vst v1;
	v1 =	vadd.f32 v40, v46  }
0x31e: {  	s26 =	sadd.s32 $0x10, s13;
	v40 =	vld [tilespmem:s23+$0x5180];
	[tilespmem:s12+$0x19200] =	vst v0  }
0x31f: {  	s9 =	sor.u32 $0x300, s26;
	v39 =	vld [tilespmem:s23+$0x5200];
	[tilespmem:s12+$0x19280] =	vst v1  }
0x320: {  	v1 =	vadd.f32 v55, v37;
	v62 =	vld [tilespmem:s9+$0x5000]  }
0x321: {  	v63 =	vld [tilespmem:s9+$0xD000]  }
0x322: {  	v56 =	vld [tilespmem:s23+$0xD200];
	v1 =	vadd.f32 v59, v1  }
0x323: {  	v42 =	vld [tilespmem:s9+$0x11000]  }
0x324: {  	v57 =	vld [tilespmem:s23+$0x5280];
	v1 =	vsub.f32 v1, v35  }
0x325: {  	v58 =	vld [tilespmem:s23+$0xD280]  }
0x326: {  	v43 =	vld [tilespmem:s23+$0x11000];
	v1 =	vmul.f32 v1, v36;
	v37 =	vadd.f32 v63, v62  }
0x327: {  	v60 =	vld [tilespmem:s23+$0x11180]  }
0x328: {  	v0 =	vld [tilespmem:s23+$0xD180];
	v1 =	vmul.f32 v1, v3;
	v37 =	vadd.f32 v42, v37  }
0x329: {  	v55 =	vld [tilespmem:s23+$0x11100]  }
0x32a: {  	v59 =	vld [tilespmem:s23+$0x11080];
	v1 =	vadd.f32 v1, v4;
	v37 =	vsub.f32 v37, v31  }
0x32b: {  	v50 =	vadd.f32 v50, v51;
	v2 =	vadd.f32 v2, v44;
	v44 =	vld [tilespmem:s23+$0x11280]  }
0x32c: {  	v63 =	vld [tilespmem:s23+$0x11200];
	[tilespmem:s3+$0x19000] =	vst v1;
	v37 =	vmul.f32 v37, v32  }
0x32d: {  	v61 =	vadd.f32 v43, v50;
	v1 =	vadd.f32 v53, v52;
	v50 =	vld [tilespmem:s5+$0x7000]  }
0x32e: {  	v0 =	vadd.f32 v0, v40;
	v53 =	vld [tilespmem:s5+$0xF000];
	v37 =	vmul.f32 v37, v45  }
0x32f: {  	v40 =	vsub.f32 v61, v6;
	v54 =	vld [tilespmem:s5+$0x7080];
	v1 =	vadd.f32 v59, v1  }
0x330: {  	v2 =	vadd.f32 v55, v2;
	v55 =	vld [tilespmem:s5+$0xF080];
	v37 =	vadd.f32 v37, v46  }
0x331: {  	v39 =	vadd.f32 v56, v39;
	v56 =	vld [tilespmem:s5+$0x7100];
	v1 =	vsub.f32 v1, v8  }
0x332: {  	s24 =	sor.u32 $0x380, s26;
	v62 =	vadd.f32 v58, v57;
	v40 =	vmul.f32 v40, v7;
	v51 =	vld [tilespmem:s5+$0xF100];
	[tilespmem:s9+$0x19000] =	vst v37  }
0x333: {  	v0 =	vadd.f32 v60, v0;
	v1 =	vmul.f32 v1, v9;
	v38 =	vld [tilespmem:s24+$0x5000]  }
0x334: {  	v40 =	vmul.f32 v40, v30;
	v39 =	vadd.f32 v63, v39;
	v63 =	vadd.f32 v44, v62;
	v44 =	vld [tilespmem:s24+$0xD000]  }
0x335: {  	v2 =	vsub.f32 v2, v10;
	v57 =	vld [tilespmem:s5+$0x7180];
	v1 =	vmul.f32 v1, v30  }
0x336: {  	v0 =	vsub.f32 v0, v12;
	v40 =	vadd.f32 v40, v5;
	v49 =	vld [tilespmem:s24+$0x11000]  }
0x337: {  	v2 =	vmul.f32 v2, v11;
	v60 =	vld [tilespmem:s5+$0x7200];
	v1 =	vadd.f32 v1, v5  }
0x338: {  	v0 =	vmul.f32 v0, v13;
	v39 =	vsub.f32 v39, v14;
	[tilespmem:s23+$0x19000] =	vst v40;
	v40 =	vld [tilespmem:s5+$0xF200]  }
0x339: {  	v2 =	vmul.f32 v2, v30;
	v41 =	vld [tilespmem:s5+$0x7280];
	[tilespmem:s23+$0x19080] =	vst v1;
	v1 =	vadd.f32 v44, v38  }
0x33a: {  	v0 =	vmul.f32 v0, v30;
	v43 =	vld [tilespmem:s5+$0x13000];
	v39 =	vmul.f32 v39, v15;
	v37 =	vsub.f32 v63, v16  }
0x33b: {  	v2 =	vadd.f32 v2, v5;
	v62 =	vld [tilespmem:s5+$0x13100];
	v1 =	vadd.f32 v49, v1  }
0x33c: {  	v59 =	vld [tilespmem:s5+$0xF180];
	v0 =	vadd.f32 v0, v5;
	v39 =	vmul.f32 v39, v30;
	v37 =	vmul.f32 v37, v17  }
0x33d: {  	[tilespmem:s23+$0x19100] =	vst v2;
	v2 =	vld [tilespmem:s5+$0xF280];
	v1 =	vsub.f32 v1, v35  }
0x33e: {  	[tilespmem:s23+$0x19180] =	vst v0;
	v0 =	vld [tilespmem:s5+$0x13200];
	v63 =	vadd.f32 v39, v5;
	v37 =	vmul.f32 v37, v30  }
0x33f: {  	v39 =	vld [tilespmem:s5+$0x13080];
	v1 =	vmul.f32 v1, v36  }
0x340: {  	[tilespmem:s23+$0x19200] =	vst v63;
	v63 =	vld [tilespmem:s5+$0x13180];
	v37 =	vadd.f32 v37, v5  }
0x341: {  	s2 =	simm.s32 $0x1D440;
	v44 =	vadd.f32 v55, v54;
	v54 =	vld [tilespmem:s5+$0x13280];
	v1 =	vmul.f32 v1, v45  }
0x342: {  	s25 =	sor.u32 $0x300, s13;
	[tilespmem:s23+$0x19280] =	vst v37;
	v37 =	vld [tilespmem:s2+$0x0]  }
0x343: {  	v52 =	vld [tilespmem:s25+$0x5000];
	v1 =	vadd.f32 v1, v46  }
0x344: {  	v58 =	vld [tilespmem:s25+$0xD000]  }
0x345: {  	v50 =	vadd.f32 v53, v50;
	v61 =	vld [tilespmem:s25+$0x11000];
	[tilespmem:s24+$0x19000] =	vst v1  }
0x346: {  	v1 =	vadd.f32 v40, v60;
	v40 =	vld [tilespmem:s12+$0x13000]  }
0x347: {  	v38 =	vadd.f32 v43, v50;
	v53 =	vld [tilespmem:s12+$0x13080]  }
0x348: {  	v51 =	vadd.f32 v51, v56;
	v39 =	vadd.f32 v39, v44;
	v44 =	vld [tilespmem:s12+$0x7000]  }
0x349: {  	v2 =	vadd.f32 v2, v41;
	v38 =	vsub.f32 v38, v29;
	v42 =	vld [tilespmem:s12+$0xF000]  }
0x34a: {  	v51 =	vadd.f32 v62, v51;
	v43 =	vld [tilespmem:s12+$0x7080]  }
0x34b: {  	v38 =	vmul.f32 v38, v19;
	v2 =	vadd.f32 v54, v2;
	v60 =	vadd.f32 v58, v52;
	v54 =	vld [tilespmem:s12+$0x7100]  }
0x34c: {  	v59 =	vadd.f32 v59, v57;
	v57 =	vld [tilespmem:s12+$0xF100]  }
0x34d: {  	v51 =	vsub.f32 v51, v22;
	v38 =	vmul.f32 v38, v3;
	v58 =	vld [tilespmem:s12+$0x7180];
	v50 =	vadd.f32 v61, v60  }
0x34e: {  	v55 =	vadd.f32 v63, v59;
	v39 =	vsub.f32 v39, v25;
	v59 =	vld [tilespmem:s12+$0xF180]  }
0x34f: {  	v51 =	vmul.f32 v51, v18;
	v38 =	vadd.f32 v38, v4;
	v62 =	vld [tilespmem:s12+$0x7280];
	v50 =	vsub.f32 v50, v31  }
0x350: {  	v55 =	vsub.f32 v55, v23;
	v39 =	vmul.f32 v39, v20;
	v63 =	vld [tilespmem:s12+$0xF280];
	v0 =	vadd.f32 v0, v1  }
0x351: {  	v51 =	vmul.f32 v51, v3;
	v2 =	vsub.f32 v2, v28;
	[tilespmem:s5+$0x1B000] =	vst v38;
	v38 =	vld [tilespmem:s12+$0x13100];
	v50 =	vmul.f32 v50, v32  }
0x352: {  	v55 =	vmul.f32 v55, v21;
	v39 =	vmul.f32 v39, v3;
	v41 =	vld [tilespmem:s12+$0x13180];
	v0 =	vsub.f32 v0, v27  }
0x353: {  	v51 =	vadd.f32 v51, v4;
	v2 =	vmul.f32 v2, v26;
	v1 =	vld [tilespmem:s12+$0xF080];
	v50 =	vmul.f32 v50, v30  }
0x354: {  	v55 =	vmul.f32 v55, v3;
	v39 =	vadd.f32 v39, v4;
	v49 =	vld [tilespmem:s12+$0x13200];
	v0 =	vmul.f32 v0, v24  }
0x355: {  	[tilespmem:s5+$0x1B100] =	vst v51;
	v2 =	vmul.f32 v2, v3;
	v60 =	vld [tilespmem:s12+$0x7200];
	v44 =	vadd.f32 v42, v44;
	v50 =	vadd.f32 v50, v5  }
0x356: {  	s20 =	sor.u32 s20, s21;
	v55 =	vadd.f32 v55, v4;
	[tilespmem:s5+$0x1B080] =	vst v39;
	v61 =	vld [tilespmem:s12+$0xF200];
	v0 =	vmul.f32 v0, v3  }
0x357: {  	s0 =	sor.u32 $0x380, s20;
	v2 =	vadd.f32 v2, v4;
	v39 =	vadd.f32 v40, v44;
	v44 =	vld [tilespmem:s12+$0x13280];
	[tilespmem:s25+$0x19000] =	vst v50  }
0x358: {  	[tilespmem:s5+$0x1B180] =	vst v55;
	v1 =	vadd.f32 v1, v43;
	v0 =	vadd.f32 v0, v4;
	v52 =	vld [tilespmem:s0+$0x5000]  }
0x359: {  	s28 =	simm.s32 $0x40;
	s29 =	simm.s32 $0x200;
	[tilespmem:s5+$0x1B280] =	vst v2;
	v55 =	vld [tilespmem:s0+$0xD000]  }
0x35a: {  	s21 =	sor.u32 $0x2300, s10;
	s4 =	sand.u32 $0x1C00, s29;
	s3 =	sand.u32 $0x60, s28;
	v1 =	vadd.f32 v53, v1;
	[tilespmem:s5+$0x1B200] =	vst v0;
	v53 =	vld [tilespmem:s0+$0x11000]  }
0x35b: {  	v50 =	vadd.f32 v57, v54;
	v54 =	vadd.f32 v59, v58;
	s25 =	sor.u32 s3, s4;
	v51 =	vld [tilespmem:s21+$0x5000]  }
0x35c: {  	v47 =	vadd.f32 v48, v47;
	v48 =	vld [tilespmem:s25+$0xD280]  }
0x35d: {  	v61 =	vadd.f32 v61, v60;
	s5 =	sor.u32 $0x10, s3;
	v2 =	vadd.f32 v41, v54;
	v54 =	vld [tilespmem:s21+$0xD000]  }
0x35e: {  	v0 =	vsub.f32 v39, v29;
	s24 =	sor.u32 s5, s4;
	v38 =	vadd.f32 v38, v50;
	v50 =	vld [tilespmem:s21+$0x11000]  }
0x35f: {  	v60 =	vadd.f32 v63, v62;
	v1 =	vsub.f32 v1, v25;
	v56 =	vld [tilespmem:s24+$0x11000]  }
0x360: {  	v61 =	vadd.f32 v49, v61;
	v0 =	vmul.f32 v0, v19;
	v57 =	vld [tilespmem:s24+$0x11080];
	v38 =	vsub.f32 v38, v22  }
0x361: {  	v1 =	vmul.f32 v1, v20;
	v62 =	vadd.f32 v44, v60;
	v58 =	vld [tilespmem:s24+$0x5000];
	v2 =	vsub.f32 v2, v23  }
0x362: {  	v39 =	vsub.f32 v61, v27;
	v43 =	vld [tilespmem:s24+$0xD000];
	v0 =	vmul.f32 v0, v45;
	v63 =	vmul.f32 v38, v18  }
0x363: {  	v42 =	vld [tilespmem:s24+$0x5080];
	v1 =	vmul.f32 v1, v45;
	v40 =	vsub.f32 v62, v28;
	v2 =	vmul.f32 v2, v21  }
0x364: {  	v39 =	vmul.f32 v39, v24;
	v60 =	vld [tilespmem:s24+$0x5180];
	v0 =	vadd.f32 v0, v46;
	v41 =	vmul.f32 v63, v45  }
0x365: {  	v59 =	vld [tilespmem:s24+$0xD200];
	v1 =	vadd.f32 v1, v46;
	v40 =	vmul.f32 v40, v26;
	v2 =	vmul.f32 v2, v45  }
0x366: {  	v61 =	vld [tilespmem:s24+$0xD280];
	v39 =	vmul.f32 v39, v45;
	[tilespmem:s12+$0x1B000] =	vst v0;
	v0 =	vadd.f32 v41, v46  }
0x367: {  	s10 =	simm.s32 $0x1D040;
	v62 =	vld [tilespmem:s24+$0xD180];
	[tilespmem:s12+$0x1B080] =	vst v1;
	v1 =	vadd.f32 v2, v46;
	v2 =	vmul.f32 v40, v45  }
0x368: {  	v38 =	vld [tilespmem:s10+$0x0];
	[tilespmem:s12+$0x1B100] =	vst v0;
	v0 =	vadd.f32 v39, v46  }
0x369: {  	v43 =	vadd.f32 v43, v58;
	v58 =	vld [tilespmem:s24+$0x11180];
	[tilespmem:s12+$0x1B180] =	vst v1;
	v1 =	vadd.f32 v2, v46  }
0x36a: {  	v51 =	vadd.f32 v54, v51;
	v54 =	vld [tilespmem:s25+$0x11080];
	[tilespmem:s12+$0x1B200] =	vst v0  }
0x36b: {  	s9 =	sor.u32 $0x2300, s26;
	v63 =	vld [tilespmem:s24+$0x5200];
	[tilespmem:s12+$0x1B280] =	vst v1  }
0x36c: {  	v1 =	vld [tilespmem:s9+$0x5000]  }
0x36d: {  	v44 =	vld [tilespmem:s9+$0xD000]  }
0x36e: {  	v41 =	vld [tilespmem:s24+$0xD080]  }
0x36f: {  	v49 =	vld [tilespmem:s9+$0x11000]  }
0x370: {  	v40 =	vld [tilespmem:s24+$0x5100]  }
0x371: {  	v39 =	vld [tilespmem:s24+$0xD100]  }
0x372: {  	v60 =	vadd.f32 v62, v60;
	v62 =	vld [tilespmem:s24+$0x11200];
	v1 =	vadd.f32 v44, v1  }
0x373: {  	v2 =	vld [tilespmem:s24+$0x11100];
	v41 =	vadd.f32 v41, v42  }
0x374: {  	v43 =	vadd.f32 v56, v43;
	v0 =	vld [tilespmem:s24+$0x5280];
	s12 =	sand.u32 $0x380, s28;
	v1 =	vadd.f32 v49, v1  }
0x375: {  	v56 =	vld [tilespmem:s24+$0x11280];
	v58 =	vadd.f32 v58, v60;
	s1 =	sor.u32 s12, s5;
	v41 =	vadd.f32 v57, v41  }
0x376: {  	v40 =	vadd.f32 v39, v40;
	v39 =	vld [tilespmem:s1+$0x1D000];
	v1 =	vsub.f32 v1, v33  }
0x377: {  	v60 =	vld [tilespmem:s25+$0x5080];
	v59 =	vadd.f32 v59, v63;
	v41 =	vsub.f32 v41, v8  }
0x378: {  	v58 =	vsub.f32 v58, v12;
	v2 =	vadd.f32 v2, v40;
	v40 =	vld [tilespmem:s1+$0x1D400];
	v1 =	vmul.f32 v1, v34  }
0x379: {  	v59 =	vadd.f32 v62, v59;
	v62 =	vld [tilespmem:s25+$0x5100];
	v0 =	vadd.f32 v61, v0;
	v41 =	vmul.f32 v41, v9  }
0x37a: {  	v43 =	vsub.f32 v43, v6;
	v42 =	vld [tilespmem:s25+$0x5200];
	v1 =	vmul.f32 v1, v45  }
0x37b: {  	v58 =	vmul.f32 v58, v13;
	v57 =	vld [tilespmem:s25+$0xD000];
	v0 =	vadd.f32 v56, v0;
	v41 =	vmul.f32 v41, v39  }
0x37c: {  	v43 =	vmul.f32 v43, v7;
	v44 =	vld [tilespmem:s25+$0xD100];
	v2 =	vsub.f32 v2, v10;
	v1 =	vadd.f32 v1, v46  }
0x37d: {  	v56 =	vld [tilespmem:s25+$0xD080];
	v58 =	vmul.f32 v58, v39;
	v0 =	vsub.f32 v0, v16;
	v41 =	vadd.f32 v41, v40  }
0x37e: {  	v49 =	vld [tilespmem:s25+$0x5000];
	v2 =	vmul.f32 v2, v11;
	[tilespmem:s9+$0x19000] =	vst v1;
	v1 =	vmul.f32 v43, v39;
	v43 =	vsub.f32 v59, v14  }
0x37f: {  	s3 =	sor.u32 $0x2380, s26;
	v52 =	vadd.f32 v55, v52;
	v0 =	vmul.f32 v0, v17;
	[tilespmem:s24+$0x19080] =	vst v41;
	v41 =	vadd.f32 v58, v40;
	v58 =	vld [tilespmem:s25+$0x5180]  }
0x380: {  	v2 =	vmul.f32 v2, v39;
	v59 =	vld [tilespmem:s3+$0x5000];
	v1 =	vadd.f32 v1, v40;
	v43 =	vmul.f32 v43, v15  }
0x381: {  	v52 =	vadd.f32 v53, v52;
	s5 =	simm.s32 $0x2;
	v0 =	vmul.f32 v0, v39;
	[tilespmem:s24+$0x19180] =	vst v41;
	v61 =	vld [tilespmem:s3+$0xD000]  }
0x382: {  	s26 =	sand.u32 $0x3, s5;
	v41 =	vld [tilespmem:s25+$0xD200];
	[tilespmem:s24+$0x19000] =	vst v1;
	v1 =	vadd.f32 v2, v40;
	v2 =	vmul.f32 v43, v39  }
0x383: {  	v52 =	vsub.f32 v52, v35;
	s1 =	sshll.u32 s26, $0x5;
	v0 =	vadd.f32 v0, v40;
	v63 =	vld [tilespmem:s3+$0x11000]  }
0x384: {  	s2 =	sadd.s32 $0x200, s1;
	v43 =	vld [tilespmem:s25+$0xD180];
	[tilespmem:s24+$0x19100] =	vst v1;
	v1 =	vadd.f32 v2, v40  }
0x385: {  	v52 =	vmul.f32 v52, v36;
	s26 =	sadd.s32 $0x10, s2;
	[tilespmem:s24+$0x19280] =	vst v0;
	v2 =	vld [tilespmem:s25+$0x5280]  }
0x386: {  	s12 =	sor.u32 $0x300, s26;
	v61 =	vadd.f32 v61, v59;
	v59 =	vld [tilespmem:s25+$0x11180];
	[tilespmem:s24+$0x19200] =	vst v1  }
0x387: {  	v52 =	vmul.f32 v52, v30;
	v53 =	vld [tilespmem:s12+$0x5000]  }
0x388: {  	v55 =	vld [tilespmem:s12+$0xD000]  }
0x389: {  	v52 =	vadd.f32 v52, v5;
	v0 =	vld [tilespmem:s12+$0x11000]  }
0x38a: {  	v1 =	vld [tilespmem:$0x1FF30]  }
0x38b: {  	[tilespmem:s0+$0x19000] =	vst v52;
	v52 =	vld [tilespmem:s25+$0x11280]  }
0x38c: {  	v56 =	vadd.f32 v56, v60;
	v49 =	vadd.f32 v57, v49;
	v60 =	vld [tilespmem:s23+$0x7000]  }
0x38d: {  	v57 =	vadd.f32 v63, v61;
	v43 =	vadd.f32 v43, v58;
	v63 =	vld [tilespmem:$0x1FF40]  }
0x38e: {  	v61 =	vadd.f32 v54, v56;
	v54 =	vld [tilespmem:s23+$0x7080];
	v53 =	vadd.f32 v55, v53  }
0x38f: {  	v43 =	vadd.f32 v59, v43;
	v47 =	vadd.f32 v1, v47;
	v1 =	vld [tilespmem:s25+$0x11000]  }
0x390: {  	v55 =	vld [tilespmem:s25+$0x11100];
	v0 =	vadd.f32 v0, v53  }
0x391: {  	v44 =	vadd.f32 v44, v62;
	v62 =	vld [tilespmem:$0x1FF50];
	v43 =	vsub.f32 v43, v12  }
0x392: {  	v56 =	vld [tilespmem:s23+$0x7100];
	v0 =	vsub.f32 v0, v31  }
0x393: {  	v50 =	vadd.f32 v50, v51;
	v58 =	vadd.f32 v41, v42;
	v43 =	vmul.f32 v43, v13;
	v53 =	vld [tilespmem:s25+$0x11200]  }
0x394: {  	v51 =	vld [tilespmem:s23+$0x13000];
	v2 =	vadd.f32 v48, v2;
	v1 =	vadd.f32 v1, v49;
	v0 =	vmul.f32 v0, v32  }
0x395: {  	v48 =	vld [tilespmem:s23+$0xF000];
	v43 =	vmul.f32 v43, v38;
	v44 =	vadd.f32 v55, v44;
	v49 =	vsub.f32 v61, v8  }
0x396: {  	v59 =	vld [tilespmem:s23+$0xF180];
	v2 =	vadd.f32 v52, v2;
	v1 =	vsub.f32 v1, v6;
	v0 =	vmul.f32 v0, v39  }
0x397: {  	v52 =	vld [tilespmem:s23+$0x7180];
	v43 =	vadd.f32 v43, v37;
	v44 =	vsub.f32 v44, v10;
	v49 =	vmul.f32 v49, v9  }
0x398: {  	v55 =	vld [tilespmem:s23+$0xF080];
	v53 =	vadd.f32 v53, v58;
	v1 =	vmul.f32 v1, v7;
	v0 =	vadd.f32 v0, v40  }
0x399: {  	v2 =	vsub.f32 v2, v16;
	v58 =	vld [tilespmem:s23+$0xF100];
	[tilespmem:s25+$0x19180] =	vst v43;
	v44 =	vmul.f32 v44, v11;
	v49 =	vmul.f32 v49, v38  }
0x39a: {  	s4 =	sor.u32 $0x380, s26;
	v41 =	vbroadcast v63, $0xF;
	v43 =	vld [tilespmem:s23+$0xF280];
	v53 =	vsub.f32 v53, v14;
	v1 =	vmul.f32 v1, v38;
	[tilespmem:s12+$0x19000] =	vst v0  }
0x39b: {  	v2 =	vmul.f32 v2, v17;
	v44 =	vmul.f32 v44, v38;
	v49 =	vadd.f32 v49, v37;
	v61 =	vld [tilespmem:s4+$0x5000]  }
0x39c: {  	v42 =	vbroadcast v62, $0xF;
	v53 =	vmul.f32 v53, v15;
	v1 =	vadd.f32 v1, v37;
	v62 =	vld [tilespmem:s4+$0xD000]  }
0x39d: {  	v2 =	vmul.f32 v2, v38;
	v0 =	vld [tilespmem:s23+$0x7200];
	v44 =	vadd.f32 v44, v37;
	[tilespmem:s25+$0x19080] =	vst v49  }
0x39e: {  	v63 =	vsub.f32 v57, v41;
	v57 =	vld [tilespmem:s4+$0x11000];
	[tilespmem:s25+$0x19000] =	vst v1;
	v1 =	vsub.f32 v47, v41;
	v47 =	vmul.f32 v53, v38  }
0x39f: {  	v2 =	vadd.f32 v2, v37;
	v53 =	vld [tilespmem:s23+$0xF200];
	[tilespmem:s25+$0x19100] =	vst v44  }
0x3a0: {  	v49 =	vmul.f32 v63, v42;
	v63 =	vld [tilespmem:$0x1FF60];
	v47 =	vadd.f32 v47, v37  }
0x3a1: {  	v44 =	vld [tilespmem:s23+$0x7280];
	[tilespmem:s25+$0x19280] =	vst v2;
	v62 =	vadd.f32 v62, v61  }
0x3a2: {  	s0 =	sor.u32 $0x300, s2;
	v2 =	vld [tilespmem:s23+$0x13080];
	[tilespmem:s25+$0x19200] =	vst v47;
	v47 =	vsub.f32 v50, v33  }
0x3a3: {  	v1 =	vmul.f32 v1, v42;
	v61 =	vadd.f32 v57, v62;
	v57 =	vld [tilespmem:s0+$0x5000]  }
0x3a4: {  	v45 =	vmul.f32 v49, v45;
	v62 =	vadd.f32 v48, v60;
	v48 =	vld [tilespmem:s0+$0xD000];
	v47 =	vmul.f32 v47, v34  }
0x3a5: {  	v59 =	vadd.f32 v59, v52;
	v50 =	vadd.f32 v55, v54;
	v1 =	vmul.f32 v1, v63;
	v63 =	vld [tilespmem:$0x1FF70]  }
0x3a6: {  	v45 =	vadd.f32 v45, v46;
	v54 =	vld [tilespmem:s0+$0x11000];
	v49 =	vsub.f32 v61, v35;
	v47 =	vmul.f32 v47, v3  }
0x3a7: {  	v60 =	vld [tilespmem:s23+$0x13100];
	v2 =	vadd.f32 v2, v50;
	v46 =	vadd.f32 v51, v62  }
0x3a8: {  	v58 =	vadd.f32 v58, v56;
	v61 =	vld [tilespmem:s23+$0x13180];
	v49 =	vmul.f32 v49, v36;
	v47 =	vadd.f32 v47, v4  }
0x3a9: {  	v50 =	vld [tilespmem:s23+$0x13200];
	v2 =	vsub.f32 v2, v25;
	v46 =	vsub.f32 v46, v29  }
0x3aa: {  	s11 =	sor.u32 $0x2380, s11;
	v51 =	vld [tilespmem:s23+$0x13280];
	v1 =	vadd.f32 v1, v63;
	v63 =	vadd.f32 v48, v57;
	v49 =	vmul.f32 v49, v39;
	[tilespmem:s21+$0x19000] =	vst v47  }
0x3ab: {  	v48 =	vadd.f32 v43, v44;
	s21 =	sor.u32 s28, s29;
	v47 =	vadd.f32 v53, v0;
	v0 =	vmul.f32 v46, v19;
	v43 =	vld [tilespmem:s11+$0x5000]  }
0x3ac: {  	s30 =	sor.u32 $0x2300, s13;
	s12 =	sor.u32 $0x2380, s20;
	[tilespmem:s3+$0x19000] =	vst v45;
	v52 =	vmul.f32 v2, v20;
	s20 =	sor.u32 $0x380, s21;
	v56 =	vadd.f32 v54, v63;
	v55 =	vadd.f32 v49, v40;
	v44 =	vld [tilespmem:s11+$0xD000]  }
0x3ad: {  	v53 =	vadd.f32 v61, v59;
	[tilespmem:s7+$0x19000] =	vst v1;
	s13 =	sor.u32 $0x2380, s21;
	s7 =	sor.u32 $0x2300, s2;
	s21 =	simm.s32 $0x1D460;
	v54 =	vadd.f32 v60, v58;
	v45 =	vld [tilespmem:s11+$0x11000];
	v49 =	vmul.f32 v0, v30  }
.LBB2_5:
0x3ae: {  	v46 =	vld [tilespmem:s21+$0x0];
	v0 =	vsub.f32 v56, v31;
	[tilespmem:s4+$0x19000] =	vst v55;
	v1 =	vmul.f32 v52, v30;
	v2 =	vadd.f32 v50, v47  }
0x3af: {  	v47 =	vld [tilespmem:s24+$0x13000];
	v50 =	vsub.f32 v54, v22;
	v48 =	vadd.f32 v51, v48  }
0x3b0: {  	v52 =	vsub.f32 v53, v23;
	v0 =	vmul.f32 v0, v32;
	v51 =	vld [tilespmem:s24+$0x13080];
	v2 =	vsub.f32 v2, v27  }
0x3b1: {  	v49 =	vadd.f32 v49, v5;
	v53 =	vld [tilespmem:s24+$0x7000];
	v50 =	vmul.f32 v50, v18;
	v48 =	vsub.f32 v48, v28  }
0x3b2: {  	v1 =	vadd.f32 v1, v5;
	v52 =	vmul.f32 v52, v21;
	v0 =	vmul.f32 v0, v38;
	v54 =	vld [tilespmem:s24+$0xF000]  }
0x3b3: {  	v43 =	vadd.f32 v44, v43;
	v2 =	vmul.f32 v2, v24;
	v55 =	vld [tilespmem:s24+$0x7080];
	[tilespmem:s23+$0x1B000] =	vst v49;
	v48 =	vmul.f32 v48, v26  }
0x3b4: {  	v49 =	vmul.f32 v52, v30;
	v0 =	vadd.f32 v0, v37;
	v44 =	vld [tilespmem:s24+$0xF080];
	[tilespmem:s23+$0x1B080] =	vst v1;
	v1 =	vmul.f32 v50, v30  }
0x3b5: {  	v43 =	vadd.f32 v45, v43;
	v2 =	vmul.f32 v2, v30;
	v50 =	vld [tilespmem:s24+$0x7100];
	v48 =	vmul.f32 v48, v30  }
0x3b6: {  	v45 =	vadd.f32 v49, v5;
	[tilespmem:s0+$0x19000] =	vst v0;
	v0 =	vld [tilespmem:s24+$0xF100];
	v1 =	vadd.f32 v1, v5  }
0x3b7: {  	v2 =	vadd.f32 v2, v5;
	v49 =	vld [tilespmem:s24+$0x7180];
	v48 =	vadd.f32 v48, v5  }
0x3b8: {  	v52 =	vld [tilespmem:s24+$0xF180];
	[tilespmem:s23+$0x1B100] =	vst v1;
	v1 =	vsub.f32 v43, v41  }
0x3b9: {  	v43 =	vld [tilespmem:s24+$0x7200];
	[tilespmem:s23+$0x1B180] =	vst v45  }
0x3ba: {  	v45 =	vld [tilespmem:s24+$0xF200];
	[tilespmem:s23+$0x1B200] =	vst v2;
	v1 =	vmul.f32 v1, v42  }
0x3bb: {  	v2 =	vld [tilespmem:s24+$0x7280];
	[tilespmem:s23+$0x1B280] =	vst v48;
	s23 =	smov.u32 s25  }
0x3bc: {  	v48 =	vld [tilespmem:s24+$0xF280];
	v1 =	vmul.f32 v1, v3;
	v3 =	vmov v30;
	v30 =	vmov v38  }
0x3bd: {  	v38 =	vld [tilespmem:s24+$0x13100]  }
0x3be: {  	v53 =	vadd.f32 v54, v53;
	v44 =	vadd.f32 v44, v55;
	v54 =	vld [tilespmem:s24+$0x13180]  }
0x3bf: {  	v0 =	vadd.f32 v0, v50;
	v49 =	vadd.f32 v52, v49;
	v50 =	vld [tilespmem:s24+$0x13200]  }
0x3c0: {  	v47 =	vadd.f32 v47, v53;
	v43 =	vadd.f32 v45, v43;
	v45 =	vld [tilespmem:s24+$0x13280]  }
0x3c1: {  	v44 =	vadd.f32 v51, v44;
	v52 =	vld [tilespmem:s20+$0x5000];
	v2 =	vadd.f32 v48, v2  }
0x3c2: {  	v47 =	vsub.f32 v47, v29;
	v48 =	vld [tilespmem:s20+$0xD000];
	v0 =	vadd.f32 v38, v0  }
0x3c3: {  	v38 =	vsub.f32 v44, v25;
	v51 =	vld [tilespmem:s20+$0x11000];
	v44 =	vadd.f32 v54, v49  }
0x3c4: {  	s28 =	sadd.s32 $0x20, s28;
	s10 =	sadd.s32 $0x20, s10;
	v47 =	vmul.f32 v47, v19;
	v0 =	vsub.f32 v0, v22;
	v43 =	vadd.f32 v50, v43;
	v49 =	vld [tilespmem:s30+$0x5000]  }
0x3c5: {  	s29 =	sadd.s32 $0x100, s29;
	s1 =	sand.u32 $0x60, s28;
	p0 =	slt.u32 s28, $0x3E0;
	v50 =	vmul.f32 v38, v20;
	v44 =	vsub.f32 v44, v23;
	v2 =	vadd.f32 v45, v2;
	v45 =	vld [tilespmem:s30+$0xD000]  }
0x3c6: {  	s3 =	sand.u32 $0x1C00, s29;
	s9 =	sor.u32 s28, s29;
	s0 =	sor.u32 $0x10, s1;
	v47 =	vmul.f32 v47, v39;
	v0 =	vmul.f32 v0, v18;
	v43 =	vsub.f32 v43, v27;
	v53 =	vld [tilespmem:s30+$0x11000]  }
0x3c7: {  	s4 =	sor.u32 $0x380, s9;
	s25 =	sor.u32 s1, s3;
	s1 =	sor.u32 s0, s3;
	v50 =	vmul.f32 v50, v39;
	v38 =	vld [tilespmem:s10+$0x0];
	v44 =	vmul.f32 v44, v21;
	v2 =	vsub.f32 v2, v28  }
0x3c8: {  	s9 =	sor.u32 $0x2380, s9;
	v47 =	vadd.f32 v47, v40;
	v54 =	vld [tilespmem:s1+$0x11000];
	v0 =	vmul.f32 v0, v39;
	v43 =	vmul.f32 v43, v24  }
0x3c9: {  	v50 =	vadd.f32 v50, v40;
	v55 =	vld [tilespmem:s1+$0x11080];
	v44 =	vmul.f32 v44, v39;
	v2 =	vmul.f32 v2, v26  }
0x3ca: {  	v48 =	vadd.f32 v48, v52;
	v56 =	vld [tilespmem:s1+$0x5000];
	[tilespmem:s24+$0x1B000] =	vst v47;
	v0 =	vadd.f32 v0, v40;
	v43 =	vmul.f32 v43, v39  }
0x3cb: {  	v45 =	vadd.f32 v45, v49;
	v47 =	vld [tilespmem:s1+$0xD000];
	[tilespmem:s24+$0x1B080] =	vst v50;
	v44 =	vadd.f32 v44, v40;
	v2 =	vmul.f32 v2, v39  }
0x3cc: {  	v48 =	vadd.f32 v51, v48;
	v49 =	vld [tilespmem:s1+$0x5080];
	[tilespmem:s24+$0x1B100] =	vst v0;
	v0 =	vadd.f32 v43, v40  }
0x3cd: {  	v43 =	vld [tilespmem:s1+$0xD080];
	[tilespmem:s24+$0x1B180] =	vst v44;
	v2 =	vadd.f32 v2, v40;
	v44 =	vadd.f32 v53, v45  }
0x3ce: {  	v48 =	vsub.f32 v48, v35;
	v45 =	vld [tilespmem:s1+$0x5100];
	[tilespmem:s24+$0x1B200] =	vst v0;
	v0 =	vadd.f32 v1, v4;
	v4 =	vmovc v5;
	v5 =	vmov v37  }
0x3cf: {  	s3 =	sor.u32 $0x2300, s26;
	v37 =	vmov v46;
	v1 =	vld [tilespmem:s1+$0xD100];
	[tilespmem:s24+$0x1B280] =	vst v2;
	v2 =	vsub.f32 v44, v33;
	s24 =	smov.u32 s1  }
0x3d0: {  	v44 =	vmul.f32 v48, v36;
	v46 =	vld [tilespmem:s3+$0x5000];
	[tilespmem:s11+$0x19000] =	vst v0;
	s11 =	smov.u32 s12;
	s12 =	smov.u32 s13;
	s13 =	smov.u32 s9  }
0x3d1: {  	v0 =	vld [tilespmem:s3+$0xD000];
	v2 =	vmul.f32 v2, v34  }
0x3d2: {  	v44 =	vmul.f32 v44, v30;
	v48 =	vld [tilespmem:s24+$0x5180]  }
0x3d3: {  	v50 =	vld [tilespmem:s3+$0x11000];
	v2 =	vmul.f32 v2, v3  }
0x3d4: {  	v44 =	vadd.f32 v44, v5;
	v51 =	vld [tilespmem:s24+$0xD180]  }
0x3d5: {  	v52 =	vld [tilespmem:s24+$0x5200];
	v2 =	vadd.f32 v2, v4  }
0x3d6: {  	v53 =	vld [tilespmem:s24+$0xD200];
	[tilespmem:s20+$0x19000] =	vst v44;
	v0 =	vadd.f32 v0, v46;
	s20 =	smov.u32 s4  }
0x3d7: {  	v44 =	vld [tilespmem:s24+$0x5280];
	[tilespmem:s30+$0x19000] =	vst v2;
	s30 =	smov.u32 s7  }
0x3d8: {  	v2 =	vld [tilespmem:s24+$0xD280];
	v0 =	vadd.f32 v50, v0  }
0x3d9: {  	v46 =	vld [tilespmem:s24+$0x11100]  }
0x3da: {  	v47 =	vadd.f32 v47, v56;
	v50 =	vld [tilespmem:s24+$0x11180];
	v0 =	vsub.f32 v0, v33  }
0x3db: {  	v43 =	vadd.f32 v43, v49;
	v1 =	vadd.f32 v1, v45;
	v56 =	vld [tilespmem:s25+$0x5000]  }
0x3dc: {  	s1 =	sand.u32 $0x380, s28;
	v45 =	vadd.f32 v51, v48;
	v48 =	vadd.f32 v53, v52;
	v49 =	vld [tilespmem:s24+$0x11200];
	v0 =	vmul.f32 v0, v34  }
0x3dd: {  	s0 =	sor.u32 s1, s0;
	v47 =	vadd.f32 v54, v47;
	v2 =	vadd.f32 v2, v44;
	v44 =	vld [tilespmem:s24+$0x11280]  }
0x3de: {  	v43 =	vadd.f32 v55, v43;
	v51 =	vld [tilespmem:s0+$0x1D000];
	v1 =	vadd.f32 v46, v1;
	v0 =	vmul.f32 v0, v39  }
0x3df: {  	v47 =	vsub.f32 v47, v6;
	v46 =	vld [tilespmem:s25+$0xD000];
	v45 =	vadd.f32 v50, v45  }
0x3e0: {  	v43 =	vsub.f32 v43, v8;
	v50 =	vld [tilespmem:s0+$0x1D400];
	v0 =	vadd.f32 v0, v40  }
0x3e1: {  	v47 =	vmul.f32 v47, v7;
	v1 =	vsub.f32 v1, v10;
	v52 =	vld [tilespmem:s25+$0x5080];
	v48 =	vadd.f32 v49, v48  }
0x3e2: {  	v43 =	vmul.f32 v43, v9;
	v45 =	vsub.f32 v45, v12;
	v49 =	vld [tilespmem:s25+$0xD080];
	v2 =	vadd.f32 v44, v2;
	[tilespmem:s3+$0x19000] =	vst v0;
	s3 =	sor.u32 $0x2380, s26  }
0x3e3: {  	v1 =	vmul.f32 v1, v11;
	v0 =	vmul.f32 v47, v51;
	v44 =	vsub.f32 v48, v14;
	v47 =	vld [tilespmem:s3+$0x5000]  }
0x3e4: {  	v43 =	vmul.f32 v43, v51;
	v45 =	vmul.f32 v45, v13;
	v2 =	vsub.f32 v2, v16;
	v48 =	vld [tilespmem:s3+$0xD000]  }
0x3e5: {  	v1 =	vmul.f32 v1, v51;
	v53 =	vld [tilespmem:s25+$0x5100];
	v0 =	vadd.f32 v0, v50;
	v44 =	vmul.f32 v44, v15  }
0x3e6: {  	v43 =	vadd.f32 v43, v50;
	v45 =	vmul.f32 v45, v51;
	v2 =	vmul.f32 v2, v17;
	v54 =	vld [tilespmem:s3+$0x11000]  }
0x3e7: {  	s5 =	sadd.s32 $0x1, s5;
	v46 =	vadd.f32 v46, v56;
	v55 =	vld [tilespmem:s25+$0xD100];
	[tilespmem:s24+$0x19000] =	vst v0;
	v0 =	vadd.f32 v1, v50;
	v1 =	vmul.f32 v44, v51  }
0x3e8: {  	s0 =	sand.u32 $0x3, s5;
	v44 =	vadd.f32 v49, v52;
	v49 =	vld [tilespmem:s25+$0x5180];
	[tilespmem:s24+$0x19080] =	vst v43;
	v43 =	vadd.f32 v45, v50;
	v2 =	vmul.f32 v2, v51  }
0x3e9: {  	s0 =	sshll.u32 s0, $0x5;
	v45 =	vld [tilespmem:s25+$0xD180];
	[tilespmem:s24+$0x19100] =	vst v0;
	v0 =	vadd.f32 v1, v50;
	v1 =	vadd.f32 v48, v47  }
0x3ea: {  	s1 =	sadd.s32 s0, s29;
	v47 =	vld [tilespmem:s25+$0x5200];
	[tilespmem:s24+$0x19180] =	vst v43;
	v2 =	vadd.f32 v2, v50  }
0x3eb: {  	s0 =	sor.u32 $0x300, s1;
	s7 =	sor.u32 $0x2300, s1;
	s26 =	sadd.s32 $0x10, s1;
	v43 =	vld [tilespmem:s25+$0xD200];
	[tilespmem:s24+$0x19200] =	vst v0;
	v0 =	vadd.f32 v54, v1  }
0x3ec: {  	s4 =	sor.u32 $0x300, s26;
	v1 =	vadd.f32 v55, v53;
	v48 =	vld [tilespmem:s25+$0x5280];
	[tilespmem:s24+$0x19280] =	vst v2  }
0x3ed: {  	v2 =	vld [tilespmem:s4+$0x5000];
	v0 =	vsub.f32 v0, v41  }
0x3ee: {  	v45 =	vadd.f32 v45, v49;
	v49 =	vld [tilespmem:s4+$0xD000]  }
0x3ef: {  	v52 =	vld [tilespmem:s25+$0xD280];
	v0 =	vmul.f32 v0, v42  }
0x3f0: {  	v43 =	vadd.f32 v43, v47;
	v47 =	vld [tilespmem:s4+$0x11000]  }
0x3f1: {  	v53 =	vld [tilespmem:s25+$0x11000];
	v0 =	vmul.f32 v0, v39;
	v39 =	vmov v51  }
0x3f2: {  	v51 =	vld [tilespmem:s25+$0x11080]  }
0x3f3: {  	v54 =	vld [tilespmem:s25+$0x11100];
	v2 =	vadd.f32 v49, v2;
	v0 =	vadd.f32 v0, v40;
	v40 =	vmov v50  }
0x3f4: {  	v49 =	vld [tilespmem:s25+$0x11180];
	v48 =	vadd.f32 v52, v48  }
0x3f5: {  	v50 =	vld [tilespmem:s25+$0x11200];
	v2 =	vadd.f32 v47, v2;
	[tilespmem:s3+$0x19000] =	vst v0  }
0x3f6: {  	v0 =	vadd.f32 v53, v46;
	v46 =	vld [tilespmem:s25+$0x11280]  }
0x3f7: {  	v44 =	vadd.f32 v51, v44;
	v2 =	vsub.f32 v2, v31;
	v47 =	vld [tilespmem:s23+$0x7000]  }
0x3f8: {  	v0 =	vsub.f32 v0, v6;
	v1 =	vadd.f32 v54, v1;
	v51 =	vld [tilespmem:s23+$0xF000]  }
0x3f9: {  	v44 =	vsub.f32 v44, v8;
	v45 =	vadd.f32 v49, v45;
	v2 =	vmul.f32 v2, v32;
	v49 =	vld [tilespmem:s23+$0x7080]  }
0x3fa: {  	v0 =	vmul.f32 v0, v7;
	v1 =	vsub.f32 v1, v10;
	v43 =	vadd.f32 v50, v43;
	v50 =	vld [tilespmem:s23+$0xF080]  }
0x3fb: {  	v45 =	vsub.f32 v45, v12;
	v46 =	vadd.f32 v46, v48;
	v2 =	vmul.f32 v2, v39;
	v48 =	vld [tilespmem:s23+$0x7100]  }
0x3fc: {  	v44 =	vmul.f32 v44, v9;
	v1 =	vmul.f32 v1, v11;
	v43 =	vsub.f32 v43, v14;
	v52 =	vld [tilespmem:s23+$0xF100]  }
0x3fd: {  	v45 =	vmul.f32 v45, v13;
	v46 =	vsub.f32 v46, v16;
	v2 =	vadd.f32 v2, v40;
	v53 =	vld [tilespmem:s23+$0x7180]  }
0x3fe: {  	v0 =	vmul.f32 v0, v38;
	v51 =	vadd.f32 v51, v47;
	v43 =	vmul.f32 v43, v15;
	v47 =	vld [tilespmem:s23+$0xF180]  }
0x3ff: {  	v44 =	vmul.f32 v44, v38;
	v46 =	vmul.f32 v46, v17;
	[tilespmem:s4+$0x19000] =	vst v2;
	s4 =	sor.u32 $0x380, s26;
	v2 =	vadd.f32 v50, v49;
	v49 =	vld [tilespmem:s23+$0x7200]  }
0x400: {  	v0 =	vadd.f32 v0, v37;
	v1 =	vmul.f32 v1, v38;
	v45 =	vmul.f32 v45, v38;
	v50 =	vld [tilespmem:s4+$0x5000]  }
0x401: {  	v44 =	vadd.f32 v44, v37;
	v43 =	vmul.f32 v43, v38;
	v46 =	vmul.f32 v46, v38;
	v54 =	vld [tilespmem:s4+$0xD000]  }
0x402: {  	[tilespmem:s25+$0x19000] =	vst v0;
	v0 =	vadd.f32 v1, v37;
	v1 =	vadd.f32 v45, v37;
	v45 =	vld [tilespmem:s23+$0xF200]  }
0x403: {  	v43 =	vadd.f32 v43, v37;
	[tilespmem:s25+$0x19080] =	vst v44;
	v44 =	vadd.f32 v46, v37;
	v46 =	vld [tilespmem:s4+$0x11000]  }
0x404: {  	v53 =	vadd.f32 v47, v53;
	[tilespmem:s25+$0x19100] =	vst v0;
	v0 =	vadd.f32 v52, v48;
	v48 =	vld [tilespmem:s23+$0x7280]  }
0x405: {  	[tilespmem:s25+$0x19180] =	vst v1;
	v1 =	vld [tilespmem:s23+$0xF280]  }
0x406: {  	[tilespmem:s25+$0x19200] =	vst v43;
	v43 =	vadd.f32 v54, v50;
	v50 =	vld [tilespmem:s23+$0x13000]  }
0x407: {  	[tilespmem:s25+$0x19280] =	vst v44;
	v44 =	vld [tilespmem:s23+$0x13080];
	v47 =	vadd.f32 v45, v49  }
0x408: {  	v45 =	vld [tilespmem:s0+$0x5000];
	v43 =	vadd.f32 v46, v43  }
0x409: {  	v46 =	vld [tilespmem:s0+$0xD000]  }
0x40a: {  	v49 =	vld [tilespmem:s0+$0x11000];
	v43 =	vsub.f32 v43, v35;
	v48 =	vadd.f32 v1, v48  }
0x40b: {  	v1 =	vadd.f32 v50, v51;
	v54 =	vld [tilespmem:s23+$0x13100]  }
0x40c: {  	v43 =	vmul.f32 v43, v36;
	v2 =	vadd.f32 v44, v2;
	v57 =	vld [tilespmem:s23+$0x13180]  }
.Ltmp1:
0x40d: {  	v1 =	vsub.f32 v1, v29;
	v50 =	vld [tilespmem:s23+$0x13200];
	(pc) =	sbr.rel @p0 .LBB2_5-.Ltmp1, $4  }
0x40e: {  	v44 =	vadd.f32 v46, v45;
	v45 =	vmul.f32 v43, v39;
	v2 =	vsub.f32 v2, v25;
	v51 =	vld [tilespmem:s23+$0x13280]  }
0x40f: {  	v1 =	vmul.f32 v1, v19;
	v43 =	vld [tilespmem:s11+$0x5000]  }
0x410: {  	v56 =	vadd.f32 v49, v44;
	v55 =	vadd.f32 v45, v40;
	v52 =	vmul.f32 v2, v20;
	v44 =	vld [tilespmem:s11+$0xD000]  }
0x411: {  	s21 =	sadd.s32 $0x20, s21;
	v54 =	vadd.f32 v54, v0;
	v49 =	vmul.f32 v1, v30;
	v53 =	vadd.f32 v57, v53;
	v45 =	vld [tilespmem:s11+$0x11000]  }
0x412: {  	v0 =	vsub.f32 v56, v31;
	_ =	sdelay $0x1  }
0x413: {  	v0 =	vmul.f32 v0, v32;
	_ =	sdelay $0x1  }
0x414: {  	v0 =	vmul.f32 v0, v38;
	_ =	sdelay $0x1  }
0x415: {  	[tilespmem:s4+$0x19000] =	vst v55;
	v0 =	vadd.f32 v0, v37  }
0x416: {  	v1 =	vld [tilespmem:s24+$0x13000]  }
0x417: {  	v2 =	vld [tilespmem:s24+$0x13080];
	[tilespmem:s0+$0x19000] =	vst v0  }
0x418: {  	v0 =	vld [tilespmem:s20+$0x5000]  }
0x419: {  	v6 =	vld [tilespmem:s20+$0xD000]  }
0x41a: {  	v7 =	vld [tilespmem:s24+$0x7000]  }
0x41b: {  	v8 =	vld [tilespmem:s20+$0x11000]  }
0x41c: {  	v9 =	vld [tilespmem:s24+$0xF000]  }
0x41d: {  	v10 =	vld [tilespmem:s24+$0x7080]  }
0x41e: {  	v11 =	vld [tilespmem:s24+$0xF080];
	v0 =	vadd.f32 v6, v0  }
0x41f: {  	v56 =	vld [tilespmem:s24+$0x7100]  }
0x420: {  	v12 =	vld [tilespmem:s24+$0xF100];
	v0 =	vadd.f32 v8, v0  }
0x421: {  	v57 =	vld [tilespmem:s24+$0x7180]  }
0x422: {  	v14 =	vld [tilespmem:s24+$0x7200];
	v0 =	vsub.f32 v0, v35  }
0x423: {  	v15 =	vld [tilespmem:s24+$0xF200]  }
0x424: {  	v13 =	vld [tilespmem:s24+$0xF180];
	v0 =	vmul.f32 v0, v36  }
0x425: {  	v60 =	vld [tilespmem:s24+$0x13200]  }
0x426: {  	v46 =	vadd.f32 v50, v47;
	v16 =	vld [tilespmem:s24+$0x7280];
	v47 =	vadd.f32 v51, v48;
	v0 =	vmul.f32 v0, v38  }
0x427: {  	v17 =	vld [tilespmem:s24+$0xF280];
	v7 =	vadd.f32 v9, v7;
	v63 =	vadd.f32 v11, v10  }
0x428: {  	v58 =	vld [tilespmem:s24+$0x13100];
	v51 =	vadd.f32 v15, v14;
	v0 =	vadd.f32 v0, v37  }
0x429: {  	v59 =	vld [tilespmem:s24+$0x13180];
	v1 =	vadd.f32 v1, v7  }
0x42a: {  	v61 =	vld [tilespmem:s24+$0x13280];
	v2 =	vadd.f32 v2, v63;
	v7 =	vadd.f32 v60, v51;
	[tilespmem:s20+$0x19000] =	vst v0  }
0x42b: {  	v60 =	vsub.f32 v54, v22;
	v63 =	vsub.f32 v53, v23;
	v0 =	vld [tilespmem:s25+$0x7000]  }
0x42c: {  	v51 =	vadd.f32 v49, v5;
	v1 =	vsub.f32 v1, v29;
	v62 =	vld [tilespmem:s25+$0xF000]  }
0x42d: {  	v32 =	vmul.f32 v63, v21;
	v2 =	vsub.f32 v2, v25;
	v7 =	vsub.f32 v7, v27;
	v10 =	vld [tilespmem:s25+$0x7080]  }
0x42e: {  	v6 =	vadd.f32 v12, v56;
	v56 =	vadd.f32 v17, v16;
	v50 =	vld [tilespmem:s25+$0xF080]  }
0x42f: {  	v32 =	vmul.f32 v32, v30;
	v1 =	vmul.f32 v1, v19;
	v8 =	vadd.f32 v13, v57;
	v55 =	vld [tilespmem:s25+$0x7100]  }
0x430: {  	v2 =	vmul.f32 v2, v20;
	v6 =	vadd.f32 v58, v6;
	v9 =	vadd.f32 v61, v56;
	v57 =	vld [tilespmem:s25+$0xF100]  }
0x431: {  	v7 =	vmul.f32 v7, v24;
	v16 =	vmul.f32 v60, v18;
	v8 =	vadd.f32 v59, v8;
	v58 =	vld [tilespmem:s25+$0x7180]  }
0x432: {  	v1 =	vmul.f32 v1, v39;
	v6 =	vsub.f32 v6, v22;
	v9 =	vsub.f32 v9, v28;
	v59 =	vld [tilespmem:s25+$0xF180]  }
0x433: {  	v2 =	vmul.f32 v2, v39;
	v7 =	vmul.f32 v7, v39;
	v8 =	vsub.f32 v8, v23;
	v61 =	vld [tilespmem:s25+$0x7200]  }
0x434: {  	v32 =	vadd.f32 v32, v5;
	v6 =	vmul.f32 v6, v18;
	v9 =	vmul.f32 v9, v26;
	v48 =	vld [tilespmem:s25+$0xF200]  }
0x435: {  	v16 =	vmul.f32 v16, v30;
	v1 =	vadd.f32 v1, v40;
	v8 =	vmul.f32 v8, v21;
	v53 =	vld [tilespmem:s25+$0x7280]  }
0x436: {  	v2 =	vadd.f32 v2, v40;
	v6 =	vmul.f32 v6, v39;
	v9 =	vmul.f32 v9, v39;
	v54 =	vld [tilespmem:s25+$0xF280]  }
0x437: {  	v7 =	vadd.f32 v7, v40;
	v16 =	vadd.f32 v16, v5;
	v8 =	vmul.f32 v8, v39;
	v56 =	vld [tilespmem:s25+$0x13080]  }
0x438: {  	v6 =	vadd.f32 v6, v40;
	v9 =	vadd.f32 v9, v40;
	v60 =	vld [tilespmem:s25+$0x13280]  }
0x439: {  	v8 =	vadd.f32 v8, v40;
	v12 =	vadd.f32 v57, v55;
	v55 =	vld [tilespmem:s25+$0x13000]  }
0x43a: {  	v0 =	vadd.f32 v62, v0;
	v10 =	vadd.f32 v50, v10;
	v57 =	vld [tilespmem:s25+$0x13100]  }
0x43b: {  	v50 =	vsub.f32 v46, v27;
	v14 =	vadd.f32 v59, v58;
	v58 =	vld [tilespmem:s25+$0x13180]  }
0x43c: {  	[tilespmem:s23+$0x1B000] =	vst v51;
	v62 =	vmul.f32 v52, v30;
	v52 =	vsub.f32 v47, v28;
	v13 =	vadd.f32 v54, v53;
	v59 =	vld [tilespmem:s25+$0x13200]  }
0x43d: {  	[tilespmem:s23+$0x1B180] =	vst v32;
	v11 =	vadd.f32 v48, v61;
	v10 =	vadd.f32 v56, v10  }
0x43e: {  	[tilespmem:s23+$0x1B100] =	vst v16;
	v35 =	vmul.f32 v50, v24;
	v31 =	vadd.f32 v62, v5;
	v16 =	vadd.f32 v60, v13  }
0x43f: {  	[tilespmem:s24+$0x1B000] =	vst v1;
	v46 =	vmul.f32 v52, v26;
	v10 =	vsub.f32 v10, v25;
	v0 =	vadd.f32 v55, v0  }
0x440: {  	[tilespmem:s24+$0x1B080] =	vst v2;
	v35 =	vmul.f32 v35, v30;
	v12 =	vadd.f32 v57, v12;
	v14 =	vadd.f32 v58, v14  }
0x441: {  	[tilespmem:s24+$0x1B200] =	vst v7;
	v61 =	vadd.f32 v59, v11;
	v63 =	vmul.f32 v10, v20;
	v20 =	vsub.f32 v16, v28  }
0x442: {  	[tilespmem:s24+$0x1B100] =	vst v6;
	v46 =	vmul.f32 v46, v30;
	v35 =	vadd.f32 v35, v5;
	v0 =	vsub.f32 v0, v29  }
0x443: {  	[tilespmem:s24+$0x1B280] =	vst v9;
	v62 =	vsub.f32 v12, v22;
	v2 =	vmul.f32 v63, v38;
	v22 =	vmul.f32 v20, v26  }
0x444: {  	[tilespmem:s24+$0x1B180] =	vst v8;
	v17 =	vsub.f32 v14, v23;
	v1 =	vsub.f32 v61, v27;
	v0 =	vmul.f32 v0, v19  }
0x445: {  	[tilespmem:s23+$0x1B080] =	vst v31;
	v19 =	vmul.f32 v62, v18;
	v2 =	vadd.f32 v2, v37;
	v28 =	vmul.f32 v22, v38  }
0x446: {  	v46 =	vadd.f32 v46, v5;
	[tilespmem:s23+$0x1B200] =	vst v35;
	v21 =	vmul.f32 v17, v21;
	v0 =	vmul.f32 v0, v38  }
0x447: {  	s28 =	sor.u32 $0x2300, s26;
	v1 =	vmul.f32 v1, v24;
	v6 =	vmul.f32 v19, v38;
	[tilespmem:s25+$0x1B080] =	vst v2;
	v2 =	vadd.f32 v28, v37  }
0x448: {  	v31 =	vld [tilespmem:s28+$0xD000];
	[tilespmem:s23+$0x1B280] =	vst v46;
	v23 =	vmul.f32 v21, v38;
	v0 =	vadd.f32 v0, v37  }
0x449: {  	v27 =	vld [tilespmem:s28+$0x5000];
	v25 =	vmul.f32 v1, v38;
	v26 =	vadd.f32 v6, v37;
	[tilespmem:s25+$0x1B280] =	vst v2  }
0x44a: {  	v35 =	vld [tilespmem:s28+$0x11000];
	v29 =	vadd.f32 v23, v37;
	[tilespmem:s25+$0x1B000] =	vst v0  }
0x44b: {  	v24 =	vld [tilespmem:s30+$0x5000];
	v0 =	vadd.f32 v25, v37;
	[tilespmem:s25+$0x1B100] =	vst v26  }
0x44c: {  	v32 =	vld [tilespmem:s30+$0xD000];
	[tilespmem:s25+$0x1B180] =	vst v29  }
0x44d: {  	v36 =	vld [tilespmem:s30+$0x11000];
	[tilespmem:s25+$0x1B200] =	vst v0  }
0x44e: {  	v2 =	vld [tilespmem:s7+$0x5000]  }
0x44f: {  	v6 =	vadd.f32 v31, v27;
	v46 =	vld [tilespmem:s7+$0xD000];
	_ =	sdelay $0x1  }
0x450: {  	v6 =	vadd.f32 v35, v6;
	v47 =	vld [tilespmem:s7+$0x11000]  }
0x451: {  	v1 =	vadd.f32 v32, v24  }
0x452: {  	v6 =	vsub.f32 v6, v33  }
0x453: {  	v0 =	vadd.f32 v36, v1;
	v48 =	vadd.f32 v46, v2  }
0x454: {  	v49 =	vmul.f32 v6, v34  }
0x455: {  	v0 =	vsub.f32 v0, v33;
	v1 =	vadd.f32 v47, v48  }
0x456: {  	v2 =	vmul.f32 v49, v39  }
0x457: {  	v0 =	vmul.f32 v0, v34;
	v1 =	vsub.f32 v1, v33  }
0x458: {  	v2 =	vadd.f32 v2, v40  }
0x459: {  	v0 =	vmul.f32 v0, v30;
	v1 =	vmul.f32 v1, v34  }
0x45a: {  	s29 =	sor.u32 $0x2380, s26;
	[tilespmem:s28+$0x19000] =	vst v2  }
0x45b: {  	v0 =	vadd.f32 v0, v5;
	v2 =	vld [tilespmem:s29+$0x5000];
	v1 =	vmul.f32 v1, v38  }
0x45c: {  	v50 =	vld [tilespmem:s29+$0xD000]  }
0x45d: {  	[tilespmem:s30+$0x19000] =	vst v0;
	v51 =	vld [tilespmem:s29+$0x11000];
	v1 =	vadd.f32 v1, v37  }
0x45e: {  	v52 =	vld [tilespmem:s12+$0x5000]  }
0x45f: {  	v53 =	vld [tilespmem:s12+$0xD000];
	[tilespmem:s7+$0x19000] =	vst v1  }
0x460: {  	v1 =	vld [tilespmem:s13+$0x5000]  }
0x461: {  	v56 =	vadd.f32 v44, v43;
	v54 =	vld [tilespmem:s13+$0xD000]  }
0x462: {  	v55 =	vld [tilespmem:s12+$0x11000];
	v2 =	vadd.f32 v50, v2  }
0x463: {  	v58 =	vadd.f32 v45, v56;
	v57 =	vld [tilespmem:s13+$0x11000]  }
0x464: {  	v0 =	vadd.f32 v51, v2  }
0x465: {  	v59 =	vsub.f32 v58, v41;
	v7 =	vadd.f32 v53, v52  }
0x466: {  	v0 =	vsub.f32 v0, v41;
	v1 =	vadd.f32 v54, v1  }
0x467: {  	v60 =	vadd.f32 v55, v7;
	v2 =	vmul.f32 v59, v42  }
0x468: {  	v0 =	vmul.f32 v0, v42;
	v1 =	vadd.f32 v57, v1  }
0x469: {  	v6 =	vsub.f32 v60, v41;
	v2 =	vmul.f32 v2, v3  }
0x46a: {  	v0 =	vmul.f32 v0, v39;
	v1 =	vsub.f32 v1, v41  }
0x46b: {  	v61 =	vmul.f32 v6, v42;
	v2 =	vadd.f32 v2, v4  }
0x46c: {  	v0 =	vadd.f32 v0, v40;
	v1 =	vmul.f32 v1, v42  }
0x46d: {  	s6 =	sadd.s32 $0x1, s6;
	v3 =	vmul.f32 v61, v30;
	[tilespmem:s11+$0x19000] =	vst v2  }
0x46e: {  	p0 =	sne.s32 s6, $0x20;
	[tilespmem:s29+$0x19000] =	vst v0;
	v1 =	vmul.f32 v1, v38  }
.Ltmp2:
0x46f: {  	v62 =	vadd.f32 v3, v5;
	s0 =	rddreg [dreg:$0x8];
	(pc) =	sbr.rel @p0 .LBB2_2-.Ltmp2, $4  }
0x470: {  	s0 =	sadd.s32 s0, s22;
	v63 =	vadd.f32 v1, v37  }
0x471: {  	s1 =	rddreg [dreg:$0x6];
	[tilespmem:s12+$0x19000] =	vst v62;
	s0 =	sshll.u32 s0, $0x7  }
0x472: {  	s30 =	simm.s32 $0x19000;
	s0 =	sadd.s32 s1, s0;
	[tilespmem:s13+$0x19000] =	vst v63  }
0x473: {  	[hbm4b:s0+s8] =	stream.linear.scatter [tilespmem:s30], [sflag:$0x6], $0x4000, $0x38;
	[tilespmem:$0x1D800] =	vst v63  }
0x474: {  	s0 =	simm.s32 $0x5  }
0x475: {  	_ =	swait.ge [sflag:s0], $0x4000  }
0x476: {  	[sflag:s0] =	ssyncset.done $0x0  }
0x477: {  	s1 =	simm.s32 $0x6;
	[sflag:s0] =	ssyncadd.s32 $0xFFFFC000  }
0x478: {  	_ =	swait.ge [sflag:s1], $0x4000  }
0x479: {  	s2 =	rddreg [dreg:$0xe]  }
0x47a: {  	s30 =	rddreg [dreg:$0xd];
	s2 =	sadd.s32 $0x1, s2  }
0x47b: {  	p0 =	sne.s32 s2, s30  }
.Ltmp3:
0x47c: {  	_ = 	snop;
	(pc) =	sbr.rel @p0 .LBB2_1-.Ltmp3, $3  }
0x47d: {  	_ =	sdelay $0x1  }
0x47e: {  	[sflag:s1] =	ssyncset.done $0x0  }
0x47f: {  	[sflag:s1] =	ssyncadd.s32 $0xFFFFC000  }
0x480: {  	_ =	sfence.sel $0x180000  }
0x481: {  	[bflag:$0x0] =	sbarrier.arrive $0xFFFF  }
0x482: {  	_ =	strace $0x90000047  }
0x483: {  	s0 =	stileid.u32;
	[bflag:$0x2] =	sbarrier.arrive $0xFFFF  }
0x484: {  	p0 =	sne.s32 s0, $0x0;
	s0 =	rddreg [dreg:$0x7]  }
0x485: {  	s0 =	sadd.s32 @!p0 $0x100000, s0  }
0x486: {  	[sflag:s0] =	ssyncadd.tile.s32 @!p0 $0x1;
	_ =	shalt  }
.Lfunc_end2:
_tile_overlayer_lowered:
.L_overlay_start_2:
0x487: {  	(tag) =	ssettag $0x2  }
0x488: {  	s0 =	rddreg [dreg:$0x0];
	s2 =	stileid.u32  }
0x489: {  	s1 =	rddreg [dreg:$0x1];
	p0 =	sne.s32 s2, $0x0  }
0x48a: {  	s3 =	rddreg [dreg:$0x2];
	[bflag:$0x3] =	sbarrier.arrive $0xFFFF;
	s2 =	simm.s32 @!p0 $0x1C08  }
0x48b: {  	[timem:s3], [sflag:s2] =	dma.local @!p0 [hbm:s0], s1  }
0x48c: {  	s0 =	simm.s32 @!p0 $0x8  }
0x48d: {  	_ =	swait.ge @!p0 [sflag:s0], s1  }
0x48e: {  	s1 =	ssub.s32 @!p0 $0x0, s1;
	[sflag:s0] =	ssyncset.done @!p0 $0x0  }
0x48f: {  	[sflag:s0] =	ssyncadd.s32 @!p0 s1  }
0x490: {  	[bflag:$0x3] =	sbarrier.arrive $0xFFFF  }
0x491: {  	_ =	shalt  }

</sc_bundles>
